<compile_context>
chip_gen: v7x
topology: tpu7x:2x2x1
jax: 0.10.2.dev20260603
libtpu: 0.0.44.dev20260713+nightly
codegen_flags: <defaults>
</compile_context>

<pallas_src>
import functools

import jax
import jax.numpy as jnp
from jax import lax
from jax.experimental import pallas as pl
from jax.experimental.pallas import tpu as pltpu
from jax.experimental.pallas import tpu_sc as plsc

N = 10000
E = 320000
D = 128
R = 8

NC = 2
NS = 16
NW = NC * NS
L = 16

C = 256
EW = ((E + NW - 1) // NW + C - 1) // C * C
E_PAD = EW * NW
NCHUNK = EW // C

CE = 64
NCHUNK_E = EW // CE

RN = R * N
RNP = ((RN + N) + NS * L - 1) // (NS * L) * (NS * L)
CNT_PT = RNP // NS

RPT8 = (N // NS) // 8 * 8
TAIL = N - RPT8 * NS

_mesh = plsc.VectorSubcoreMesh(core_axis_name="c", subcore_axis_name="s")


@functools.partial(
    pl.kernel,
    out_type=(
        jax.ShapeDtypeStruct((E_PAD,), jnp.int32),
        jax.ShapeDtypeStruct((E_PAD,), jnp.int32),
        jax.ShapeDtypeStruct((NC, RNP), jnp.float32),
    ),
    mesh=_mesh,
    scratch_types=[
        pltpu.VMEM((C,), jnp.int32),
        pltpu.VMEM((C,), jnp.int32),
        pltpu.VMEM((C,), jnp.int32),
        pltpu.VMEM((C,), jnp.int32),
        pltpu.VMEM((C,), jnp.int32),
        pltpu.VMEM((C,), jnp.float32),
        pltpu.VMEM((CNT_PT,), jnp.float32),
        pltpu.VMEM_SHARED((RNP,), jnp.float32),
    ],
)
def _sc_precompute(src_hbm, dst_hbm, et_hbm, gidx_hbm, sidx_hbm, cnt_hbm,
                   sv, dv, tv, gv, siv, onesv, zv, cnt_sh):
    cid = lax.axis_index("c")
    sid = lax.axis_index("s")
    wid = sid * NC + cid
    base = wid * EW

    for j in range(C // L):
        onesv[pl.ds(j * L, L)] = jnp.ones((L,), jnp.float32)

    def _zb(j, _):
        zv[pl.ds(j * L, L)] = jnp.zeros((L,), jnp.float32)
        return ()
    lax.fori_loop(0, CNT_PT // L, _zb, ())
    pltpu.sync_copy(zv, cnt_sh.at[pl.ds(sid * CNT_PT, CNT_PT)])
    plsc.subcore_barrier()

    def chunk_body(ci, _):
        off = base + ci * C
        pltpu.sync_copy(src_hbm.at[pl.ds(off, C)], sv)
        pltpu.sync_copy(dst_hbm.at[pl.ds(off, C)], dv)
        pltpu.sync_copy(et_hbm.at[pl.ds(off, C)], tv)
        for g in range(C // L):
            sl = pl.ds(g * L, L)
            tn = tv[sl] * N
            gv[sl] = tn + sv[sl]
            siv[sl] = tn + dv[sl]
        pltpu.sync_copy(gv, gidx_hbm.at[pl.ds(off, C)])
        pltpu.sync_copy(siv, sidx_hbm.at[pl.ds(off, C)])
        pltpu.sync_copy(onesv, cnt_sh.at[siv], add=True)
        return ()

    lax.fori_loop(0, NCHUNK, chunk_body, ())
    plsc.subcore_barrier()
    pltpu.sync_copy(cnt_sh.at[pl.ds(sid * CNT_PT, CNT_PT)],
                    cnt_hbm.at[cid, pl.ds(sid * CNT_PT, CNT_PT)])


_INVB = 8192


def _tc_inv_body(cnt_ref, out_ref):
    i = pl.program_id(0)
    col = lax.broadcasted_iota(jnp.int32, (1, _INVB), 1) + i * _INVB
    c = cnt_ref[0:1, :] + cnt_ref[1:2, :]
    inv = 1.0 / jnp.maximum(c, 1.0)
    out_ref[...] = jnp.where(col < RN, inv, 0.0)


def _tc_inv(cnt2):
    return pl.pallas_call(
        _tc_inv_body,
        grid=(RNP // _INVB,),
        in_specs=[pl.BlockSpec((NC, _INVB), lambda i: (0, i))],
        out_specs=pl.BlockSpec((1, _INVB), lambda i: (0, i)),
        out_shape=jax.ShapeDtypeStruct((1, RNP), jnp.float32),
    )(cnt2)


_BN = 400
_NB = N // _BN


def _tc_matmul_body(x_ref, w_ref, xall_ref, rh_ref):
    r = pl.program_id(1)
    prod = jnp.dot(x_ref[...], w_ref[0], preferred_element_type=jnp.float32)
    xall_ref[...] = prod

    @pl.when(r == R)
    def _():
        rh_ref[...] = prod * 0.5


def _tc_matmul(x, wcat):
    return pl.pallas_call(
        _tc_matmul_body,
        grid=(_NB, R + 1),
        in_specs=[
            pl.BlockSpec((_BN, D), lambda i, r: (i, 0)),
            pl.BlockSpec((1, D, D), lambda i, r: (r, 0, 0)),
        ],
        out_specs=[
            pl.BlockSpec((_BN, D), lambda i, r: (r * _NB + i, 0)),
            pl.BlockSpec((_BN, D), lambda i, r: (i, 0)),
        ],
        out_shape=[
            jax.ShapeDtypeStruct(((R + 1) * N, D), jnp.float32),
            jax.ShapeDtypeStruct((N, D), jnp.float32),
        ],
    )(x, wcat)


@functools.partial(
    pl.kernel,
    out_type=jax.ShapeDtypeStruct((E_PAD,), jnp.float32),
    mesh=_mesh,
    scratch_types=[
        pltpu.VMEM((EW,), jnp.int32),
        pltpu.VMEM((EW,), jnp.float32),
        pltpu.SemaphoreType.DMA,
    ],
)
def _sc_inve(invt_hbm, sidx_hbm, inve_hbm, siv, iv, sem):
    cid = lax.axis_index("c")
    sid = lax.axis_index("s")
    wid = sid * NC + cid
    base = wid * EW
    pltpu.sync_copy(sidx_hbm.at[pl.ds(base, EW)], siv)
    pltpu.async_copy(invt_hbm.at[siv], iv, sem).wait()
    pltpu.sync_copy(iv, inve_hbm.at[pl.ds(base, EW)])


@functools.partial(
    pl.kernel,
    out_type=jax.ShapeDtypeStruct((NC, N, D), jnp.float32),
    mesh=_mesh,
    scratch_types=[
        pltpu.VMEM((EW,), jnp.int32),
        pltpu.VMEM((EW,), jnp.int32),
        pltpu.VMEM((EW,), jnp.float32),
        pltpu.VMEM((CE, D), jnp.float32),
        pltpu.VMEM((CE, D), jnp.float32),
        pltpu.VMEM_SHARED((N, D), jnp.float32),
        pltpu.SemaphoreType.DMA,
        pltpu.SemaphoreType.DMA,
    ],
)
def _sc_edge(xall_hbm, gidx_hbm, dst_hbm, inve_hbm, rh_hbm, acc_hbm,
             gvall, dvall, ivall, rows0, rows1, acc_sh, sem0, sem1):
    cid = lax.axis_index("c")
    sid = lax.axis_index("s")
    wid = sid * NC + cid
    base = wid * EW

    pltpu.sync_copy(gidx_hbm.at[pl.ds(base, EW)], gvall)
    pltpu.sync_copy(dst_hbm.at[pl.ds(base, EW)], dvall)
    pltpu.sync_copy(inve_hbm.at[pl.ds(base, EW)], ivall)

    pltpu.sync_copy(rh_hbm.at[pl.ds(sid * RPT8, RPT8)],
                    acc_sh.at[pl.ds(sid * RPT8, RPT8)])

    @pl.when(sid == 0)
    def _():
        pltpu.sync_copy(rh_hbm.at[pl.ds(NS * RPT8, TAIL)],
                        acc_sh.at[pl.ds(NS * RPT8, TAIL)])

    plsc.subcore_barrier()

    def _gather(ci, rows, sem):
        return pltpu.async_copy(
            xall_hbm.at[gvall.at[pl.ds(ci * CE, CE)]], rows, sem)

    def _process(ci, rows):
        off = ci * CE

        def scale_body(g, _):
            sv = ivall[pl.ds(off + g * L, L)]
            for k in range(L):
                s = sv[k]
                e = g * L + k
                for j in range(D // L):
                    sl = pl.ds(j * L, L)
                    rows[e, sl] = rows[e, sl] * s
            return ()

        del scale_body
        pltpu.sync_copy(rows, acc_sh.at[dvall.at[pl.ds(off, CE)]], add=True)

    _gather(0, rows0, sem0)

    def pair_body(i, _):
        c0 = 2 * i
        _gather(c0 + 1, rows1, sem1)
        pltpu.make_async_copy(
            xall_hbm.at[gvall.at[pl.ds(c0 * CE, CE)]], rows0, sem0).wait()
        _process(c0, rows0)
        _gather(jnp.minimum(c0 + 2, NCHUNK_E - 1), rows0, sem0)
        pltpu.make_async_copy(
            xall_hbm.at[gvall.at[pl.ds((c0 + 1) * CE, CE)]], rows1, sem1).wait()
        _process(c0 + 1, rows1)
        return ()

    lax.fori_loop(0, NCHUNK_E // 2, pair_body, ())
    pltpu.make_async_copy(
        xall_hbm.at[gvall.at[pl.ds((NCHUNK_E - 1) * CE, CE)]], rows0, sem0).wait()

    plsc.subcore_barrier()
    pltpu.sync_copy(acc_sh.at[pl.ds(sid * RPT8, RPT8)],
                    acc_hbm.at[cid, pl.ds(sid * RPT8, RPT8)])

    @pl.when(sid == 0)
    def _():
        pltpu.sync_copy(acc_sh.at[pl.ds(NS * RPT8, TAIL)],
                        acc_hbm.at[cid, pl.ds(NS * RPT8, TAIL)])


def _tc_combine_body(acc_ref, b_ref, h_ref):
    a = acc_ref[0] + acc_ref[1] + b_ref[0]
    h_ref[...] = jnp.maximum(a, 0.0)


def _tc_combine(accs, b):
    return pl.pallas_call(
        _tc_combine_body,
        grid=(_NB,),
        in_specs=[
            pl.BlockSpec((NC, _BN, D), lambda i: (0, i, 0)),
            pl.BlockSpec((1, D), lambda i: (0, 0)),
        ],
        out_specs=pl.BlockSpec((_BN, D), lambda i: (i, 0)),
        out_shape=jax.ShapeDtypeStruct((N, D), jnp.float32),
    )(accs, b.reshape(1, D))


def _tc_final_body(acc_ref, b_ref, wout_ref, bout_ref, out_ref):
    a = acc_ref[0] + acc_ref[1] + b_ref[0]
    h = jnp.maximum(a, 0.0)
    out_ref[...] = (jnp.dot(h, wout_ref[...], preferred_element_type=jnp.float32)
                    + bout_ref[0, 0])


def _tc_final(accs, b, wout, bout):
    return pl.pallas_call(
        _tc_final_body,
        grid=(_NB,),
        in_specs=[
            pl.BlockSpec((NC, _BN, D), lambda i: (0, i, 0)),
            pl.BlockSpec((1, D), lambda i: (0, 0)),
            pl.BlockSpec((D, 1), lambda i: (0, 0)),
            pl.BlockSpec((1, 1), lambda i: (0, 0)),
        ],
        out_specs=pl.BlockSpec((_BN, 1), lambda i: (i, 0)),
        out_shape=jax.ShapeDtypeStruct((N, 1), jnp.float32),
    )(accs, b.reshape(1, D), wout, bout.reshape(1, 1))


def kernel(x, edge_index, edge_type, W0, root0, b0, W1, root1, b1, Wout, bout):
    pad = E_PAD - E
    src_p = jnp.concatenate([edge_index[0], jnp.zeros((pad,), jnp.int32)])
    dst_p = jnp.concatenate([edge_index[1], jnp.zeros((pad,), jnp.int32)])
    et_p = jnp.concatenate([edge_type, jnp.full((pad,), R, jnp.int32)])

    gidx, sidx, cnt2 = _sc_precompute(src_p, dst_p, et_p)
    invt = _tc_inv(cnt2).reshape(RNP)
    inv_e = _sc_inve(invt, sidx)

    wcat0 = jnp.concatenate([W0, root0[None]], axis=0)
    wcat1 = jnp.concatenate([W1, root1[None]], axis=0)

    xall0, rh0 = _tc_matmul(x, wcat0)
    accs0 = _sc_edge(xall0, gidx, dst_p, inv_e, rh0)
    h1 = _tc_combine(accs0, b0)

    xall1, rh1 = _tc_matmul(h1, wcat1)
    accs1 = _sc_edge(xall1, gidx, dst_p, inv_e, rh1)
    out2d = _tc_final(accs1, b1, Wout, bout)
    return out2d.reshape(N)

# --- scband reference (transcript-rebuilt; emitter-appended) ---
"""Pipeline reference for scband-rgcnregression-13597866459798 (READ-ONLY COPY).

The authoritative reference and input builder live on the scoring server;
editing this copy changes nothing except your own understanding.
"""

import jax, jax.numpy as jnp
import numpy as np

N = 10000
E = 320000
D_IN = 128
D_HID = 128
R = 8


def setup_inputs(seed: int = 0) -> dict:
    key = jax.random.key(seed)
    ks = jax.random.split(key, 12)
    x = jax.random.normal(ks[0], (N, D_IN), dtype=jnp.float32)
    edge_index = jax.random.randint(ks[1], (2, E), 0, N, dtype=jnp.int32)
    edge_type = jax.random.randint(ks[2], (E,), 0, R, dtype=jnp.int32)
    # layer 0 params (RGCNConv in->hidden)
    W0 = jax.random.normal(ks[3], (R, D_IN, D_HID), dtype=jnp.float32) / np.sqrt(D_IN)
    root0 = jax.random.normal(ks[4], (D_IN, D_HID), dtype=jnp.float32) / np.sqrt(D_IN)
    b0 = jnp.zeros((D_HID,), dtype=jnp.float32)
    # layer 1 params (RGCNConv hidden->hidden)
    W1 = jax.random.normal(ks[5], (R, D_HID, D_HID), dtype=jnp.float32) / np.sqrt(D_HID)
    root1 = jax.random.normal(ks[6], (D_HID, D_HID), dtype=jnp.float32) / np.sqrt(D_HID)
    b1 = jnp.zeros((D_HID,), dtype=jnp.float32)
    # output linear hidden->1
    Wout = jax.random.normal(ks[7], (D_HID, 1), dtype=jnp.float32) / np.sqrt(D_HID)
    bout = jnp.zeros((1,), dtype=jnp.float32)
    return {"x": x, "edge_index": edge_index, "edge_type": edge_type,
            "W0": W0, "root0": root0, "b0": b0,
            "W1": W1, "root1": root1, "b1": b1,
            "Wout": Wout, "bout": bout}


def _rgcn_conv(x, src, dst, edge_type, W, root, b):
    # PyG RGCNConv with aggr='mean': per-relation mean over incoming edges, summed over relations,
    # plus root weight and bias.
    n = x.shape[0]
    out = jnp.zeros((n, W.shape[2]), dtype=x.dtype)
    for r in range(R):
        xr = x @ W[r]                                  # [N, out]
        mask = (edge_type == r)
        msg = jnp.where(mask[:, None], jnp.take(xr, src, axis=0), 0.0)  # [E, out]
        s = jax.ops.segment_sum(msg, dst, num_segments=n)               # scatter-add
        cnt = jax.ops.segment_sum(mask.astype(x.dtype), dst, num_segments=n)
        out = out + s / jnp.maximum(cnt, 1.0)[:, None]
    return out + x @ root + b


def reference(x, edge_index, edge_type, W0, root0, b0, W1, root1, b1, Wout, bout):
    src = edge_index[0]
    dst = edge_index[1]
    h = _rgcn_conv(x, src, dst, edge_type, W0, root0, b0)
    h = jax.nn.relu(h)
    # dropout: identity in eval mode
    h = _rgcn_conv(h, src, dst, edge_type, W1, root1, b1)
    h = jax.nn.relu(h)
    out = h @ Wout + bout
    return jnp.squeeze(out, axis=-1)

if __name__ == "__main__":
    import jax
    _d = setup_inputs()
    print(jax.jit(kernel)(*tuple(_d.values())))

</pallas_src>

<mosaic_0001>
#map = affine_map<(d0, d1) -> (0)>
#map1 = affine_map<(d0, d1) -> (0, 0)>
module attributes {stable_mosaic.version = 14 : i64} {
  func.func @_sc_precompute(%arg0: i32, %arg1: i32, %arg2: memref<327680xi32, #tpu.memory_space<hbm>>, %arg3: memref<327680xi32, #tpu.memory_space<hbm>>, %arg4: memref<327680xi32, #tpu.memory_space<hbm>>, %arg5: memref<327680xi32, #tpu.memory_space<hbm>>, %arg6: memref<327680xi32, #tpu.memory_space<hbm>>, %arg7: memref<2x90112xf32, #tpu.memory_space<hbm>>, %arg8: memref<256xi32, #tpu.memory_space<vmem>>, %arg9: memref<256xi32, #tpu.memory_space<vmem>>, %arg10: memref<256xi32, #tpu.memory_space<vmem>>, %arg11: memref<256xi32, #tpu.memory_space<vmem>>, %arg12: memref<256xi32, #tpu.memory_space<vmem>>, %arg13: memref<256xf32, #tpu.memory_space<vmem>>, %arg14: memref<5632xf32, #tpu.memory_space<vmem>>, %arg15: memref<90112xf32, #tpu.memory_space<vmem_shared>>) attributes {dimension_semantics = [#tpu.dimension_semantics<core_parallel>, #tpu.dimension_semantics<subcore_parallel>], iteration_bounds = array<i64: 2, 16>, scalar_prefetch = 0 : i64, scratch_operands = 8 : i64, tpu.core_type = #tpu.core_type<sc_vector_subcore>, window_params = [{transform_indices = #map}, {transform_indices = #map}, {transform_indices = #map}, {transform_indices = #map}, {transform_indices = #map}, {transform_indices = #map1}]} {
    %mul3A = arith.constant 2 : i32
    %mul3A_0 = arith.muli %arg1, %mul3A : i32
    %add3A = arith.addi %mul3A_0, %arg0 : i32
    %mul3A_1 = arith.constant 10240 : i32
    %mul3A_2 = arith.muli %add3A, %mul3A_1 : i32
    %broadcast_in_dim3A = arith.constant 1.000000e+00 : f32
    %broadcast_in_dim3A_3 = vector.broadcast %broadcast_in_dim3A : f32 to vector<16xf32>
    %swap3A = arith.constant 0 : index
    %swap3A_4 = tpu.vector_load %arg13[%swap3A] {strides = array<i32>} : memref<256xf32, #tpu.memory_space<vmem>>, vector<16xf32>,
    %swap3A_5 = vector.shape_cast %swap3A_4 : vector<16xf32> to vector<16xf32>
    %swap3A_6 = vector.shape_cast %broadcast_in_dim3A_3 : vector<16xf32> to vector<16xf32>
    tpu.vector_store %arg13[%swap3A], %swap3A_6 {strides = array<i32>} : memref<256xf32, #tpu.memory_space<vmem>>, vector<16xf32>,
    %broadcast_in_dim3A_7 = arith.constant 1.000000e+00 : f32
    %broadcast_in_dim3A_8 = vector.broadcast %broadcast_in_dim3A_7 : f32 to vector<16xf32>
    %swap3A_9 = arith.constant 16 : index
    %swap3A_10 = tpu.vector_load %arg13[%swap3A_9] {strides = array<i32>} : memref<256xf32, #tpu.memory_space<vmem>>, vector<16xf32>,
    %swap3A_11 = vector.shape_cast %swap3A_10 : vector<16xf32> to vector<16xf32>
    %swap3A_12 = vector.shape_cast %broadcast_in_dim3A_8 : vector<16xf32> to vector<16xf32>
    tpu.vector_store %arg13[%swap3A_9], %swap3A_12 {strides = array<i32>} : memref<256xf32, #tpu.memory_space<vmem>>, vector<16xf32>,
    %broadcast_in_dim3A_13 = arith.constant 1.000000e+00 : f32
    %broadcast_in_dim3A_14 = vector.broadcast %broadcast_in_dim3A_13 : f32 to vector<16xf32>
    %swap3A_15 = arith.constant 32 : index
    %swap3A_16 = tpu.vector_load %arg13[%swap3A_15] {strides = array<i32>} : memref<256xf32, #tpu.memory_space<vmem>>, vector<16xf32>,
    %swap3A_17 = vector.shape_cast %swap3A_16 : vector<16xf32> to vector<16xf32>
    %swap3A_18 = vector.shape_cast %broadcast_in_dim3A_14 : vector<16xf32> to vector<16xf32>
    tpu.vector_store %arg13[%swap3A_15], %swap3A_18 {strides = array<i32>} : memref<256xf32, #tpu.memory_space<vmem>>, vector<16xf32>,
    %broadcast_in_dim3A_19 = arith.constant 1.000000e+00 : f32
    %broadcast_in_dim3A_20 = vector.broadcast %broadcast_in_dim3A_19 : f32 to vector<16xf32>
    %swap3A_21 = arith.constant 48 : index
    %swap3A_22 = tpu.vector_load %arg13[%swap3A_21] {strides = array<i32>} : memref<256xf32, #tpu.memory_space<vmem>>, vector<16xf32>,
    %swap3A_23 = vector.shape_cast %swap3A_22 : vector<16xf32> to vector<16xf32>
    %swap3A_24 = vector.shape_cast %broadcast_in_dim3A_20 : vector<16xf32> to vector<16xf32>
    tpu.vector_store %arg13[%swap3A_21], %swap3A_24 {strides = array<i32>} : memref<256xf32, #tpu.memory_space<vmem>>, vector<16xf32>,
    %broadcast_in_dim3A_25 = arith.constant 1.000000e+00 : f32
    %broadcast_in_dim3A_26 = vector.broadcast %broadcast_in_dim3A_25 : f32 to vector<16xf32>
    %swap3A_27 = arith.constant 64 : index
    %swap3A_28 = tpu.vector_load %arg13[%swap3A_27] {strides = array<i32>} : memref<256xf32, #tpu.memory_space<vmem>>, vector<16xf32>,
    %swap3A_29 = vector.shape_cast %swap3A_28 : vector<16xf32> to vector<16xf32>
    %swap3A_30 = vector.shape_cast %broadcast_in_dim3A_26 : vector<16xf32> to vector<16xf32>
    tpu.vector_store %arg13[%swap3A_27], %swap3A_30 {strides = array<i32>} : memref<256xf32, #tpu.memory_space<vmem>>, vector<16xf32>,
    %broadcast_in_dim3A_31 = arith.constant 1.000000e+00 : f32
    %broadcast_in_dim3A_32 = vector.broadcast %broadcast_in_dim3A_31 : f32 to vector<16xf32>
    %swap3A_33 = arith.constant 80 : index
    %swap3A_34 = tpu.vector_load %arg13[%swap3A_33] {strides = array<i32>} : memref<256xf32, #tpu.memory_space<vmem>>, vector<16xf32>,
    %swap3A_35 = vector.shape_cast %swap3A_34 : vector<16xf32> to vector<16xf32>
    %swap3A_36 = vector.shape_cast %broadcast_in_dim3A_32 : vector<16xf32> to vector<16xf32>
    tpu.vector_store %arg13[%swap3A_33], %swap3A_36 {strides = array<i32>} : memref<256xf32, #tpu.memory_space<vmem>>, vector<16xf32>,
    %broadcast_in_dim3A_37 = arith.constant 1.000000e+00 : f32
    %broadcast_in_dim3A_38 = vector.broadcast %broadcast_in_dim3A_37 : f32 to vector<16xf32>
    %swap3A_39 = arith.constant 96 : index
    %swap3A_40 = tpu.vector_load %arg13[%swap3A_39] {strides = array<i32>} : memref<256xf32, #tpu.memory_space<vmem>>, vector<16xf32>,
    %swap3A_41 = vector.shape_cast %swap3A_40 : vector<16xf32> to vector<16xf32>
    %swap3A_42 = vector.shape_cast %broadcast_in_dim3A_38 : vector<16xf32> to vector<16xf32>
    tpu.vector_store %arg13[%swap3A_39], %swap3A_42 {strides = array<i32>} : memref<256xf32, #tpu.memory_space<vmem>>, vector<16xf32>,
    %broadcast_in_dim3A_43 = arith.constant 1.000000e+00 : f32
    %broadcast_in_dim3A_44 = vector.broadcast %broadcast_in_dim3A_43 : f32 to vector<16xf32>
    %swap3A_45 = arith.constant 112 : index
    %swap3A_46 = tpu.vector_load %arg13[%swap3A_45] {strides = array<i32>} : memref<256xf32, #tpu.memory_space<vmem>>, vector<16xf32>,
    %swap3A_47 = vector.shape_cast %swap3A_46 : vector<16xf32> to vector<16xf32>
    %swap3A_48 = vector.shape_cast %broadcast_in_dim3A_44 : vector<16xf32> to vector<16xf32>
    tpu.vector_store %arg13[%swap3A_45], %swap3A_48 {strides = array<i32>} : memref<256xf32, #tpu.memory_space<vmem>>, vector<16xf32>,
    %broadcast_in_dim3A_49 = arith.constant 1.000000e+00 : f32
    %broadcast_in_dim3A_50 = vector.broadcast %broadcast_in_dim3A_49 : f32 to vector<16xf32>
    %swap3A_51 = arith.constant 128 : index
    %swap3A_52 = tpu.vector_load %arg13[%swap3A_51] {strides = array<i32>} : memref<256xf32, #tpu.memory_space<vmem>>, vector<16xf32>,
    %swap3A_53 = vector.shape_cast %swap3A_52 : vector<16xf32> to vector<16xf32>
    %swap3A_54 = vector.shape_cast %broadcast_in_dim3A_50 : vector<16xf32> to vector<16xf32>
    tpu.vector_store %arg13[%swap3A_51], %swap3A_54 {strides = array<i32>} : memref<256xf32, #tpu.memory_space<vmem>>, vector<16xf32>,
    %broadcast_in_dim3A_55 = arith.constant 1.000000e+00 : f32
    %broadcast_in_dim3A_56 = vector.broadcast %broadcast_in_dim3A_55 : f32 to vector<16xf32>
    %swap3A_57 = arith.constant 144 : index
    %swap3A_58 = tpu.vector_load %arg13[%swap3A_57] {strides = array<i32>} : memref<256xf32, #tpu.memory_space<vmem>>, vector<16xf32>,
    %swap3A_59 = vector.shape_cast %swap3A_58 : vector<16xf32> to vector<16xf32>
    %swap3A_60 = vector.shape_cast %broadcast_in_dim3A_56 : vector<16xf32> to vector<16xf32>
    tpu.vector_store %arg13[%swap3A_57], %swap3A_60 {strides = array<i32>} : memref<256xf32, #tpu.memory_space<vmem>>, vector<16xf32>,
    %broadcast_in_dim3A_61 = arith.constant 1.000000e+00 : f32
    %broadcast_in_dim3A_62 = vector.broadcast %broadcast_in_dim3A_61 : f32 to vector<16xf32>
    %swap3A_63 = arith.constant 160 : index
    %swap3A_64 = tpu.vector_load %arg13[%swap3A_63] {strides = array<i32>} : memref<256xf32, #tpu.memory_space<vmem>>, vector<16xf32>,
    %swap3A_65 = vector.shape_cast %swap3A_64 : vector<16xf32> to vector<16xf32>
    %swap3A_66 = vector.shape_cast %broadcast_in_dim3A_62 : vector<16xf32> to vector<16xf32>
    tpu.vector_store %arg13[%swap3A_63], %swap3A_66 {strides = array<i32>} : memref<256xf32, #tpu.memory_space<vmem>>, vector<16xf32>,
    %broadcast_in_dim3A_67 = arith.constant 1.000000e+00 : f32
    %broadcast_in_dim3A_68 = vector.broadcast %broadcast_in_dim3A_67 : f32 to vector<16xf32>
    %swap3A_69 = arith.constant 176 : index
    %swap3A_70 = tpu.vector_load %arg13[%swap3A_69] {strides = array<i32>} : memref<256xf32, #tpu.memory_space<vmem>>, vector<16xf32>,
    %swap3A_71 = vector.shape_cast %swap3A_70 : vector<16xf32> to vector<16xf32>
    %swap3A_72 = vector.shape_cast %broadcast_in_dim3A_68 : vector<16xf32> to vector<16xf32>
    tpu.vector_store %arg13[%swap3A_69], %swap3A_72 {strides = array<i32>} : memref<256xf32, #tpu.memory_space<vmem>>, vector<16xf32>,
    %broadcast_in_dim3A_73 = arith.constant 1.000000e+00 : f32
    %broadcast_in_dim3A_74 = vector.broadcast %broadcast_in_dim3A_73 : f32 to vector<16xf32>
    %swap3A_75 = arith.constant 192 : index
    %swap3A_76 = tpu.vector_load %arg13[%swap3A_75] {strides = array<i32>} : memref<256xf32, #tpu.memory_space<vmem>>, vector<16xf32>,
    %swap3A_77 = vector.shape_cast %swap3A_76 : vector<16xf32> to vector<16xf32>
    %swap3A_78 = vector.shape_cast %broadcast_in_dim3A_74 : vector<16xf32> to vector<16xf32>
    tpu.vector_store %arg13[%swap3A_75], %swap3A_78 {strides = array<i32>} : memref<256xf32, #tpu.memory_space<vmem>>, vector<16xf32>,
    %broadcast_in_dim3A_79 = arith.constant 1.000000e+00 : f32
    %broadcast_in_dim3A_80 = vector.broadcast %broadcast_in_dim3A_79 : f32 to vector<16xf32>
    %swap3A_81 = arith.constant 208 : index
    %swap3A_82 = tpu.vector_load %arg13[%swap3A_81] {strides = array<i32>} : memref<256xf32, #tpu.memory_space<vmem>>, vector<16xf32>,
    %swap3A_83 = vector.shape_cast %swap3A_82 : vector<16xf32> to vector<16xf32>
    %swap3A_84 = vector.shape_cast %broadcast_in_dim3A_80 : vector<16xf32> to vector<16xf32>
    tpu.vector_store %arg13[%swap3A_81], %swap3A_84 {strides = array<i32>} : memref<256xf32, #tpu.memory_space<vmem>>, vector<16xf32>,
    %broadcast_in_dim3A_85 = arith.constant 1.000000e+00 : f32
    %broadcast_in_dim3A_86 = vector.broadcast %broadcast_in_dim3A_85 : f32 to vector<16xf32>
    %swap3A_87 = arith.constant 224 : index
    %swap3A_88 = tpu.vector_load %arg13[%swap3A_87] {strides = array<i32>} : memref<256xf32, #tpu.memory_space<vmem>>, vector<16xf32>,
    %swap3A_89 = vector.shape_cast %swap3A_88 : vector<16xf32> to vector<16xf32>
    %swap3A_90 = vector.shape_cast %broadcast_in_dim3A_86 : vector<16xf32> to vector<16xf32>
    tpu.vector_store %arg13[%swap3A_87], %swap3A_90 {strides = array<i32>} : memref<256xf32, #tpu.memory_space<vmem>>, vector<16xf32>,
    %broadcast_in_dim3A_91 = arith.constant 1.000000e+00 : f32
    %broadcast_in_dim3A_92 = vector.broadcast %broadcast_in_dim3A_91 : f32 to vector<16xf32>
    %swap3A_93 = arith.constant 240 : index
    %swap3A_94 = tpu.vector_load %arg13[%swap3A_93] {strides = array<i32>} : memref<256xf32, #tpu.memory_space<vmem>>, vector<16xf32>,
    %swap3A_95 = vector.shape_cast %swap3A_94 : vector<16xf32> to vector<16xf32>
    %swap3A_96 = vector.shape_cast %broadcast_in_dim3A_92 : vector<16xf32> to vector<16xf32>
    tpu.vector_store %arg13[%swap3A_93], %swap3A_96 {strides = array<i32>} : memref<256xf32, #tpu.memory_space<vmem>>, vector<16xf32>,
    %scan3A = arith.constant 0 : i32
    %scan3A_97 = arith.constant 352 : i32
    %scan3A_98 = arith.addi %scan3A, %scan3A_97 : i32
    %scan3A_99 = arith.constant 1 : i32
    scf.for %scan3A_113 = %scan3A to %scan3A_98 step %scan3A_99  : i32 {
      %broadcast_in_dim3A_114 = arith.constant 0.000000e+00 : f32
      %broadcast_in_dim3A_115 = vector.broadcast %broadcast_in_dim3A_114 : f32 to vector<16xf32>
      %mul3A_116 = arith.constant 16 : i32
      %mul3A_117 = arith.muli %scan3A_113, %mul3A_116 : i32
      %swap3A_118 = arith.index_cast %mul3A_117 : i32 to index
      %swap3A_119 = tpu.vector_load %arg14[%swap3A_118] {strides = array<i32>} : memref<5632xf32, #tpu.memory_space<vmem>>, vector<16xf32>,
      %swap3A_120 = vector.shape_cast %swap3A_119 : vector<16xf32> to vector<16xf32>
      %swap3A_121 = vector.shape_cast %broadcast_in_dim3A_115 : vector<16xf32> to vector<16xf32>
      tpu.vector_store %arg14[%swap3A_118], %swap3A_121 {strides = array<i32>} : memref<5632xf32, #tpu.memory_space<vmem>>, vector<16xf32>,
    }
    %scan3A_100 = arith.constant 352 : i32
    %mul3A_101 = arith.constant 5632 : i32
    %mul3A_102 = arith.muli %arg1, %mul3A_101 : i32
    "tpu.region"() ({
      %run_scoped3A = tpu.sem_alloc : memref<!tpu.dma_semaphore, #tpu.memory_space<semaphore_mem>>
      %dma_start3A = tpu.memref_slice %arg15[%mul3A_102] : memref<90112xf32, #tpu.memory_space<vmem_shared>> -> memref<5632xf32, #tpu.memory_space<vmem_shared>>
      %dma_start3A_113 = tpu.memref_slice %arg15[%mul3A_102] : memref<90112xf32, #tpu.memory_space<vmem_shared>> -> memref<5632xf32, #tpu.memory_space<vmem_shared>>
      tpu.enqueue_dma source(%arg14 : memref<5632xf32, #tpu.memory_space<vmem>>) target(%dma_start3A_113 : memref<5632xf32, #tpu.memory_space<vmem_shared>>) target_semaphore(%run_scoped3A : memref<!tpu.dma_semaphore, #tpu.memory_space<semaphore_mem>>)
      %dma_wait3A = tpu.memref_slice %arg15[%mul3A_102] : memref<90112xf32, #tpu.memory_space<vmem_shared>> -> memref<5632xf32, #tpu.memory_space<vmem_shared>>
      %dma_wait3A_114 = tpu.memref_slice %arg15[%mul3A_102] : memref<90112xf32, #tpu.memory_space<vmem_shared>> -> memref<5632xf32, #tpu.memory_space<vmem_shared>>
      tpu.wait_dma2 semaphore(%run_scoped3A : memref<!tpu.dma_semaphore, #tpu.memory_space<semaphore_mem>>) src(%arg14 : memref<5632xf32, #tpu.memory_space<vmem>>) dst(%dma_wait3A_114 : memref<5632xf32, #tpu.memory_space<vmem_shared>>)
      tpu.yield
    }) : () -> ()
    %barrier3A = arith.constant 0 : index
    tpu.barrier barrier_id(%barrier3A)
    %scan3A_103 = arith.constant 0 : i32
    %scan3A_104 = arith.constant 40 : i32
    %scan3A_105 = arith.addi %scan3A_103, %scan3A_104 : i32
    %scan3A_106 = arith.constant 1 : i32
    scf.for %scan3A_113 = %scan3A_103 to %scan3A_105 step %scan3A_106  : i32 {
      %mul3A_114 = arith.constant 256 : i32
      %mul3A_115 = arith.muli %scan3A_113, %mul3A_114 : i32
      %add3A_116 = arith.addi %mul3A_2, %mul3A_115 : i32
      "tpu.region"() ({
        %run_scoped3A = tpu.sem_alloc : memref<!tpu.dma_semaphore, #tpu.memory_space<semaphore_mem>>
        %dma_start3A = tpu.memref_slice %arg2[%add3A_116] : memref<327680xi32, #tpu.memory_space<hbm>> -> memref<256xi32, #tpu.memory_space<hbm>>
        %dma_start3A_468 = tpu.memref_slice %arg2[%add3A_116] : memref<327680xi32, #tpu.memory_space<hbm>> -> memref<256xi32, #tpu.memory_space<hbm>>
        tpu.enqueue_dma source(%dma_start3A_468 : memref<256xi32, #tpu.memory_space<hbm>>) target(%arg8 : memref<256xi32, #tpu.memory_space<vmem>>) target_semaphore(%run_scoped3A : memref<!tpu.dma_semaphore, #tpu.memory_space<semaphore_mem>>)
        %dma_wait3A = tpu.memref_slice %arg2[%add3A_116] : memref<327680xi32, #tpu.memory_space<hbm>> -> memref<256xi32, #tpu.memory_space<hbm>>
        %dma_wait3A_469 = tpu.memref_slice %arg2[%add3A_116] : memref<327680xi32, #tpu.memory_space<hbm>> -> memref<256xi32, #tpu.memory_space<hbm>>
        tpu.wait_dma2 semaphore(%run_scoped3A : memref<!tpu.dma_semaphore, #tpu.memory_space<semaphore_mem>>) src(%dma_wait3A_469 : memref<256xi32, #tpu.memory_space<hbm>>) dst(%arg8 : memref<256xi32, #tpu.memory_space<vmem>>)
        tpu.yield
      }) : () -> ()
      "tpu.region"() ({
        %run_scoped3A = tpu.sem_alloc : memref<!tpu.dma_semaphore, #tpu.memory_space<semaphore_mem>>
        %dma_start3A = tpu.memref_slice %arg3[%add3A_116] : memref<327680xi32, #tpu.memory_space<hbm>> -> memref<256xi32, #tpu.memory_space<hbm>>
        %dma_start3A_468 = tpu.memref_slice %arg3[%add3A_116] : memref<327680xi32, #tpu.memory_space<hbm>> -> memref<256xi32, #tpu.memory_space<hbm>>
        tpu.enqueue_dma source(%dma_start3A_468 : memref<256xi32, #tpu.memory_space<hbm>>) target(%arg9 : memref<256xi32, #tpu.memory_space<vmem>>) target_semaphore(%run_scoped3A : memref<!tpu.dma_semaphore, #tpu.memory_space<semaphore_mem>>)
        %dma_wait3A = tpu.memref_slice %arg3[%add3A_116] : memref<327680xi32, #tpu.memory_space<hbm>> -> memref<256xi32, #tpu.memory_space<hbm>>
        %dma_wait3A_469 = tpu.memref_slice %arg3[%add3A_116] : memref<327680xi32, #tpu.memory_space<hbm>> -> memref<256xi32, #tpu.memory_space<hbm>>
        tpu.wait_dma2 semaphore(%run_scoped3A : memref<!tpu.dma_semaphore, #tpu.memory_space<semaphore_mem>>) src(%dma_wait3A_469 : memref<256xi32, #tpu.memory_space<hbm>>) dst(%arg9 : memref<256xi32, #tpu.memory_space<vmem>>)
        tpu.yield
      }) : () -> ()
      "tpu.region"() ({
        %run_scoped3A = tpu.sem_alloc : memref<!tpu.dma_semaphore, #tpu.memory_space<semaphore_mem>>
        %dma_start3A = tpu.memref_slice %arg4[%add3A_116] : memref<327680xi32, #tpu.memory_space<hbm>> -> memref<256xi32, #tpu.memory_space<hbm>>
        %dma_start3A_468 = tpu.memref_slice %arg4[%add3A_116] : memref<327680xi32, #tpu.memory_space<hbm>> -> memref<256xi32, #tpu.memory_space<hbm>>
        tpu.enqueue_dma source(%dma_start3A_468 : memref<256xi32, #tpu.memory_space<hbm>>) target(%arg10 : memref<256xi32, #tpu.memory_space<vmem>>) target_semaphore(%run_scoped3A : memref<!tpu.dma_semaphore, #tpu.memory_space<semaphore_mem>>)
        %dma_wait3A = tpu.memref_slice %arg4[%add3A_116] : memref<327680xi32, #tpu.memory_space<hbm>> -> memref<256xi32, #tpu.memory_space<hbm>>
        %dma_wait3A_469 = tpu.memref_slice %arg4[%add3A_116] : memref<327680xi32, #tpu.memory_space<hbm>> -> memref<256xi32, #tpu.memory_space<hbm>>
        tpu.wait_dma2 semaphore(%run_scoped3A : memref<!tpu.dma_semaphore, #tpu.memory_space<semaphore_mem>>) src(%dma_wait3A_469 : memref<256xi32, #tpu.memory_space<hbm>>) dst(%arg10 : memref<256xi32, #tpu.memory_space<vmem>>)
        tpu.yield
      }) : () -> ()
      %get3A = arith.constant 0 : index
      %get3A_117 = tpu.vector_load %arg10[%get3A] {strides = array<i32>} : memref<256xi32, #tpu.memory_space<vmem>>, vector<16xi32>,
      %get3A_118 = vector.shape_cast %get3A_117 : vector<16xi32> to vector<16xi32>
      %mul3A_119 = arith.constant 10000 : i32
      %mul3A_120 = vector.broadcast %mul3A_119 : i32 to vector<16xi32>
      %mul3A_121 = arith.muli %get3A_118, %mul3A_120 : vector<16xi32>
      %get3A_122 = arith.constant 0 : index
      %get3A_123 = tpu.vector_load %arg8[%get3A_122] {strides = array<i32>} : memref<256xi32, #tpu.memory_space<vmem>>, vector<16xi32>,
      %get3A_124 = vector.shape_cast %get3A_123 : vector<16xi32> to vector<16xi32>
      %add3A_125 = arith.addi %mul3A_121, %get3A_124 : vector<16xi32>
      %swap3A_126 = arith.constant 0 : index
      %swap3A_127 = tpu.vector_load %arg11[%swap3A_126] {strides = array<i32>} : memref<256xi32, #tpu.memory_space<vmem>>, vector<16xi32>,
      %swap3A_128 = vector.shape_cast %swap3A_127 : vector<16xi32> to vector<16xi32>
      %swap3A_129 = vector.shape_cast %add3A_125 : vector<16xi32> to vector<16xi32>
      tpu.vector_store %arg11[%swap3A_126], %swap3A_129 {strides = array<i32>} : memref<256xi32, #tpu.memory_space<vmem>>, vector<16xi32>,
      %get3A_130 = arith.constant 0 : index
      %get3A_131 = tpu.vector_load %arg9[%get3A_130] {strides = array<i32>} : memref<256xi32, #tpu.memory_space<vmem>>, vector<16xi32>,
      %get3A_132 = vector.shape_cast %get3A_131 : vector<16xi32> to vector<16xi32>
      %add3A_133 = arith.addi %mul3A_121, %get3A_132 : vector<16xi32>
      %swap3A_134 = arith.constant 0 : index
      %swap3A_135 = tpu.vector_load %arg12[%swap3A_134] {strides = array<i32>} : memref<256xi32, #tpu.memory_space<vmem>>, vector<16xi32>,
      %swap3A_136 = vector.shape_cast %swap3A_135 : vector<16xi32> to vector<16xi32>
      %swap3A_137 = vector.shape_cast %add3A_133 : vector<16xi32> to vector<16xi32>
      tpu.vector_store %arg12[%swap3A_134], %swap3A_137 {strides = array<i32>} : memref<256xi32, #tpu.memory_space<vmem>>, vector<16xi32>,
      %get3A_138 = arith.constant 16 : index
      %get3A_139 = tpu.vector_load %arg10[%get3A_138] {strides = array<i32>} : memref<256xi32, #tpu.memory_space<vmem>>, vector<16xi32>,
      %get3A_140 = vector.shape_cast %get3A_139 : vector<16xi32> to vector<16xi32>
      %mul3A_141 = arith.constant 10000 : i32
      %mul3A_142 = vector.broadcast %mul3A_141 : i32 to vector<16xi32>
      %mul3A_143 = arith.muli %get3A_140, %mul3A_142 : vector<16xi32>
      %get3A_144 = arith.constant 16 : index
      %get3A_145 = tpu.vector_load %arg8[%get3A_144] {strides = array<i32>} : memref<256xi32, #tpu.memory_space<vmem>>, vector<16xi32>,
      %get3A_146 = vector.shape_cast %get3A_145 : vector<16xi32> to vector<16xi32>
      %add3A_147 = arith.addi %mul3A_143, %get3A_146 : vector<16xi32>
      %swap3A_148 = arith.constant 16 : index
      %swap3A_149 = tpu.vector_load %arg11[%swap3A_148] {strides = array<i32>} : memref<256xi32, #tpu.memory_space<vmem>>, vector<16xi32>,
      %swap3A_150 = vector.shape_cast %swap3A_149 : vector<16xi32> to vector<16xi32>
      %swap3A_151 = vector.shape_cast %add3A_147 : vector<16xi32> to vector<16xi32>
      tpu.vector_store %arg11[%swap3A_148], %swap3A_151 {strides = array<i32>} : memref<256xi32, #tpu.memory_space<vmem>>, vector<16xi32>,
      %get3A_152 = arith.constant 16 : index
      %get3A_153 = tpu.vector_load %arg9[%get3A_152] {strides = array<i32>} : memref<256xi32, #tpu.memory_space<vmem>>, vector<16xi32>,
      %get3A_154 = vector.shape_cast %get3A_153 : vector<16xi32> to vector<16xi32>
      %add3A_155 = arith.addi %mul3A_143, %get3A_154 : vector<16xi32>
      %swap3A_156 = arith.constant 16 : index
      %swap3A_157 = tpu.vector_load %arg12[%swap3A_156] {strides = array<i32>} : memref<256xi32, #tpu.memory_space<vmem>>, vector<16xi32>,
      %swap3A_158 = vector.shape_cast %swap3A_157 : vector<16xi32> to vector<16xi32>
      %swap3A_159 = vector.shape_cast %add3A_155 : vector<16xi32> to vector<16xi32>
      tpu.vector_store %arg12[%swap3A_156], %swap3A_159 {strides = array<i32>} : memref<256xi32, #tpu.memory_space<vmem>>, vector<16xi32>,
      %get3A_160 = arith.constant 32 : index
      %get3A_161 = tpu.vector_load %arg10[%get3A_160] {strides = array<i32>} : memref<256xi32, #tpu.memory_space<vmem>>, vector<16xi32>,
      %get3A_162 = vector.shape_cast %get3A_161 : vector<16xi32> to vector<16xi32>
      %mul3A_163 = arith.constant 10000 : i32
      %mul3A_164 = vector.broadcast %mul3A_163 : i32 to vector<16xi32>
      %mul3A_165 = arith.muli %get3A_162, %mul3A_164 : vector<16xi32>
      %get3A_166 = arith.constant 32 : index
      %get3A_167 = tpu.vector_load %arg8[%get3A_166] {strides = array<i32>} : memref<256xi32, #tpu.memory_space<vmem>>, vector<16xi32>,
      %get3A_168 = vector.shape_cast %get3A_167 : vector<16xi32> to vector<16xi32>
      %add3A_169 = arith.addi %mul3A_165, %get3A_168 : vector<16xi32>
      %swap3A_170 = arith.constant 32 : index
      %swap3A_171 = tpu.vector_load %arg11[%swap3A_170] {strides = array<i32>} : memref<256xi32, #tpu.memory_space<vmem>>, vector<16xi32>,
      %swap3A_172 = vector.shape_cast %swap3A_171 : vector<16xi32> to vector<16xi32>
      %swap3A_173 = vector.shape_cast %add3A_169 : vector<16xi32> to vector<16xi32>
      tpu.vector_store %arg11[%swap3A_170], %swap3A_173 {strides = array<i32>} : memref<256xi32, #tpu.memory_space<vmem>>, vector<16xi32>,
      %get3A_174 = arith.constant 32 : index
      %get3A_175 = tpu.vector_load %arg9[%get3A_174] {strides = array<i32>} : memref<256xi32, #tpu.memory_space<vmem>>, vector<16xi32>,
      %get3A_176 = vector.shape_cast %get3A_175 : vector<16xi32> to vector<16xi32>
      %add3A_177 = arith.addi %mul3A_165, %get3A_176 : vector<16xi32>
      %swap3A_178 = arith.constant 32 : index
      %swap3A_179 = tpu.vector_load %arg12[%swap3A_178] {strides = array<i32>} : memref<256xi32, #tpu.memory_space<vmem>>, vector<16xi32>,
      %swap3A_180 = vector.shape_cast %swap3A_179 : vector<16xi32> to vector<16xi32>
      %swap3A_181 = vector.shape_cast %add3A_177 : vector<16xi32> to vector<16xi32>
      tpu.vector_store %arg12[%swap3A_178], %swap3A_181 {strides = array<i32>} : memref<256xi32, #tpu.memory_space<vmem>>, vector<16xi32>,
      %get3A_182 = arith.constant 48 : index
      %get3A_183 = tpu.vector_load %arg10[%get3A_182] {strides = array<i32>} : memref<256xi32, #tpu.memory_space<vmem>>, vector<16xi32>,
      %get3A_184 = vector.shape_cast %get3A_183 : vector<16xi32> to vector<16xi32>
      %mul3A_185 = arith.constant 10000 : i32
      %mul3A_186 = vector.broadcast %mul3A_185 : i32 to vector<16xi32>
      %mul3A_187 = arith.muli %get3A_184, %mul3A_186 : vector<16xi32>
      %get3A_188 = arith.constant 48 : index
      %get3A_189 = tpu.vector_load %arg8[%get3A_188] {strides = array<i32>} : memref<256xi32, #tpu.memory_space<vmem>>, vector<16xi32>,
      %get3A_190 = vector.shape_cast %get3A_189 : vector<16xi32> to vector<16xi32>
      %add3A_191 = arith.addi %mul3A_187, %get3A_190 : vector<16xi32>
      %swap3A_192 = arith.constant 48 : index
      %swap3A_193 = tpu.vector_load %arg11[%swap3A_192] {strides = array<i32>} : memref<256xi32, #tpu.memory_space<vmem>>, vector<16xi32>,
      %swap3A_194 = vector.shape_cast %swap3A_193 : vector<16xi32> to vector<16xi32>
      %swap3A_195 = vector.shape_cast %add3A_191 : vector<16xi32> to vector<16xi32>
      tpu.vector_store %arg11[%swap3A_192], %swap3A_195 {strides = array<i32>} : memref<256xi32, #tpu.memory_space<vmem>>, vector<16xi32>,
      %get3A_196 = arith.constant 48 : index
      %get3A_197 = tpu.vector_load %arg9[%get3A_196] {strides = array<i32>} : memref<256xi32, #tpu.memory_space<vmem>>, vector<16xi32>,
      %get3A_198 = vector.shape_cast %get3A_197 : vector<16xi32> to vector<16xi32>
      %add3A_199 = arith.addi %mul3A_187, %get3A_198 : vector<16xi32>
      %swap3A_200 = arith.constant 48 : index
      %swap3A_201 = tpu.vector_load %arg12[%swap3A_200] {strides = array<i32>} : memref<256xi32, #tpu.memory_space<vmem>>, vector<16xi32>,
      %swap3A_202 = vector.shape_cast %swap3A_201 : vector<16xi32> to vector<16xi32>
      %swap3A_203 = vector.shape_cast %add3A_199 : vector<16xi32> to vector<16xi32>
      tpu.vector_store %arg12[%swap3A_200], %swap3A_203 {strides = array<i32>} : memref<256xi32, #tpu.memory_space<vmem>>, vector<16xi32>,
      %get3A_204 = arith.constant 64 : index
      %get3A_205 = tpu.vector_load %arg10[%get3A_204] {strides = array<i32>} : memref<256xi32, #tpu.memory_space<vmem>>, vector<16xi32>,
      %get3A_206 = vector.shape_cast %get3A_205 : vector<16xi32> to vector<16xi32>
      %mul3A_207 = arith.constant 10000 : i32
      %mul3A_208 = vector.broadcast %mul3A_207 : i32 to vector<16xi32>
      %mul3A_209 = arith.muli %get3A_206, %mul3A_208 : vector<16xi32>
      %get3A_210 = arith.constant 64 : index
      %get3A_211 = tpu.vector_load %arg8[%get3A_210] {strides = array<i32>} : memref<256xi32, #tpu.memory_space<vmem>>, vector<16xi32>,
      %get3A_212 = vector.shape_cast %get3A_211 : vector<16xi32> to vector<16xi32>
      %add3A_213 = arith.addi %mul3A_209, %get3A_212 : vector<16xi32>
      %swap3A_214 = arith.constant 64 : index
      %swap3A_215 = tpu.vector_load %arg11[%swap3A_214] {strides = array<i32>} : memref<256xi32, #tpu.memory_space<vmem>>, vector<16xi32>,
      %swap3A_216 = vector.shape_cast %swap3A_215 : vector<16xi32> to vector<16xi32>
      %swap3A_217 = vector.shape_cast %add3A_213 : vector<16xi32> to vector<16xi32>
      tpu.vector_store %arg11[%swap3A_214], %swap3A_217 {strides = array<i32>} : memref<256xi32, #tpu.memory_space<vmem>>, vector<16xi32>,
      %get3A_218 = arith.constant 64 : index
      %get3A_219 = tpu.vector_load %arg9[%get3A_218] {strides = array<i32>} : memref<256xi32, #tpu.memory_space<vmem>>, vector<16xi32>,
      %get3A_220 = vector.shape_cast %get3A_219 : vector<16xi32> to vector<16xi32>
      %add3A_221 = arith.addi %mul3A_209, %get3A_220 : vector<16xi32>
      %swap3A_222 = arith.constant 64 : index
      %swap3A_223 = tpu.vector_load %arg12[%swap3A_222] {strides = array<i32>} : memref<256xi32, #tpu.memory_space<vmem>>, vector<16xi32>,
      %swap3A_224 = vector.shape_cast %swap3A_223 : vector<16xi32> to vector<16xi32>
      %swap3A_225 = vector.shape_cast %add3A_221 : vector<16xi32> to vector<16xi32>
      tpu.vector_store %arg12[%swap3A_222], %swap3A_225 {strides = array<i32>} : memref<256xi32, #tpu.memory_space<vmem>>, vector<16xi32>,
      %get3A_226 = arith.constant 80 : index
      %get3A_227 = tpu.vector_load %arg10[%get3A_226] {strides = array<i32>} : memref<256xi32, #tpu.memory_space<vmem>>, vector<16xi32>,
      %get3A_228 = vector.shape_cast %get3A_227 : vector<16xi32> to vector<16xi32>
      %mul3A_229 = arith.constant 10000 : i32
      %mul3A_230 = vector.broadcast %mul3A_229 : i32 to vector<16xi32>
      %mul3A_231 = arith.muli %get3A_228, %mul3A_230 : vector<16xi32>
      %get3A_232 = arith.constant 80 : index
      %get3A_233 = tpu.vector_load %arg8[%get3A_232] {strides = array<i32>} : memref<256xi32, #tpu.memory_space<vmem>>, vector<16xi32>,
      %get3A_234 = vector.shape_cast %get3A_233 : vector<16xi32> to vector<16xi32>
      %add3A_235 = arith.addi %mul3A_231, %get3A_234 : vector<16xi32>
      %swap3A_236 = arith.constant 80 : index
      %swap3A_237 = tpu.vector_load %arg11[%swap3A_236] {strides = array<i32>} : memref<256xi32, #tpu.memory_space<vmem>>, vector<16xi32>,
      %swap3A_238 = vector.shape_cast %swap3A_237 : vector<16xi32> to vector<16xi32>
      %swap3A_239 = vector.shape_cast %add3A_235 : vector<16xi32> to vector<16xi32>
      tpu.vector_store %arg11[%swap3A_236], %swap3A_239 {strides = array<i32>} : memref<256xi32, #tpu.memory_space<vmem>>, vector<16xi32>,
      %get3A_240 = arith.constant 80 : index
      %get3A_241 = tpu.vector_load %arg9[%get3A_240] {strides = array<i32>} : memref<256xi32, #tpu.memory_space<vmem>>, vector<16xi32>,
      %get3A_242 = vector.shape_cast %get3A_241 : vector<16xi32> to vector<16xi32>
      %add3A_243 = arith.addi %mul3A_231, %get3A_242 : vector<16xi32>
      %swap3A_244 = arith.constant 80 : index
      %swap3A_245 = tpu.vector_load %arg12[%swap3A_244] {strides = array<i32>} : memref<256xi32, #tpu.memory_space<vmem>>, vector<16xi32>,
      %swap3A_246 = vector.shape_cast %swap3A_245 : vector<16xi32> to vector<16xi32>
      %swap3A_247 = vector.shape_cast %add3A_243 : vector<16xi32> to vector<16xi32>
      tpu.vector_store %arg12[%swap3A_244], %swap3A_247 {strides = array<i32>} : memref<256xi32, #tpu.memory_space<vmem>>, vector<16xi32>,
      %get3A_248 = arith.constant 96 : index
      %get3A_249 = tpu.vector_load %arg10[%get3A_248] {strides = array<i32>} : memref<256xi32, #tpu.memory_space<vmem>>, vector<16xi32>,
      %get3A_250 = vector.shape_cast %get3A_249 : vector<16xi32> to vector<16xi32>
      %mul3A_251 = arith.constant 10000 : i32
      %mul3A_252 = vector.broadcast %mul3A_251 : i32 to vector<16xi32>
      %mul3A_253 = arith.muli %get3A_250, %mul3A_252 : vector<16xi32>
      %get3A_254 = arith.constant 96 : index
      %get3A_255 = tpu.vector_load %arg8[%get3A_254] {strides = array<i32>} : memref<256xi32, #tpu.memory_space<vmem>>, vector<16xi32>,
      %get3A_256 = vector.shape_cast %get3A_255 : vector<16xi32> to vector<16xi32>
      %add3A_257 = arith.addi %mul3A_253, %get3A_256 : vector<16xi32>
      %swap3A_258 = arith.constant 96 : index
      %swap3A_259 = tpu.vector_load %arg11[%swap3A_258] {strides = array<i32>} : memref<256xi32, #tpu.memory_space<vmem>>, vector<16xi32>,
      %swap3A_260 = vector.shape_cast %swap3A_259 : vector<16xi32> to vector<16xi32>
      %swap3A_261 = vector.shape_cast %add3A_257 : vector<16xi32> to vector<16xi32>
      tpu.vector_store %arg11[%swap3A_258], %swap3A_261 {strides = array<i32>} : memref<256xi32, #tpu.memory_space<vmem>>, vector<16xi32>,
      %get3A_262 = arith.constant 96 : index
      %get3A_263 = tpu.vector_load %arg9[%get3A_262] {strides = array<i32>} : memref<256xi32, #tpu.memory_space<vmem>>, vector<16xi32>,
      %get3A_264 = vector.shape_cast %get3A_263 : vector<16xi32> to vector<16xi32>
      %add3A_265 = arith.addi %mul3A_253, %get3A_264 : vector<16xi32>
      %swap3A_266 = arith.constant 96 : index
      %swap3A_267 = tpu.vector_load %arg12[%swap3A_266] {strides = array<i32>} : memref<256xi32, #tpu.memory_space<vmem>>, vector<16xi32>,
      %swap3A_268 = vector.shape_cast %swap3A_267 : vector<16xi32> to vector<16xi32>
      %swap3A_269 = vector.shape_cast %add3A_265 : vector<16xi32> to vector<16xi32>
      tpu.vector_store %arg12[%swap3A_266], %swap3A_269 {strides = array<i32>} : memref<256xi32, #tpu.memory_space<vmem>>, vector<16xi32>,
      %get3A_270 = arith.constant 112 : index
      %get3A_271 = tpu.vector_load %arg10[%get3A_270] {strides = array<i32>} : memref<256xi32, #tpu.memory_space<vmem>>, vector<16xi32>,
      %get3A_272 = vector.shape_cast %get3A_271 : vector<16xi32> to vector<16xi32>
      %mul3A_273 = arith.constant 10000 : i32
      %mul3A_274 = vector.broadcast %mul3A_273 : i32 to vector<16xi32>
      %mul3A_275 = arith.muli %get3A_272, %mul3A_274 : vector<16xi32>
      %get3A_276 = arith.constant 112 : index
      %get3A_277 = tpu.vector_load %arg8[%get3A_276] {strides = array<i32>} : memref<256xi32, #tpu.memory_space<vmem>>, vector<16xi32>,
      %get3A_278 = vector.shape_cast %get3A_277 : vector<16xi32> to vector<16xi32>
      %add3A_279 = arith.addi %mul3A_275, %get3A_278 : vector<16xi32>
      %swap3A_280 = arith.constant 112 : index
      %swap3A_281 = tpu.vector_load %arg11[%swap3A_280] {strides = array<i32>} : memref<256xi32, #tpu.memory_space<vmem>>, vector<16xi32>,
      %swap3A_282 = vector.shape_cast %swap3A_281 : vector<16xi32> to vector<16xi32>
      %swap3A_283 = vector.shape_cast %add3A_279 : vector<16xi32> to vector<16xi32>
      tpu.vector_store %arg11[%swap3A_280], %swap3A_283 {strides = array<i32>} : memref<256xi32, #tpu.memory_space<vmem>>, vector<16xi32>,
      %get3A_284 = arith.constant 112 : index
      %get3A_285 = tpu.vector_load %arg9[%get3A_284] {strides = array<i32>} : memref<256xi32, #tpu.memory_space<vmem>>, vector<16xi32>,
      %get3A_286 = vector.shape_cast %get3A_285 : vector<16xi32> to vector<16xi32>
      %add3A_287 = arith.addi %mul3A_275, %get3A_286 : vector<16xi32>
      %swap3A_288 = arith.constant 112 : index
      %swap3A_289 = tpu.vector_load %arg12[%swap3A_288] {strides = array<i32>} : memref<256xi32, #tpu.memory_space<vmem>>, vector<16xi32>,
      %swap3A_290 = vector.shape_cast %swap3A_289 : vector<16xi32> to vector<16xi32>
      %swap3A_291 = vector.shape_cast %add3A_287 : vector<16xi32> to vector<16xi32>
      tpu.vector_store %arg12[%swap3A_288], %swap3A_291 {strides = array<i32>} : memref<256xi32, #tpu.memory_space<vmem>>, vector<16xi32>,
      %get3A_292 = arith.constant 128 : index
      %get3A_293 = tpu.vector_load %arg10[%get3A_292] {strides = array<i32>} : memref<256xi32, #tpu.memory_space<vmem>>, vector<16xi32>,
      %get3A_294 = vector.shape_cast %get3A_293 : vector<16xi32> to vector<16xi32>
      %mul3A_295 = arith.constant 10000 : i32
      %mul3A_296 = vector.broadcast %mul3A_295 : i32 to vector<16xi32>
      %mul3A_297 = arith.muli %get3A_294, %mul3A_296 : vector<16xi32>
      %get3A_298 = arith.constant 128 : index
      %get3A_299 = tpu.vector_load %arg8[%get3A_298] {strides = array<i32>} : memref<256xi32, #tpu.memory_space<vmem>>, vector<16xi32>,
      %get3A_300 = vector.shape_cast %get3A_299 : vector<16xi32> to vector<16xi32>
      %add3A_301 = arith.addi %mul3A_297, %get3A_300 : vector<16xi32>
      %swap3A_302 = arith.constant 128 : index
      %swap3A_303 = tpu.vector_load %arg11[%swap3A_302] {strides = array<i32>} : memref<256xi32, #tpu.memory_space<vmem>>, vector<16xi32>,
      %swap3A_304 = vector.shape_cast %swap3A_303 : vector<16xi32> to vector<16xi32>
      %swap3A_305 = vector.shape_cast %add3A_301 : vector<16xi32> to vector<16xi32>
      tpu.vector_store %arg11[%swap3A_302], %swap3A_305 {strides = array<i32>} : memref<256xi32, #tpu.memory_space<vmem>>, vector<16xi32>,
      %get3A_306 = arith.constant 128 : index
      %get3A_307 = tpu.vector_load %arg9[%get3A_306] {strides = array<i32>} : memref<256xi32, #tpu.memory_space<vmem>>, vector<16xi32>,
      %get3A_308 = vector.shape_cast %get3A_307 : vector<16xi32> to vector<16xi32>
      %add3A_309 = arith.addi %mul3A_297, %get3A_308 : vector<16xi32>
      %swap3A_310 = arith.constant 128 : index
      %swap3A_311 = tpu.vector_load %arg12[%swap3A_310] {strides = array<i32>} : memref<256xi32, #tpu.memory_space<vmem>>, vector<16xi32>,
      %swap3A_312 = vector.shape_cast %swap3A_311 : vector<16xi32> to vector<16xi32>
      %swap3A_313 = vector.shape_cast %add3A_309 : vector<16xi32> to vector<16xi32>
      tpu.vector_store %arg12[%swap3A_310], %swap3A_313 {strides = array<i32>} : memref<256xi32, #tpu.memory_space<vmem>>, vector<16xi32>,
      %get3A_314 = arith.constant 144 : index
      %get3A_315 = tpu.vector_load %arg10[%get3A_314] {strides = array<i32>} : memref<256xi32, #tpu.memory_space<vmem>>, vector<16xi32>,
      %get3A_316 = vector.shape_cast %get3A_315 : vector<16xi32> to vector<16xi32>
      %mul3A_317 = arith.constant 10000 : i32
      %mul3A_318 = vector.broadcast %mul3A_317 : i32 to vector<16xi32>
      %mul3A_319 = arith.muli %get3A_316, %mul3A_318 : vector<16xi32>
      %get3A_320 = arith.constant 144 : index
      %get3A_321 = tpu.vector_load %arg8[%get3A_320] {strides = array<i32>} : memref<256xi32, #tpu.memory_space<vmem>>, vector<16xi32>,
      %get3A_322 = vector.shape_cast %get3A_321 : vector<16xi32> to vector<16xi32>
      %add3A_323 = arith.addi %mul3A_319, %get3A_322 : vector<16xi32>
      %swap3A_324 = arith.constant 144 : index
      %swap3A_325 = tpu.vector_load %arg11[%swap3A_324] {strides = array<i32>} : memref<256xi32, #tpu.memory_space<vmem>>, vector<16xi32>,
      %swap3A_326 = vector.shape_cast %swap3A_325 : vector<16xi32> to vector<16xi32>
      %swap3A_327 = vector.shape_cast %add3A_323 : vector<16xi32> to vector<16xi32>
      tpu.vector_store %arg11[%swap3A_324], %swap3A_327 {strides = array<i32>} : memref<256xi32, #tpu.memory_space<vmem>>, vector<16xi32>,
      %get3A_328 = arith.constant 144 : index
      %get3A_329 = tpu.vector_load %arg9[%get3A_328] {strides = array<i32>} : memref<256xi32, #tpu.memory_space<vmem>>, vector<16xi32>,
      %get3A_330 = vector.shape_cast %get3A_329 : vector<16xi32> to vector<16xi32>
      %add3A_331 = arith.addi %mul3A_319, %get3A_330 : vector<16xi32>
      %swap3A_332 = arith.constant 144 : index
      %swap3A_333 = tpu.vector_load %arg12[%swap3A_332] {strides = array<i32>} : memref<256xi32, #tpu.memory_space<vmem>>, vector<16xi32>,
      %swap3A_334 = vector.shape_cast %swap3A_333 : vector<16xi32> to vector<16xi32>
      %swap3A_335 = vector.shape_cast %add3A_331 : vector<16xi32> to vector<16xi32>
      tpu.vector_store %arg12[%swap3A_332], %swap3A_335 {strides = array<i32>} : memref<256xi32, #tpu.memory_space<vmem>>, vector<16xi32>,
      %get3A_336 = arith.constant 160 : index
      %get3A_337 = tpu.vector_load %arg10[%get3A_336] {strides = array<i32>} : memref<256xi32, #tpu.memory_space<vmem>>, vector<16xi32>,
      %get3A_338 = vector.shape_cast %get3A_337 : vector<16xi32> to vector<16xi32>
      %mul3A_339 = arith.constant 10000 : i32
      %mul3A_340 = vector.broadcast %mul3A_339 : i32 to vector<16xi32>
      %mul3A_341 = arith.muli %get3A_338, %mul3A_340 : vector<16xi32>
      %get3A_342 = arith.constant 160 : index
      %get3A_343 = tpu.vector_load %arg8[%get3A_342] {strides = array<i32>} : memref<256xi32, #tpu.memory_space<vmem>>, vector<16xi32>,
      %get3A_344 = vector.shape_cast %get3A_343 : vector<16xi32> to vector<16xi32>
      %add3A_345 = arith.addi %mul3A_341, %get3A_344 : vector<16xi32>
      %swap3A_346 = arith.constant 160 : index
      %swap3A_347 = tpu.vector_load %arg11[%swap3A_346] {strides = array<i32>} : memref<256xi32, #tpu.memory_space<vmem>>, vector<16xi32>,
      %swap3A_348 = vector.shape_cast %swap3A_347 : vector<16xi32> to vector<16xi32>
      %swap3A_349 = vector.shape_cast %add3A_345 : vector<16xi32> to vector<16xi32>
      tpu.vector_store %arg11[%swap3A_346], %swap3A_349 {strides = array<i32>} : memref<256xi32, #tpu.memory_space<vmem>>, vector<16xi32>,
      %get3A_350 = arith.constant 160 : index
      %get3A_351 = tpu.vector_load %arg9[%get3A_350] {strides = array<i32>} : memref<256xi32, #tpu.memory_space<vmem>>, vector<16xi32>,
      %get3A_352 = vector.shape_cast %get3A_351 : vector<16xi32> to vector<16xi32>
      %add3A_353 = arith.addi %mul3A_341, %get3A_352 : vector<16xi32>
      %swap3A_354 = arith.constant 160 : index
      %swap3A_355 = tpu.vector_load %arg12[%swap3A_354] {strides = array<i32>} : memref<256xi32, #tpu.memory_space<vmem>>, vector<16xi32>,
      %swap3A_356 = vector.shape_cast %swap3A_355 : vector<16xi32> to vector<16xi32>
      %swap3A_357 = vector.shape_cast %add3A_353 : vector<16xi32> to vector<16xi32>
      tpu.vector_store %arg12[%swap3A_354], %swap3A_357 {strides = array<i32>} : memref<256xi32, #tpu.memory_space<vmem>>, vector<16xi32>,
      %get3A_358 = arith.constant 176 : index
      %get3A_359 = tpu.vector_load %arg10[%get3A_358] {strides = array<i32>} : memref<256xi32, #tpu.memory_space<vmem>>, vector<16xi32>,
      %get3A_360 = vector.shape_cast %get3A_359 : vector<16xi32> to vector<16xi32>
      %mul3A_361 = arith.constant 10000 : i32
      %mul3A_362 = vector.broadcast %mul3A_361 : i32 to vector<16xi32>
      %mul3A_363 = arith.muli %get3A_360, %mul3A_362 : vector<16xi32>
      %get3A_364 = arith.constant 176 : index
      %get3A_365 = tpu.vector_load %arg8[%get3A_364] {strides = array<i32>} : memref<256xi32, #tpu.memory_space<vmem>>, vector<16xi32>,
      %get3A_366 = vector.shape_cast %get3A_365 : vector<16xi32> to vector<16xi32>
      %add3A_367 = arith.addi %mul3A_363, %get3A_366 : vector<16xi32>
      %swap3A_368 = arith.constant 176 : index
      %swap3A_369 = tpu.vector_load %arg11[%swap3A_368] {strides = array<i32>} : memref<256xi32, #tpu.memory_space<vmem>>, vector<16xi32>,
      %swap3A_370 = vector.shape_cast %swap3A_369 : vector<16xi32> to vector<16xi32>
      %swap3A_371 = vector.shape_cast %add3A_367 : vector<16xi32> to vector<16xi32>
      tpu.vector_store %arg11[%swap3A_368], %swap3A_371 {strides = array<i32>} : memref<256xi32, #tpu.memory_space<vmem>>, vector<16xi32>,
      %get3A_372 = arith.constant 176 : index
      %get3A_373 = tpu.vector_load %arg9[%get3A_372] {strides = array<i32>} : memref<256xi32, #tpu.memory_space<vmem>>, vector<16xi32>,
      %get3A_374 = vector.shape_cast %get3A_373 : vector<16xi32> to vector<16xi32>
      %add3A_375 = arith.addi %mul3A_363, %get3A_374 : vector<16xi32>
      %swap3A_376 = arith.constant 176 : index
      %swap3A_377 = tpu.vector_load %arg12[%swap3A_376] {strides = array<i32>} : memref<256xi32, #tpu.memory_space<vmem>>, vector<16xi32>,
      %swap3A_378 = vector.shape_cast %swap3A_377 : vector<16xi32> to vector<16xi32>
      %swap3A_379 = vector.shape_cast %add3A_375 : vector<16xi32> to vector<16xi32>
      tpu.vector_store %arg12[%swap3A_376], %swap3A_379 {strides = array<i32>} : memref<256xi32, #tpu.memory_space<vmem>>, vector<16xi32>,
      %get3A_380 = arith.constant 192 : index
      %get3A_381 = tpu.vector_load %arg10[%get3A_380] {strides = array<i32>} : memref<256xi32, #tpu.memory_space<vmem>>, vector<16xi32>,
      %get3A_382 = vector.shape_cast %get3A_381 : vector<16xi32> to vector<16xi32>
      %mul3A_383 = arith.constant 10000 : i32
      %mul3A_384 = vector.broadcast %mul3A_383 : i32 to vector<16xi32>
      %mul3A_385 = arith.muli %get3A_382, %mul3A_384 : vector<16xi32>
      %get3A_386 = arith.constant 192 : index
      %get3A_387 = tpu.vector_load %arg8[%get3A_386] {strides = array<i32>} : memref<256xi32, #tpu.memory_space<vmem>>, vector<16xi32>,
      %get3A_388 = vector.shape_cast %get3A_387 : vector<16xi32> to vector<16xi32>
      %add3A_389 = arith.addi %mul3A_385, %get3A_388 : vector<16xi32>
      %swap3A_390 = arith.constant 192 : index
      %swap3A_391 = tpu.vector_load %arg11[%swap3A_390] {strides = array<i32>} : memref<256xi32, #tpu.memory_space<vmem>>, vector<16xi32>,
      %swap3A_392 = vector.shape_cast %swap3A_391 : vector<16xi32> to vector<16xi32>
      %swap3A_393 = vector.shape_cast %add3A_389 : vector<16xi32> to vector<16xi32>
      tpu.vector_store %arg11[%swap3A_390], %swap3A_393 {strides = array<i32>} : memref<256xi32, #tpu.memory_space<vmem>>, vector<16xi32>,
      %get3A_394 = arith.constant 192 : index
      %get3A_395 = tpu.vector_load %arg9[%get3A_394] {strides = array<i32>} : memref<256xi32, #tpu.memory_space<vmem>>, vector<16xi32>,
      %get3A_396 = vector.shape_cast %get3A_395 : vector<16xi32> to vector<16xi32>
      %add3A_397 = arith.addi %mul3A_385, %get3A_396 : vector<16xi32>
      %swap3A_398 = arith.constant 192 : index
      %swap3A_399 = tpu.vector_load %arg12[%swap3A_398] {strides = array<i32>} : memref<256xi32, #tpu.memory_space<vmem>>, vector<16xi32>,
      %swap3A_400 = vector.shape_cast %swap3A_399 : vector<16xi32> to vector<16xi32>
      %swap3A_401 = vector.shape_cast %add3A_397 : vector<16xi32> to vector<16xi32>
      tpu.vector_store %arg12[%swap3A_398], %swap3A_401 {strides = array<i32>} : memref<256xi32, #tpu.memory_space<vmem>>, vector<16xi32>,
      %get3A_402 = arith.constant 208 : index
      %get3A_403 = tpu.vector_load %arg10[%get3A_402] {strides = array<i32>} : memref<256xi32, #tpu.memory_space<vmem>>, vector<16xi32>,
      %get3A_404 = vector.shape_cast %get3A_403 : vector<16xi32> to vector<16xi32>
      %mul3A_405 = arith.constant 10000 : i32
      %mul3A_406 = vector.broadcast %mul3A_405 : i32 to vector<16xi32>
      %mul3A_407 = arith.muli %get3A_404, %mul3A_406 : vector<16xi32>
      %get3A_408 = arith.constant 208 : index
      %get3A_409 = tpu.vector_load %arg8[%get3A_408] {strides = array<i32>} : memref<256xi32, #tpu.memory_space<vmem>>, vector<16xi32>,
      %get3A_410 = vector.shape_cast %get3A_409 : vector<16xi32> to vector<16xi32>
      %add3A_411 = arith.addi %mul3A_407, %get3A_410 : vector<16xi32>
      %swap3A_412 = arith.constant 208 : index
      %swap3A_413 = tpu.vector_load %arg11[%swap3A_412] {strides = array<i32>} : memref<256xi32, #tpu.memory_space<vmem>>, vector<16xi32>,
      %swap3A_414 = vector.shape_cast %swap3A_413 : vector<16xi32> to vector<16xi32>
      %swap3A_415 = vector.shape_cast %add3A_411 : vector<16xi32> to vector<16xi32>
      tpu.vector_store %arg11[%swap3A_412], %swap3A_415 {strides = array<i32>} : memref<256xi32, #tpu.memory_space<vmem>>, vector<16xi32>,
      %get3A_416 = arith.constant 208 : index
      %get3A_417 = tpu.vector_load %arg9[%get3A_416] {strides = array<i32>} : memref<256xi32, #tpu.memory_space<vmem>>, vector<16xi32>,
      %get3A_418 = vector.shape_cast %get3A_417 : vector<16xi32> to vector<16xi32>
      %add3A_419 = arith.addi %mul3A_407, %get3A_418 : vector<16xi32>
      %swap3A_420 = arith.constant 208 : index
      %swap3A_421 = tpu.vector_load %arg12[%swap3A_420] {strides = array<i32>} : memref<256xi32, #tpu.memory_space<vmem>>, vector<16xi32>,
      %swap3A_422 = vector.shape_cast %swap3A_421 : vector<16xi32> to vector<16xi32>
      %swap3A_423 = vector.shape_cast %add3A_419 : vector<16xi32> to vector<16xi32>
      tpu.vector_store %arg12[%swap3A_420], %swap3A_423 {strides = array<i32>} : memref<256xi32, #tpu.memory_space<vmem>>, vector<16xi32>,
      %get3A_424 = arith.constant 224 : index
      %get3A_425 = tpu.vector_load %arg10[%get3A_424] {strides = array<i32>} : memref<256xi32, #tpu.memory_space<vmem>>, vector<16xi32>,
      %get3A_426 = vector.shape_cast %get3A_425 : vector<16xi32> to vector<16xi32>
      %mul3A_427 = arith.constant 10000 : i32
      %mul3A_428 = vector.broadcast %mul3A_427 : i32 to vector<16xi32>
      %mul3A_429 = arith.muli %get3A_426, %mul3A_428 : vector<16xi32>
      %get3A_430 = arith.constant 224 : index
      %get3A_431 = tpu.vector_load %arg8[%get3A_430] {strides = array<i32>} : memref<256xi32, #tpu.memory_space<vmem>>, vector<16xi32>,
      %get3A_432 = vector.shape_cast %get3A_431 : vector<16xi32> to vector<16xi32>
      %add3A_433 = arith.addi %mul3A_429, %get3A_432 : vector<16xi32>
      %swap3A_434 = arith.constant 224 : index
      %swap3A_435 = tpu.vector_load %arg11[%swap3A_434] {strides = array<i32>} : memref<256xi32, #tpu.memory_space<vmem>>, vector<16xi32>,
      %swap3A_436 = vector.shape_cast %swap3A_435 : vector<16xi32> to vector<16xi32>
      %swap3A_437 = vector.shape_cast %add3A_433 : vector<16xi32> to vector<16xi32>
      tpu.vector_store %arg11[%swap3A_434], %swap3A_437 {strides = array<i32>} : memref<256xi32, #tpu.memory_space<vmem>>, vector<16xi32>,
      %get3A_438 = arith.constant 224 : index
      %get3A_439 = tpu.vector_load %arg9[%get3A_438] {strides = array<i32>} : memref<256xi32, #tpu.memory_space<vmem>>, vector<16xi32>,
      %get3A_440 = vector.shape_cast %get3A_439 : vector<16xi32> to vector<16xi32>
      %add3A_441 = arith.addi %mul3A_429, %get3A_440 : vector<16xi32>
      %swap3A_442 = arith.constant 224 : index
      %swap3A_443 = tpu.vector_load %arg12[%swap3A_442] {strides = array<i32>} : memref<256xi32, #tpu.memory_space<vmem>>, vector<16xi32>,
      %swap3A_444 = vector.shape_cast %swap3A_443 : vector<16xi32> to vector<16xi32>
      %swap3A_445 = vector.shape_cast %add3A_441 : vector<16xi32> to vector<16xi32>
      tpu.vector_store %arg12[%swap3A_442], %swap3A_445 {strides = array<i32>} : memref<256xi32, #tpu.memory_space<vmem>>, vector<16xi32>,
      %get3A_446 = arith.constant 240 : index
      %get3A_447 = tpu.vector_load %arg10[%get3A_446] {strides = array<i32>} : memref<256xi32, #tpu.memory_space<vmem>>, vector<16xi32>,
      %get3A_448 = vector.shape_cast %get3A_447 : vector<16xi32> to vector<16xi32>
      %mul3A_449 = arith.constant 10000 : i32
      %mul3A_450 = vector.broadcast %mul3A_449 : i32 to vector<16xi32>
      %mul3A_451 = arith.muli %get3A_448, %mul3A_450 : vector<16xi32>
      %get3A_452 = arith.constant 240 : index
      %get3A_453 = tpu.vector_load %arg8[%get3A_452] {strides = array<i32>} : memref<256xi32, #tpu.memory_space<vmem>>, vector<16xi32>,
      %get3A_454 = vector.shape_cast %get3A_453 : vector<16xi32> to vector<16xi32>
      %add3A_455 = arith.addi %mul3A_451, %get3A_454 : vector<16xi32>
      %swap3A_456 = arith.constant 240 : index
      %swap3A_457 = tpu.vector_load %arg11[%swap3A_456] {strides = array<i32>} : memref<256xi32, #tpu.memory_space<vmem>>, vector<16xi32>,
      %swap3A_458 = vector.shape_cast %swap3A_457 : vector<16xi32> to vector<16xi32>
      %swap3A_459 = vector.shape_cast %add3A_455 : vector<16xi32> to vector<16xi32>
      tpu.vector_store %arg11[%swap3A_456], %swap3A_459 {strides = array<i32>} : memref<256xi32, #tpu.memory_space<vmem>>, vector<16xi32>,
      %get3A_460 = arith.constant 240 : index
      %get3A_461 = tpu.vector_load %arg9[%get3A_460] {strides = array<i32>} : memref<256xi32, #tpu.memory_space<vmem>>, vector<16xi32>,
      %get3A_462 = vector.shape_cast %get3A_461 : vector<16xi32> to vector<16xi32>
      %add3A_463 = arith.addi %mul3A_451, %get3A_462 : vector<16xi32>
      %swap3A_464 = arith.constant 240 : index
      %swap3A_465 = tpu.vector_load %arg12[%swap3A_464] {strides = array<i32>} : memref<256xi32, #tpu.memory_space<vmem>>, vector<16xi32>,
      %swap3A_466 = vector.shape_cast %swap3A_465 : vector<16xi32> to vector<16xi32>
      %swap3A_467 = vector.shape_cast %add3A_463 : vector<16xi32> to vector<16xi32>
      tpu.vector_store %arg12[%swap3A_464], %swap3A_467 {strides = array<i32>} : memref<256xi32, #tpu.memory_space<vmem>>, vector<16xi32>,
      "tpu.region"() ({
        %run_scoped3A = tpu.sem_alloc : memref<!tpu.dma_semaphore, #tpu.memory_space<semaphore_mem>>
        %dma_start3A = tpu.memref_slice %arg5[%add3A_116] : memref<327680xi32, #tpu.memory_space<hbm>> -> memref<256xi32, #tpu.memory_space<hbm>>
        %dma_start3A_468 = tpu.memref_slice %arg5[%add3A_116] : memref<327680xi32, #tpu.memory_space<hbm>> -> memref<256xi32, #tpu.memory_space<hbm>>
        tpu.enqueue_dma source(%arg11 : memref<256xi32, #tpu.memory_space<vmem>>) target(%dma_start3A_468 : memref<256xi32, #tpu.memory_space<hbm>>) target_semaphore(%run_scoped3A : memref<!tpu.dma_semaphore, #tpu.memory_space<semaphore_mem>>)
        %dma_wait3A = tpu.memref_slice %arg5[%add3A_116] : memref<327680xi32, #tpu.memory_space<hbm>> -> memref<256xi32, #tpu.memory_space<hbm>>
        %dma_wait3A_469 = tpu.memref_slice %arg5[%add3A_116] : memref<327680xi32, #tpu.memory_space<hbm>> -> memref<256xi32, #tpu.memory_space<hbm>>
        tpu.wait_dma2 semaphore(%run_scoped3A : memref<!tpu.dma_semaphore, #tpu.memory_space<semaphore_mem>>) src(%arg11 : memref<256xi32, #tpu.memory_space<vmem>>) dst(%dma_wait3A_469 : memref<256xi32, #tpu.memory_space<hbm>>)
        tpu.yield
      }) : () -> ()
      "tpu.region"() ({
        %run_scoped3A = tpu.sem_alloc : memref<!tpu.dma_semaphore, #tpu.memory_space<semaphore_mem>>
        %dma_start3A = tpu.memref_slice %arg6[%add3A_116] : memref<327680xi32, #tpu.memory_space<hbm>> -> memref<256xi32, #tpu.memory_space<hbm>>
        %dma_start3A_468 = tpu.memref_slice %arg6[%add3A_116] : memref<327680xi32, #tpu.memory_space<hbm>> -> memref<256xi32, #tpu.memory_space<hbm>>
        tpu.enqueue_dma source(%arg12 : memref<256xi32, #tpu.memory_space<vmem>>) target(%dma_start3A_468 : memref<256xi32, #tpu.memory_space<hbm>>) target_semaphore(%run_scoped3A : memref<!tpu.dma_semaphore, #tpu.memory_space<semaphore_mem>>)
        %dma_wait3A = tpu.memref_slice %arg6[%add3A_116] : memref<327680xi32, #tpu.memory_space<hbm>> -> memref<256xi32, #tpu.memory_space<hbm>>
        %dma_wait3A_469 = tpu.memref_slice %arg6[%add3A_116] : memref<327680xi32, #tpu.memory_space<hbm>> -> memref<256xi32, #tpu.memory_space<hbm>>
        tpu.wait_dma2 semaphore(%run_scoped3A : memref<!tpu.dma_semaphore, #tpu.memory_space<semaphore_mem>>) src(%arg12 : memref<256xi32, #tpu.memory_space<vmem>>) dst(%dma_wait3A_469 : memref<256xi32, #tpu.memory_space<hbm>>)
        tpu.yield
      }) : () -> ()
      "tpu.region"() ({
        %run_scoped3A = tpu.sem_alloc : memref<!tpu.dma_semaphore, #tpu.memory_space<semaphore_mem>>
        %dma_start3A = arith.constant 0 : i32
        %dma_start3A_468 = tpu.memref_slice %arg15[%dma_start3A] : memref<90112xf32, #tpu.memory_space<vmem_shared>> -> memref<90112xf32, #tpu.memory_space<vmem_shared>>
        tpu.enqueue_indirect_dma source(%arg13 : memref<256xf32, #tpu.memory_space<vmem>>) target(%dma_start3A_468 : memref<90112xf32, #tpu.memory_space<vmem_shared>>) offsets(%arg12 : memref<256xi32, #tpu.memory_space<vmem>>) semaphore(%run_scoped3A : memref<!tpu.dma_semaphore, #tpu.memory_space<semaphore_mem>>) {add = true}
        %dma_wait3A = arith.constant 0 : i32
        %dma_wait3A_469 = tpu.memref_slice %arg15[%dma_wait3A] : memref<90112xf32, #tpu.memory_space<vmem_shared>> -> memref<90112xf32, #tpu.memory_space<vmem_shared>>
        tpu.wait_indirect_dma semaphore(%run_scoped3A : memref<!tpu.dma_semaphore, #tpu.memory_space<semaphore_mem>>) src(%arg13 : memref<256xf32, #tpu.memory_space<vmem>>) dst(%dma_wait3A_469 : memref<90112xf32, #tpu.memory_space<vmem_shared>>)
        tpu.yield
      }) : () -> ()
    }
    %scan3A_107 = arith.constant 40 : i32
    %barrier3A_108 = arith.constant 0 : index
    tpu.barrier barrier_id(%barrier3A_108)
    %mul3A_109 = arith.constant 5632 : i32
    %mul3A_110 = arith.muli %arg1, %mul3A_109 : i32
    %mul3A_111 = arith.constant 5632 : i32
    %mul3A_112 = arith.muli %arg1, %mul3A_111 : i32
    "tpu.region"() ({
      %run_scoped3A = tpu.sem_alloc : memref<!tpu.dma_semaphore, #tpu.memory_space<semaphore_mem>>
      %dma_start3A = tpu.memref_slice %arg7[%arg0, %mul3A_112] : memref<2x90112xf32, #tpu.memory_space<hbm>> -> memref<1x5632xf32, #tpu.memory_space<hbm>>
      %dma_start3A_113 = tpu.memref_squeeze %dma_start3A : memref<1x5632xf32, #tpu.memory_space<hbm>> -> memref<5632xf32, #tpu.memory_space<hbm>>
      %dma_start3A_114 = tpu.memref_slice %arg15[%mul3A_110] : memref<90112xf32, #tpu.memory_space<vmem_shared>> -> memref<5632xf32, #tpu.memory_space<vmem_shared>>
      tpu.enqueue_dma source(%dma_start3A_114 : memref<5632xf32, #tpu.memory_space<vmem_shared>>) target(%dma_start3A_113 : memref<5632xf32, #tpu.memory_space<hbm>>) target_semaphore(%run_scoped3A : memref<!tpu.dma_semaphore, #tpu.memory_space<semaphore_mem>>)
      %dma_wait3A = tpu.memref_slice %arg7[%arg0, %mul3A_112] : memref<2x90112xf32, #tpu.memory_space<hbm>> -> memref<1x5632xf32, #tpu.memory_space<hbm>>
      %dma_wait3A_115 = tpu.memref_squeeze %dma_wait3A : memref<1x5632xf32, #tpu.memory_space<hbm>> -> memref<5632xf32, #tpu.memory_space<hbm>>
      %dma_wait3A_116 = tpu.memref_slice %arg15[%mul3A_110] : memref<90112xf32, #tpu.memory_space<vmem_shared>> -> memref<5632xf32, #tpu.memory_space<vmem_shared>>
      tpu.wait_dma2 semaphore(%run_scoped3A : memref<!tpu.dma_semaphore, #tpu.memory_space<semaphore_mem>>) src(%dma_wait3A_116 : memref<5632xf32, #tpu.memory_space<vmem_shared>>) dst(%dma_wait3A_115 : memref<5632xf32, #tpu.memory_space<hbm>>)
      tpu.yield
    }) : () -> ()
    return
  }
}

#map = affine_map<(d0, d1) -> (0, 0)>
#map1 = affine_map<(d0, d1) -> (0)>
#map2 = affine_map<(d0, d1) -> (0, 0, 0)>
module attributes {stable_mosaic.version = 14 : i64} {
  func.func @_sc_edge(%arg0: i32, %arg1: i32, %arg2: memref<90000x128xf32, #tpu.memory_space<hbm>>, %arg3: memref<327680xi32, #tpu.memory_space<hbm>>, %arg4: memref<327680xi32, #tpu.memory_space<hbm>>, %arg5: memref<327680xf32, #tpu.memory_space<hbm>>, %arg6: memref<10000x128xf32, #tpu.memory_space<hbm>>, %arg7: memref<2x10000x128xf32, #tpu.memory_space<hbm>>, %arg8: memref<10240xi32, #tpu.memory_space<vmem>>, %arg9: memref<10240xi32, #tpu.memory_space<vmem>>, %arg10: memref<10240xf32, #tpu.memory_space<vmem>>, %arg11: memref<64x128xf32, #tpu.memory_space<vmem>>, %arg12: memref<64x128xf32, #tpu.memory_space<vmem>>, %arg13: memref<10000x128xf32, #tpu.memory_space<vmem_shared>>, %arg14: memref<!tpu.dma_semaphore, #tpu.memory_space<semaphore_mem>>, %arg15: memref<!tpu.dma_semaphore, #tpu.memory_space<semaphore_mem>>) attributes {dimension_semantics = [#tpu.dimension_semantics<core_parallel>, #tpu.dimension_semantics<subcore_parallel>], iteration_bounds = array<i64: 2, 16>, scalar_prefetch = 0 : i64, scratch_operands = 8 : i64, tpu.core_type = #tpu.core_type<sc_vector_subcore>, window_params = [{transform_indices = #map}, {transform_indices = #map1}, {transform_indices = #map1}, {transform_indices = #map1}, {transform_indices = #map}, {transform_indices = #map2}]} {
    %mul3A = arith.constant 2 : i32
    %mul3A_0 = arith.muli %arg1, %mul3A : i32
    %add3A = arith.addi %mul3A_0, %arg0 : i32
    %mul3A_1 = arith.constant 10240 : i32
    %mul3A_2 = arith.muli %add3A, %mul3A_1 : i32
    "tpu.region"() ({
      %run_scoped3A = tpu.sem_alloc : memref<!tpu.dma_semaphore, #tpu.memory_space<semaphore_mem>>
      %dma_start3A_31 = tpu.memref_slice %arg3[%mul3A_2] : memref<327680xi32, #tpu.memory_space<hbm>> -> memref<10240xi32, #tpu.memory_space<hbm>>
      %dma_start3A_32 = tpu.memref_slice %arg3[%mul3A_2] : memref<327680xi32, #tpu.memory_space<hbm>> -> memref<10240xi32, #tpu.memory_space<hbm>>
      tpu.enqueue_dma source(%dma_start3A_32 : memref<10240xi32, #tpu.memory_space<hbm>>) target(%arg8 : memref<10240xi32, #tpu.memory_space<vmem>>) target_semaphore(%run_scoped3A : memref<!tpu.dma_semaphore, #tpu.memory_space<semaphore_mem>>)
      %dma_wait3A_33 = tpu.memref_slice %arg3[%mul3A_2] : memref<327680xi32, #tpu.memory_space<hbm>> -> memref<10240xi32, #tpu.memory_space<hbm>>
      %dma_wait3A_34 = tpu.memref_slice %arg3[%mul3A_2] : memref<327680xi32, #tpu.memory_space<hbm>> -> memref<10240xi32, #tpu.memory_space<hbm>>
      tpu.wait_dma2 semaphore(%run_scoped3A : memref<!tpu.dma_semaphore, #tpu.memory_space<semaphore_mem>>) src(%dma_wait3A_34 : memref<10240xi32, #tpu.memory_space<hbm>>) dst(%arg8 : memref<10240xi32, #tpu.memory_space<vmem>>)
      tpu.yield
    }) : () -> ()
    "tpu.region"() ({
      %run_scoped3A = tpu.sem_alloc : memref<!tpu.dma_semaphore, #tpu.memory_space<semaphore_mem>>
      %dma_start3A_31 = tpu.memref_slice %arg4[%mul3A_2] : memref<327680xi32, #tpu.memory_space<hbm>> -> memref<10240xi32, #tpu.memory_space<hbm>>
      %dma_start3A_32 = tpu.memref_slice %arg4[%mul3A_2] : memref<327680xi32, #tpu.memory_space<hbm>> -> memref<10240xi32, #tpu.memory_space<hbm>>
      tpu.enqueue_dma source(%dma_start3A_32 : memref<10240xi32, #tpu.memory_space<hbm>>) target(%arg9 : memref<10240xi32, #tpu.memory_space<vmem>>) target_semaphore(%run_scoped3A : memref<!tpu.dma_semaphore, #tpu.memory_space<semaphore_mem>>)
      %dma_wait3A_33 = tpu.memref_slice %arg4[%mul3A_2] : memref<327680xi32, #tpu.memory_space<hbm>> -> memref<10240xi32, #tpu.memory_space<hbm>>
      %dma_wait3A_34 = tpu.memref_slice %arg4[%mul3A_2] : memref<327680xi32, #tpu.memory_space<hbm>> -> memref<10240xi32, #tpu.memory_space<hbm>>
      tpu.wait_dma2 semaphore(%run_scoped3A : memref<!tpu.dma_semaphore, #tpu.memory_space<semaphore_mem>>) src(%dma_wait3A_34 : memref<10240xi32, #tpu.memory_space<hbm>>) dst(%arg9 : memref<10240xi32, #tpu.memory_space<vmem>>)
      tpu.yield
    }) : () -> ()
    "tpu.region"() ({
      %run_scoped3A = tpu.sem_alloc : memref<!tpu.dma_semaphore, #tpu.memory_space<semaphore_mem>>
      %dma_start3A_31 = tpu.memref_slice %arg5[%mul3A_2] : memref<327680xf32, #tpu.memory_space<hbm>> -> memref<10240xf32, #tpu.memory_space<hbm>>
      %dma_start3A_32 = tpu.memref_slice %arg5[%mul3A_2] : memref<327680xf32, #tpu.memory_space<hbm>> -> memref<10240xf32, #tpu.memory_space<hbm>>
      tpu.enqueue_dma source(%dma_start3A_32 : memref<10240xf32, #tpu.memory_space<hbm>>) target(%arg10 : memref<10240xf32, #tpu.memory_space<vmem>>) target_semaphore(%run_scoped3A : memref<!tpu.dma_semaphore, #tpu.memory_space<semaphore_mem>>)
      %dma_wait3A_33 = tpu.memref_slice %arg5[%mul3A_2] : memref<327680xf32, #tpu.memory_space<hbm>> -> memref<10240xf32, #tpu.memory_space<hbm>>
      %dma_wait3A_34 = tpu.memref_slice %arg5[%mul3A_2] : memref<327680xf32, #tpu.memory_space<hbm>> -> memref<10240xf32, #tpu.memory_space<hbm>>
      tpu.wait_dma2 semaphore(%run_scoped3A : memref<!tpu.dma_semaphore, #tpu.memory_space<semaphore_mem>>) src(%dma_wait3A_34 : memref<10240xf32, #tpu.memory_space<hbm>>) dst(%arg10 : memref<10240xf32, #tpu.memory_space<vmem>>)
      tpu.yield
    }) : () -> ()
    %mul3A_3 = arith.constant 624 : i32
    %mul3A_4 = arith.muli %arg1, %mul3A_3 : i32
    %mul3A_5 = arith.constant 624 : i32
    %mul3A_6 = arith.muli %arg1, %mul3A_5 : i32
    "tpu.region"() ({
      %run_scoped3A = tpu.sem_alloc : memref<!tpu.dma_semaphore, #tpu.memory_space<semaphore_mem>>
      %dma_start3A_31 = arith.constant 0 : i32
      %dma_start3A_32 = tpu.memref_slice %arg13[%mul3A_6, %dma_start3A_31] : memref<10000x128xf32, #tpu.memory_space<vmem_shared>> -> memref<624x128xf32, #tpu.memory_space<vmem_shared>>
      %dma_start3A_33 = arith.constant 0 : i32
      %dma_start3A_34 = tpu.memref_slice %arg6[%mul3A_4, %dma_start3A_33] : memref<10000x128xf32, #tpu.memory_space<hbm>> -> memref<624x128xf32, #tpu.memory_space<hbm>>
      tpu.enqueue_dma source(%dma_start3A_34 : memref<624x128xf32, #tpu.memory_space<hbm>>) target(%dma_start3A_32 : memref<624x128xf32, #tpu.memory_space<vmem_shared>>) target_semaphore(%run_scoped3A : memref<!tpu.dma_semaphore, #tpu.memory_space<semaphore_mem>>)
      %dma_wait3A_35 = arith.constant 0 : i32
      %dma_wait3A_36 = tpu.memref_slice %arg13[%mul3A_6, %dma_wait3A_35] : memref<10000x128xf32, #tpu.memory_space<vmem_shared>> -> memref<624x128xf32, #tpu.memory_space<vmem_shared>>
      %dma_wait3A_37 = arith.constant 0 : i32
      %dma_wait3A_38 = tpu.memref_slice %arg6[%mul3A_4, %dma_wait3A_37] : memref<10000x128xf32, #tpu.memory_space<hbm>> -> memref<624x128xf32, #tpu.memory_space<hbm>>
      tpu.wait_dma2 semaphore(%run_scoped3A : memref<!tpu.dma_semaphore, #tpu.memory_space<semaphore_mem>>) src(%dma_wait3A_38 : memref<624x128xf32, #tpu.memory_space<hbm>>) dst(%dma_wait3A_36 : memref<624x128xf32, #tpu.memory_space<vmem_shared>>)
      tpu.yield
    }) : () -> ()
    %eq3A = arith.constant 0 : i32
    %eq3A_7 = arith.cmpi eq, %arg1, %eq3A : i32
    %convert_element_type3A = arith.extui %eq3A_7 : i1 to i32
    %cond3A = arith.constant 0 : i32
    %cond3A_8 = arith.cmpi ne, %convert_element_type3A, %cond3A : i32
    scf.if %cond3A_8 {
      "tpu.region"() ({
        %run_scoped3A = tpu.sem_alloc : memref<!tpu.dma_semaphore, #tpu.memory_space<semaphore_mem>>
        %dma_start3A_31 = arith.constant 9984 : i32
        %dma_start3A_32 = arith.constant 0 : i32
        %dma_start3A_33 = tpu.memref_slice %arg13[%dma_start3A_31, %dma_start3A_32] : memref<10000x128xf32, #tpu.memory_space<vmem_shared>> -> memref<16x128xf32, #tpu.memory_space<vmem_shared>>
        %dma_start3A_34 = arith.constant 9984 : i32
        %dma_start3A_35 = arith.constant 0 : i32
        %dma_start3A_36 = tpu.memref_slice %arg6[%dma_start3A_34, %dma_start3A_35] : memref<10000x128xf32, #tpu.memory_space<hbm>> -> memref<16x128xf32, #tpu.memory_space<hbm>>
        tpu.enqueue_dma source(%dma_start3A_36 : memref<16x128xf32, #tpu.memory_space<hbm>>) target(%dma_start3A_33 : memref<16x128xf32, #tpu.memory_space<vmem_shared>>) target_semaphore(%run_scoped3A : memref<!tpu.dma_semaphore, #tpu.memory_space<semaphore_mem>>)
        %dma_wait3A_37 = arith.constant 9984 : i32
        %dma_wait3A_38 = arith.constant 0 : i32
        %dma_wait3A_39 = tpu.memref_slice %arg13[%dma_wait3A_37, %dma_wait3A_38] : memref<10000x128xf32, #tpu.memory_space<vmem_shared>> -> memref<16x128xf32, #tpu.memory_space<vmem_shared>>
        %dma_wait3A_40 = arith.constant 9984 : i32
        %dma_wait3A_41 = arith.constant 0 : i32
        %dma_wait3A_42 = tpu.memref_slice %arg6[%dma_wait3A_40, %dma_wait3A_41] : memref<10000x128xf32, #tpu.memory_space<hbm>> -> memref<16x128xf32, #tpu.memory_space<hbm>>
        tpu.wait_dma2 semaphore(%run_scoped3A : memref<!tpu.dma_semaphore, #tpu.memory_space<semaphore_mem>>) src(%dma_wait3A_42 : memref<16x128xf32, #tpu.memory_space<hbm>>) dst(%dma_wait3A_39 : memref<16x128xf32, #tpu.memory_space<vmem_shared>>)
        tpu.yield
      }) : () -> ()
    } else {
    }
    %barrier3A = arith.constant 0 : index
    tpu.barrier barrier_id(%barrier3A)
    %dma_start3A = arith.constant 0 : i32
    %dma_start3A_9 = tpu.memref_slice %arg8[%dma_start3A] : memref<10240xi32, #tpu.memory_space<vmem>> -> memref<64xi32, #tpu.memory_space<vmem>>
    %dma_start3A_10 = arith.constant 0 : i32
    %dma_start3A_11 = arith.constant 0 : i32
    %dma_start3A_12 = tpu.memref_slice %arg2[%dma_start3A_10, %dma_start3A_11] : memref<90000x128xf32, #tpu.memory_space<hbm>> -> memref<90000x128xf32, #tpu.memory_space<hbm>>
    tpu.enqueue_indirect_dma source(%dma_start3A_12 : memref<90000x128xf32, #tpu.memory_space<hbm>>) target(%arg11 : memref<64x128xf32, #tpu.memory_space<vmem>>) offsets(%dma_start3A_9 : memref<64xi32, #tpu.memory_space<vmem>>) semaphore(%arg14 : memref<!tpu.dma_semaphore, #tpu.memory_space<semaphore_mem>>)
    %scan3A = arith.constant 0 : i32
    %scan3A_13 = arith.constant 80 : i32
    %scan3A_14 = arith.addi %scan3A, %scan3A_13 : i32
    %scan3A_15 = arith.constant 1 : i32
    scf.for %scan3A_31 = %scan3A to %scan3A_14 step %scan3A_15  : i32 {
      %mul3A_32 = arith.constant 2 : i32
      %mul3A_33 = arith.muli %mul3A_32, %scan3A_31 : i32
      %add3A_34 = arith.constant 1 : i32
      %add3A_35 = arith.addi %mul3A_33, %add3A_34 : i32
      %mul3A_36 = arith.constant 64 : i32
      %mul3A_37 = arith.muli %add3A_35, %mul3A_36 : i32
      %dma_start3A_38 = tpu.memref_slice %arg8[%mul3A_37] : memref<10240xi32, #tpu.memory_space<vmem>> -> memref<64xi32, #tpu.memory_space<vmem>>
      %dma_start3A_39 = arith.constant 0 : i32
      %dma_start3A_40 = arith.constant 0 : i32
      %dma_start3A_41 = tpu.memref_slice %arg2[%dma_start3A_39, %dma_start3A_40] : memref<90000x128xf32, #tpu.memory_space<hbm>> -> memref<90000x128xf32, #tpu.memory_space<hbm>>
      tpu.enqueue_indirect_dma source(%dma_start3A_41 : memref<90000x128xf32, #tpu.memory_space<hbm>>) target(%arg12 : memref<64x128xf32, #tpu.memory_space<vmem>>) offsets(%dma_start3A_38 : memref<64xi32, #tpu.memory_space<vmem>>) semaphore(%arg15 : memref<!tpu.dma_semaphore, #tpu.memory_space<semaphore_mem>>)
      %mul3A_42 = arith.constant 64 : i32
      %mul3A_43 = arith.muli %mul3A_33, %mul3A_42 : i32
      %dma_wait3A_44 = tpu.memref_slice %arg8[%mul3A_43] : memref<10240xi32, #tpu.memory_space<vmem>> -> memref<64xi32, #tpu.memory_space<vmem>>
      %dma_wait3A_45 = arith.constant 0 : i32
      %dma_wait3A_46 = arith.constant 0 : i32
      %dma_wait3A_47 = tpu.memref_slice %arg2[%dma_wait3A_45, %dma_wait3A_46] : memref<90000x128xf32, #tpu.memory_space<hbm>> -> memref<90000x128xf32, #tpu.memory_space<hbm>>
      tpu.wait_indirect_dma semaphore(%arg14 : memref<!tpu.dma_semaphore, #tpu.memory_space<semaphore_mem>>) src(%dma_wait3A_47 : memref<90000x128xf32, #tpu.memory_space<hbm>>) dst(%arg11 : memref<64x128xf32, #tpu.memory_space<vmem>>)
      %mul3A_48 = arith.constant 64 : i32
      %mul3A_49 = arith.muli %mul3A_33, %mul3A_48 : i32
      "tpu.region"() ({
        %run_scoped3A = tpu.sem_alloc : memref<!tpu.dma_semaphore, #tpu.memory_space<semaphore_mem>>
        %dma_start3A_71 = tpu.memref_slice %arg9[%mul3A_49] : memref<10240xi32, #tpu.memory_space<vmem>> -> memref<64xi32, #tpu.memory_space<vmem>>
        %dma_start3A_72 = arith.constant 0 : i32
        %dma_start3A_73 = arith.constant 0 : i32
        %dma_start3A_74 = tpu.memref_slice %arg13[%dma_start3A_72, %dma_start3A_73] : memref<10000x128xf32, #tpu.memory_space<vmem_shared>> -> memref<10000x128xf32, #tpu.memory_space<vmem_shared>>
        tpu.enqueue_indirect_dma source(%arg11 : memref<64x128xf32, #tpu.memory_space<vmem>>) target(%dma_start3A_74 : memref<10000x128xf32, #tpu.memory_space<vmem_shared>>) offsets(%dma_start3A_71 : memref<64xi32, #tpu.memory_space<vmem>>) semaphore(%run_scoped3A : memref<!tpu.dma_semaphore, #tpu.memory_space<semaphore_mem>>) {add = true}
        %dma_wait3A_75 = tpu.memref_slice %arg9[%mul3A_49] : memref<10240xi32, #tpu.memory_space<vmem>> -> memref<64xi32, #tpu.memory_space<vmem>>
        %dma_wait3A_76 = arith.constant 0 : i32
        %dma_wait3A_77 = arith.constant 0 : i32
        %dma_wait3A_78 = tpu.memref_slice %arg13[%dma_wait3A_76, %dma_wait3A_77] : memref<10000x128xf32, #tpu.memory_space<vmem_shared>> -> memref<10000x128xf32, #tpu.memory_space<vmem_shared>>
        tpu.wait_indirect_dma semaphore(%run_scoped3A : memref<!tpu.dma_semaphore, #tpu.memory_space<semaphore_mem>>) src(%arg11 : memref<64x128xf32, #tpu.memory_space<vmem>>) dst(%dma_wait3A_78 : memref<10000x128xf32, #tpu.memory_space<vmem_shared>>)
        tpu.yield
      }) : () -> ()
      %add3A_50 = arith.constant 2 : i32
      %add3A_51 = arith.addi %mul3A_33, %add3A_50 : i32
      %min3A = arith.constant 159 : i32
      %min3A_52 = arith.minsi %add3A_51, %min3A : i32
      %mul3A_53 = arith.constant 64 : i32
      %mul3A_54 = arith.muli %min3A_52, %mul3A_53 : i32
      %dma_start3A_55 = tpu.memref_slice %arg8[%mul3A_54] : memref<10240xi32, #tpu.memory_space<vmem>> -> memref<64xi32, #tpu.memory_space<vmem>>
      %dma_start3A_56 = arith.constant 0 : i32
      %dma_start3A_57 = arith.constant 0 : i32
      %dma_start3A_58 = tpu.memref_slice %arg2[%dma_start3A_56, %dma_start3A_57] : memref<90000x128xf32, #tpu.memory_space<hbm>> -> memref<90000x128xf32, #tpu.memory_space<hbm>>
      tpu.enqueue_indirect_dma source(%dma_start3A_58 : memref<90000x128xf32, #tpu.memory_space<hbm>>) target(%arg11 : memref<64x128xf32, #tpu.memory_space<vmem>>) offsets(%dma_start3A_55 : memref<64xi32, #tpu.memory_space<vmem>>) semaphore(%arg14 : memref<!tpu.dma_semaphore, #tpu.memory_space<semaphore_mem>>)
      %add3A_59 = arith.constant 1 : i32
      %add3A_60 = arith.addi %mul3A_33, %add3A_59 : i32
      %mul3A_61 = arith.constant 64 : i32
      %mul3A_62 = arith.muli %add3A_60, %mul3A_61 : i32
      %dma_wait3A_63 = tpu.memref_slice %arg8[%mul3A_62] : memref<10240xi32, #tpu.memory_space<vmem>> -> memref<64xi32, #tpu.memory_space<vmem>>
      %dma_wait3A_64 = arith.constant 0 : i32
      %dma_wait3A_65 = arith.constant 0 : i32
      %dma_wait3A_66 = tpu.memref_slice %arg2[%dma_wait3A_64, %dma_wait3A_65] : memref<90000x128xf32, #tpu.memory_space<hbm>> -> memref<90000x128xf32, #tpu.memory_space<hbm>>
      tpu.wait_indirect_dma semaphore(%arg15 : memref<!tpu.dma_semaphore, #tpu.memory_space<semaphore_mem>>) src(%dma_wait3A_66 : memref<90000x128xf32, #tpu.memory_space<hbm>>) dst(%arg12 : memref<64x128xf32, #tpu.memory_space<vmem>>)
      %add3A_67 = arith.constant 1 : i32
      %add3A_68 = arith.addi %mul3A_33, %add3A_67 : i32
      %mul3A_69 = arith.constant 64 : i32
      %mul3A_70 = arith.muli %add3A_68, %mul3A_69 : i32
      "tpu.region"() ({
        %run_scoped3A = tpu.sem_alloc : memref<!tpu.dma_semaphore, #tpu.memory_space<semaphore_mem>>
        %dma_start3A_71 = tpu.memref_slice %arg9[%mul3A_70] : memref<10240xi32, #tpu.memory_space<vmem>> -> memref<64xi32, #tpu.memory_space<vmem>>
        %dma_start3A_72 = arith.constant 0 : i32
        %dma_start3A_73 = arith.constant 0 : i32
        %dma_start3A_74 = tpu.memref_slice %arg13[%dma_start3A_72, %dma_start3A_73] : memref<10000x128xf32, #tpu.memory_space<vmem_shared>> -> memref<10000x128xf32, #tpu.memory_space<vmem_shared>>
        tpu.enqueue_indirect_dma source(%arg12 : memref<64x128xf32, #tpu.memory_space<vmem>>) target(%dma_start3A_74 : memref<10000x128xf32, #tpu.memory_space<vmem_shared>>) offsets(%dma_start3A_71 : memref<64xi32, #tpu.memory_space<vmem>>) semaphore(%run_scoped3A : memref<!tpu.dma_semaphore, #tpu.memory_space<semaphore_mem>>) {add = true}
        %dma_wait3A_75 = tpu.memref_slice %arg9[%mul3A_70] : memref<10240xi32, #tpu.memory_space<vmem>> -> memref<64xi32, #tpu.memory_space<vmem>>
        %dma_wait3A_76 = arith.constant 0 : i32
        %dma_wait3A_77 = arith.constant 0 : i32
        %dma_wait3A_78 = tpu.memref_slice %arg13[%dma_wait3A_76, %dma_wait3A_77] : memref<10000x128xf32, #tpu.memory_space<vmem_shared>> -> memref<10000x128xf32, #tpu.memory_space<vmem_shared>>
        tpu.wait_indirect_dma semaphore(%run_scoped3A : memref<!tpu.dma_semaphore, #tpu.memory_space<semaphore_mem>>) src(%arg12 : memref<64x128xf32, #tpu.memory_space<vmem>>) dst(%dma_wait3A_78 : memref<10000x128xf32, #tpu.memory_space<vmem_shared>>)
        tpu.yield
      }) : () -> ()
    }
    %scan3A_16 = arith.constant 80 : i32
    %dma_wait3A = arith.constant 10176 : i32
    %dma_wait3A_17 = tpu.memref_slice %arg8[%dma_wait3A] : memref<10240xi32, #tpu.memory_space<vmem>> -> memref<64xi32, #tpu.memory_space<vmem>>
    %dma_wait3A_18 = arith.constant 0 : i32
    %dma_wait3A_19 = arith.constant 0 : i32
    %dma_wait3A_20 = tpu.memref_slice %arg2[%dma_wait3A_18, %dma_wait3A_19] : memref<90000x128xf32, #tpu.memory_space<hbm>> -> memref<90000x128xf32, #tpu.memory_space<hbm>>
    tpu.wait_indirect_dma semaphore(%arg14 : memref<!tpu.dma_semaphore, #tpu.memory_space<semaphore_mem>>) src(%dma_wait3A_20 : memref<90000x128xf32, #tpu.memory_space<hbm>>) dst(%arg11 : memref<64x128xf32, #tpu.memory_space<vmem>>)
    %barrier3A_21 = arith.constant 0 : index
    tpu.barrier barrier_id(%barrier3A_21)
    %mul3A_22 = arith.constant 624 : i32
    %mul3A_23 = arith.muli %arg1, %mul3A_22 : i32
    %mul3A_24 = arith.constant 624 : i32
    %mul3A_25 = arith.muli %arg1, %mul3A_24 : i32
    "tpu.region"() ({
      %run_scoped3A = tpu.sem_alloc : memref<!tpu.dma_semaphore, #tpu.memory_space<semaphore_mem>>
      %dma_start3A_31 = arith.constant 0 : i32
      %dma_start3A_32 = tpu.memref_slice %arg7[%arg0, %mul3A_25, %dma_start3A_31] : memref<2x10000x128xf32, #tpu.memory_space<hbm>> -> memref<1x624x128xf32, #tpu.memory_space<hbm>>
      %dma_start3A_33 = tpu.memref_squeeze %dma_start3A_32 : memref<1x624x128xf32, #tpu.memory_space<hbm>> -> memref<624x128xf32, #tpu.memory_space<hbm>>
      %dma_start3A_34 = arith.constant 0 : i32
      %dma_start3A_35 = tpu.memref_slice %arg13[%mul3A_23, %dma_start3A_34] : memref<10000x128xf32, #tpu.memory_space<vmem_shared>> -> memref<624x128xf32, #tpu.memory_space<vmem_shared>>
      tpu.enqueue_dma source(%dma_start3A_35 : memref<624x128xf32, #tpu.memory_space<vmem_shared>>) target(%dma_start3A_33 : memref<624x128xf32, #tpu.memory_space<hbm>>) target_semaphore(%run_scoped3A : memref<!tpu.dma_semaphore, #tpu.memory_space<semaphore_mem>>)
      %dma_wait3A_36 = arith.constant 0 : i32
      %dma_wait3A_37 = tpu.memref_slice %arg7[%arg0, %mul3A_25, %dma_wait3A_36] : memref<2x10000x128xf32, #tpu.memory_space<hbm>> -> memref<1x624x128xf32, #tpu.memory_space<hbm>>
      %dma_wait3A_38 = tpu.memref_squeeze %dma_wait3A_37 : memref<1x624x128xf32, #tpu.memory_space<hbm>> -> memref<624x128xf32, #tpu.memory_space<hbm>>
      %dma_wait3A_39 = arith.constant 0 : i32
      %dma_wait3A_40 = tpu.memref_slice %arg13[%mul3A_23, %dma_wait3A_39] : memref<10000x128xf32, #tpu.memory_space<vmem_shared>> -> memref<624x128xf32, #tpu.memory_space<vmem_shared>>
      tpu.wait_dma2 semaphore(%run_scoped3A : memref<!tpu.dma_semaphore, #tpu.memory_space<semaphore_mem>>) src(%dma_wait3A_40 : memref<624x128xf32, #tpu.memory_space<vmem_shared>>) dst(%dma_wait3A_38 : memref<624x128xf32, #tpu.memory_space<hbm>>)
      tpu.yield
    }) : () -> ()
    %eq3A_26 = arith.constant 0 : i32
    %eq3A_27 = arith.cmpi eq, %arg1, %eq3A_26 : i32
    %convert_element_type3A_28 = arith.extui %eq3A_27 : i1 to i32
    %cond3A_29 = arith.constant 0 : i32
    %cond3A_30 = arith.cmpi ne, %convert_element_type3A_28, %cond3A_29 : i32
    scf.if %cond3A_30 {
      "tpu.region"() ({
        %run_scoped3A = tpu.sem_alloc : memref<!tpu.dma_semaphore, #tpu.memory_space<semaphore_mem>>
        %dma_start3A_31 = arith.constant 9984 : i32
        %dma_start3A_32 = arith.constant 0 : i32
        %dma_start3A_33 = tpu.memref_slice %arg7[%arg0, %dma_start3A_31, %dma_start3A_32] : memref<2x10000x128xf32, #tpu.memory_space<hbm>> -> memref<1x16x128xf32, #tpu.memory_space<hbm>>
        %dma_start3A_34 = tpu.memref_squeeze %dma_start3A_33 : memref<1x16x128xf32, #tpu.memory_space<hbm>> -> memref<16x128xf32, #tpu.memory_space<hbm>>
        %dma_start3A_35 = arith.constant 9984 : i32
        %dma_start3A_36 = arith.constant 0 : i32
        %dma_start3A_37 = tpu.memref_slice %arg13[%dma_start3A_35, %dma_start3A_36] : memref<10000x128xf32, #tpu.memory_space<vmem_shared>> -> memref<16x128xf32, #tpu.memory_space<vmem_shared>>
        tpu.enqueue_dma source(%dma_start3A_37 : memref<16x128xf32, #tpu.memory_space<vmem_shared>>) target(%dma_start3A_34 : memref<16x128xf32, #tpu.memory_space<hbm>>) target_semaphore(%run_scoped3A : memref<!tpu.dma_semaphore, #tpu.memory_space<semaphore_mem>>)
        %dma_wait3A_38 = arith.constant 9984 : i32
        %dma_wait3A_39 = arith.constant 0 : i32
        %dma_wait3A_40 = tpu.memref_slice %arg7[%arg0, %dma_wait3A_38, %dma_wait3A_39] : memref<2x10000x128xf32, #tpu.memory_space<hbm>> -> memref<1x16x128xf32, #tpu.memory_space<hbm>>
        %dma_wait3A_41 = tpu.memref_squeeze %dma_wait3A_40 : memref<1x16x128xf32, #tpu.memory_space<hbm>> -> memref<16x128xf32, #tpu.memory_space<hbm>>
        %dma_wait3A_42 = arith.constant 9984 : i32
        %dma_wait3A_43 = arith.constant 0 : i32
        %dma_wait3A_44 = tpu.memref_slice %arg13[%dma_wait3A_42, %dma_wait3A_43] : memref<10000x128xf32, #tpu.memory_space<vmem_shared>> -> memref<16x128xf32, #tpu.memory_space<vmem_shared>>
        tpu.wait_dma2 semaphore(%run_scoped3A : memref<!tpu.dma_semaphore, #tpu.memory_space<semaphore_mem>>) src(%dma_wait3A_44 : memref<16x128xf32, #tpu.memory_space<vmem_shared>>) dst(%dma_wait3A_41 : memref<16x128xf32, #tpu.memory_space<hbm>>)
        tpu.yield
      }) : () -> ()
    } else {
    }
    return
  }
}

#map = affine_map<(d0, d1) -> (0)>
module attributes {stable_mosaic.version = 14 : i64} {
  func.func @_sc_inve(%arg0: i32, %arg1: i32, %arg2: memref<90112xf32, #tpu.memory_space<hbm>>, %arg3: memref<327680xi32, #tpu.memory_space<hbm>>, %arg4: memref<327680xf32, #tpu.memory_space<hbm>>, %arg5: memref<10240xi32, #tpu.memory_space<vmem>>, %arg6: memref<10240xf32, #tpu.memory_space<vmem>>, %arg7: memref<!tpu.dma_semaphore, #tpu.memory_space<semaphore_mem>>) attributes {dimension_semantics = [#tpu.dimension_semantics<core_parallel>, #tpu.dimension_semantics<subcore_parallel>], iteration_bounds = array<i64: 2, 16>, scalar_prefetch = 0 : i64, scratch_operands = 3 : i64, tpu.core_type = #tpu.core_type<sc_vector_subcore>, window_params = [{transform_indices = #map}, {transform_indices = #map}, {transform_indices = #map}]} {
    %mul3A = arith.constant 2 : i32
    %mul3A_0 = arith.muli %arg1, %mul3A : i32
    %add3A = arith.addi %mul3A_0, %arg0 : i32
    %mul3A_1 = arith.constant 10240 : i32
    %mul3A_2 = arith.muli %add3A, %mul3A_1 : i32
    "tpu.region"() ({
      %run_scoped3A = tpu.sem_alloc : memref<!tpu.dma_semaphore, #tpu.memory_space<semaphore_mem>>
      %dma_start3A_5 = tpu.memref_slice %arg3[%mul3A_2] : memref<327680xi32, #tpu.memory_space<hbm>> -> memref<10240xi32, #tpu.memory_space<hbm>>
      %dma_start3A_6 = tpu.memref_slice %arg3[%mul3A_2] : memref<327680xi32, #tpu.memory_space<hbm>> -> memref<10240xi32, #tpu.memory_space<hbm>>
      tpu.enqueue_dma source(%dma_start3A_6 : memref<10240xi32, #tpu.memory_space<hbm>>) target(%arg5 : memref<10240xi32, #tpu.memory_space<vmem>>) target_semaphore(%run_scoped3A : memref<!tpu.dma_semaphore, #tpu.memory_space<semaphore_mem>>)
      %dma_wait3A_7 = tpu.memref_slice %arg3[%mul3A_2] : memref<327680xi32, #tpu.memory_space<hbm>> -> memref<10240xi32, #tpu.memory_space<hbm>>
      %dma_wait3A_8 = tpu.memref_slice %arg3[%mul3A_2] : memref<327680xi32, #tpu.memory_space<hbm>> -> memref<10240xi32, #tpu.memory_space<hbm>>
      tpu.wait_dma2 semaphore(%run_scoped3A : memref<!tpu.dma_semaphore, #tpu.memory_space<semaphore_mem>>) src(%dma_wait3A_8 : memref<10240xi32, #tpu.memory_space<hbm>>) dst(%arg5 : memref<10240xi32, #tpu.memory_space<vmem>>)
      tpu.yield
    }) : () -> ()
    %dma_start3A = arith.constant 0 : i32
    %dma_start3A_3 = tpu.memref_slice %arg2[%dma_start3A] : memref<90112xf32, #tpu.memory_space<hbm>> -> memref<90112xf32, #tpu.memory_space<hbm>>
    tpu.enqueue_indirect_dma source(%dma_start3A_3 : memref<90112xf32, #tpu.memory_space<hbm>>) target(%arg6 : memref<10240xf32, #tpu.memory_space<vmem>>) offsets(%arg5 : memref<10240xi32, #tpu.memory_space<vmem>>) semaphore(%arg7 : memref<!tpu.dma_semaphore, #tpu.memory_space<semaphore_mem>>)
    %dma_wait3A = arith.constant 0 : i32
    %dma_wait3A_4 = tpu.memref_slice %arg2[%dma_wait3A] : memref<90112xf32, #tpu.memory_space<hbm>> -> memref<90112xf32, #tpu.memory_space<hbm>>
    tpu.wait_indirect_dma semaphore(%arg7 : memref<!tpu.dma_semaphore, #tpu.memory_space<semaphore_mem>>) src(%dma_wait3A_4 : memref<90112xf32, #tpu.memory_space<hbm>>) dst(%arg6 : memref<10240xf32, #tpu.memory_space<vmem>>)
    "tpu.region"() ({
      %run_scoped3A = tpu.sem_alloc : memref<!tpu.dma_semaphore, #tpu.memory_space<semaphore_mem>>
      %dma_start3A_5 = tpu.memref_slice %arg4[%mul3A_2] : memref<327680xf32, #tpu.memory_space<hbm>> -> memref<10240xf32, #tpu.memory_space<hbm>>
      %dma_start3A_6 = tpu.memref_slice %arg4[%mul3A_2] : memref<327680xf32, #tpu.memory_space<hbm>> -> memref<10240xf32, #tpu.memory_space<hbm>>
      tpu.enqueue_dma source(%arg6 : memref<10240xf32, #tpu.memory_space<vmem>>) target(%dma_start3A_6 : memref<10240xf32, #tpu.memory_space<hbm>>) target_semaphore(%run_scoped3A : memref<!tpu.dma_semaphore, #tpu.memory_space<semaphore_mem>>)
      %dma_wait3A_7 = tpu.memref_slice %arg4[%mul3A_2] : memref<327680xf32, #tpu.memory_space<hbm>> -> memref<10240xf32, #tpu.memory_space<hbm>>
      %dma_wait3A_8 = tpu.memref_slice %arg4[%mul3A_2] : memref<327680xf32, #tpu.memory_space<hbm>> -> memref<10240xf32, #tpu.memory_space<hbm>>
      tpu.wait_dma2 semaphore(%run_scoped3A : memref<!tpu.dma_semaphore, #tpu.memory_space<semaphore_mem>>) src(%arg6 : memref<10240xf32, #tpu.memory_space<vmem>>) dst(%dma_wait3A_8 : memref<10240xf32, #tpu.memory_space<hbm>>)
      tpu.yield
    }) : () -> ()
    return
  }
}

#map = affine_map<(d0, d1) -> (0, 0)>
#map1 = affine_map<(d0, d1) -> (0)>
#map2 = affine_map<(d0, d1) -> (0, 0, 0)>
module attributes {stable_mosaic.version = 14 : i64} {
  func.func @_sc_edge(%arg0: i32, %arg1: i32, %arg2: memref<90000x128xf32, #tpu.memory_space<hbm>>, %arg3: memref<327680xi32, #tpu.memory_space<hbm>>, %arg4: memref<327680xi32, #tpu.memory_space<hbm>>, %arg5: memref<327680xf32, #tpu.memory_space<hbm>>, %arg6: memref<10000x128xf32, #tpu.memory_space<hbm>>, %arg7: memref<2x10000x128xf32, #tpu.memory_space<hbm>>, %arg8: memref<10240xi32, #tpu.memory_space<vmem>>, %arg9: memref<10240xi32, #tpu.memory_space<vmem>>, %arg10: memref<10240xf32, #tpu.memory_space<vmem>>, %arg11: memref<64x128xf32, #tpu.memory_space<vmem>>, %arg12: memref<64x128xf32, #tpu.memory_space<vmem>>, %arg13: memref<10000x128xf32, #tpu.memory_space<vmem_shared>>, %arg14: memref<!tpu.dma_semaphore, #tpu.memory_space<semaphore_mem>>, %arg15: memref<!tpu.dma_semaphore, #tpu.memory_space<semaphore_mem>>) attributes {dimension_semantics = [#tpu.dimension_semantics<core_parallel>, #tpu.dimension_semantics<subcore_parallel>], iteration_bounds = array<i64: 2, 16>, scalar_prefetch = 0 : i64, scratch_operands = 8 : i64, tpu.core_type = #tpu.core_type<sc_vector_subcore>, window_params = [{transform_indices = #map}, {transform_indices = #map1}, {transform_indices = #map1}, {transform_indices = #map1}, {transform_indices = #map}, {transform_indices = #map2}]} {
    %mul3A = arith.constant 2 : i32
    %mul3A_0 = arith.muli %arg1, %mul3A : i32
    %add3A = arith.addi %mul3A_0, %arg0 : i32
    %mul3A_1 = arith.constant 10240 : i32
    %mul3A_2 = arith.muli %add3A, %mul3A_1 : i32
    "tpu.region"() ({
      %run_scoped3A = tpu.sem_alloc : memref<!tpu.dma_semaphore, #tpu.memory_space<semaphore_mem>>
      %dma_start3A_31 = tpu.memref_slice %arg3[%mul3A_2] : memref<327680xi32, #tpu.memory_space<hbm>> -> memref<10240xi32, #tpu.memory_space<hbm>>
      %dma_start3A_32 = tpu.memref_slice %arg3[%mul3A_2] : memref<327680xi32, #tpu.memory_space<hbm>> -> memref<10240xi32, #tpu.memory_space<hbm>>
      tpu.enqueue_dma source(%dma_start3A_32 : memref<10240xi32, #tpu.memory_space<hbm>>) target(%arg8 : memref<10240xi32, #tpu.memory_space<vmem>>) target_semaphore(%run_scoped3A : memref<!tpu.dma_semaphore, #tpu.memory_space<semaphore_mem>>)
      %dma_wait3A_33 = tpu.memref_slice %arg3[%mul3A_2] : memref<327680xi32, #tpu.memory_space<hbm>> -> memref<10240xi32, #tpu.memory_space<hbm>>
      %dma_wait3A_34 = tpu.memref_slice %arg3[%mul3A_2] : memref<327680xi32, #tpu.memory_space<hbm>> -> memref<10240xi32, #tpu.memory_space<hbm>>
      tpu.wait_dma2 semaphore(%run_scoped3A : memref<!tpu.dma_semaphore, #tpu.memory_space<semaphore_mem>>) src(%dma_wait3A_34 : memref<10240xi32, #tpu.memory_space<hbm>>) dst(%arg8 : memref<10240xi32, #tpu.memory_space<vmem>>)
      tpu.yield
    }) : () -> ()
    "tpu.region"() ({
      %run_scoped3A = tpu.sem_alloc : memref<!tpu.dma_semaphore, #tpu.memory_space<semaphore_mem>>
      %dma_start3A_31 = tpu.memref_slice %arg4[%mul3A_2] : memref<327680xi32, #tpu.memory_space<hbm>> -> memref<10240xi32, #tpu.memory_space<hbm>>
      %dma_start3A_32 = tpu.memref_slice %arg4[%mul3A_2] : memref<327680xi32, #tpu.memory_space<hbm>> -> memref<10240xi32, #tpu.memory_space<hbm>>
      tpu.enqueue_dma source(%dma_start3A_32 : memref<10240xi32, #tpu.memory_space<hbm>>) target(%arg9 : memref<10240xi32, #tpu.memory_space<vmem>>) target_semaphore(%run_scoped3A : memref<!tpu.dma_semaphore, #tpu.memory_space<semaphore_mem>>)
      %dma_wait3A_33 = tpu.memref_slice %arg4[%mul3A_2] : memref<327680xi32, #tpu.memory_space<hbm>> -> memref<10240xi32, #tpu.memory_space<hbm>>
      %dma_wait3A_34 = tpu.memref_slice %arg4[%mul3A_2] : memref<327680xi32, #tpu.memory_space<hbm>> -> memref<10240xi32, #tpu.memory_space<hbm>>
      tpu.wait_dma2 semaphore(%run_scoped3A : memref<!tpu.dma_semaphore, #tpu.memory_space<semaphore_mem>>) src(%dma_wait3A_34 : memref<10240xi32, #tpu.memory_space<hbm>>) dst(%arg9 : memref<10240xi32, #tpu.memory_space<vmem>>)
      tpu.yield
    }) : () -> ()
    "tpu.region"() ({
      %run_scoped3A = tpu.sem_alloc : memref<!tpu.dma_semaphore, #tpu.memory_space<semaphore_mem>>
      %dma_start3A_31 = tpu.memref_slice %arg5[%mul3A_2] : memref<327680xf32, #tpu.memory_space<hbm>> -> memref<10240xf32, #tpu.memory_space<hbm>>
      %dma_start3A_32 = tpu.memref_slice %arg5[%mul3A_2] : memref<327680xf32, #tpu.memory_space<hbm>> -> memref<10240xf32, #tpu.memory_space<hbm>>
      tpu.enqueue_dma source(%dma_start3A_32 : memref<10240xf32, #tpu.memory_space<hbm>>) target(%arg10 : memref<10240xf32, #tpu.memory_space<vmem>>) target_semaphore(%run_scoped3A : memref<!tpu.dma_semaphore, #tpu.memory_space<semaphore_mem>>)
      %dma_wait3A_33 = tpu.memref_slice %arg5[%mul3A_2] : memref<327680xf32, #tpu.memory_space<hbm>> -> memref<10240xf32, #tpu.memory_space<hbm>>
      %dma_wait3A_34 = tpu.memref_slice %arg5[%mul3A_2] : memref<327680xf32, #tpu.memory_space<hbm>> -> memref<10240xf32, #tpu.memory_space<hbm>>
      tpu.wait_dma2 semaphore(%run_scoped3A : memref<!tpu.dma_semaphore, #tpu.memory_space<semaphore_mem>>) src(%dma_wait3A_34 : memref<10240xf32, #tpu.memory_space<hbm>>) dst(%arg10 : memref<10240xf32, #tpu.memory_space<vmem>>)
      tpu.yield
    }) : () -> ()
    %mul3A_3 = arith.constant 624 : i32
    %mul3A_4 = arith.muli %arg1, %mul3A_3 : i32
    %mul3A_5 = arith.constant 624 : i32
    %mul3A_6 = arith.muli %arg1, %mul3A_5 : i32
    "tpu.region"() ({
      %run_scoped3A = tpu.sem_alloc : memref<!tpu.dma_semaphore, #tpu.memory_space<semaphore_mem>>
      %dma_start3A_31 = arith.constant 0 : i32
      %dma_start3A_32 = tpu.memref_slice %arg13[%mul3A_6, %dma_start3A_31] : memref<10000x128xf32, #tpu.memory_space<vmem_shared>> -> memref<624x128xf32, #tpu.memory_space<vmem_shared>>
      %dma_start3A_33 = arith.constant 0 : i32
      %dma_start3A_34 = tpu.memref_slice %arg6[%mul3A_4, %dma_start3A_33] : memref<10000x128xf32, #tpu.memory_space<hbm>> -> memref<624x128xf32, #tpu.memory_space<hbm>>
      tpu.enqueue_dma source(%dma_start3A_34 : memref<624x128xf32, #tpu.memory_space<hbm>>) target(%dma_start3A_32 : memref<624x128xf32, #tpu.memory_space<vmem_shared>>) target_semaphore(%run_scoped3A : memref<!tpu.dma_semaphore, #tpu.memory_space<semaphore_mem>>)
      %dma_wait3A_35 = arith.constant 0 : i32
      %dma_wait3A_36 = tpu.memref_slice %arg13[%mul3A_6, %dma_wait3A_35] : memref<10000x128xf32, #tpu.memory_space<vmem_shared>> -> memref<624x128xf32, #tpu.memory_space<vmem_shared>>
      %dma_wait3A_37 = arith.constant 0 : i32
      %dma_wait3A_38 = tpu.memref_slice %arg6[%mul3A_4, %dma_wait3A_37] : memref<10000x128xf32, #tpu.memory_space<hbm>> -> memref<624x128xf32, #tpu.memory_space<hbm>>
      tpu.wait_dma2 semaphore(%run_scoped3A : memref<!tpu.dma_semaphore, #tpu.memory_space<semaphore_mem>>) src(%dma_wait3A_38 : memref<624x128xf32, #tpu.memory_space<hbm>>) dst(%dma_wait3A_36 : memref<624x128xf32, #tpu.memory_space<vmem_shared>>)
      tpu.yield
    }) : () -> ()
    %eq3A = arith.constant 0 : i32
    %eq3A_7 = arith.cmpi eq, %arg1, %eq3A : i32
    %convert_element_type3A = arith.extui %eq3A_7 : i1 to i32
    %cond3A = arith.constant 0 : i32
    %cond3A_8 = arith.cmpi ne, %convert_element_type3A, %cond3A : i32
    scf.if %cond3A_8 {
      "tpu.region"() ({
        %run_scoped3A = tpu.sem_alloc : memref<!tpu.dma_semaphore, #tpu.memory_space<semaphore_mem>>
        %dma_start3A_31 = arith.constant 9984 : i32
        %dma_start3A_32 = arith.constant 0 : i32
        %dma_start3A_33 = tpu.memref_slice %arg13[%dma_start3A_31, %dma_start3A_32] : memref<10000x128xf32, #tpu.memory_space<vmem_shared>> -> memref<16x128xf32, #tpu.memory_space<vmem_shared>>
        %dma_start3A_34 = arith.constant 9984 : i32
        %dma_start3A_35 = arith.constant 0 : i32
        %dma_start3A_36 = tpu.memref_slice %arg6[%dma_start3A_34, %dma_start3A_35] : memref<10000x128xf32, #tpu.memory_space<hbm>> -> memref<16x128xf32, #tpu.memory_space<hbm>>
        tpu.enqueue_dma source(%dma_start3A_36 : memref<16x128xf32, #tpu.memory_space<hbm>>) target(%dma_start3A_33 : memref<16x128xf32, #tpu.memory_space<vmem_shared>>) target_semaphore(%run_scoped3A : memref<!tpu.dma_semaphore, #tpu.memory_space<semaphore_mem>>)
        %dma_wait3A_37 = arith.constant 9984 : i32
        %dma_wait3A_38 = arith.constant 0 : i32
        %dma_wait3A_39 = tpu.memref_slice %arg13[%dma_wait3A_37, %dma_wait3A_38] : memref<10000x128xf32, #tpu.memory_space<vmem_shared>> -> memref<16x128xf32, #tpu.memory_space<vmem_shared>>
        %dma_wait3A_40 = arith.constant 9984 : i32
        %dma_wait3A_41 = arith.constant 0 : i32
        %dma_wait3A_42 = tpu.memref_slice %arg6[%dma_wait3A_40, %dma_wait3A_41] : memref<10000x128xf32, #tpu.memory_space<hbm>> -> memref<16x128xf32, #tpu.memory_space<hbm>>
        tpu.wait_dma2 semaphore(%run_scoped3A : memref<!tpu.dma_semaphore, #tpu.memory_space<semaphore_mem>>) src(%dma_wait3A_42 : memref<16x128xf32, #tpu.memory_space<hbm>>) dst(%dma_wait3A_39 : memref<16x128xf32, #tpu.memory_space<vmem_shared>>)
        tpu.yield
      }) : () -> ()
    } else {
    }
    %barrier3A = arith.constant 0 : index
    tpu.barrier barrier_id(%barrier3A)
    %dma_start3A = arith.constant 0 : i32
    %dma_start3A_9 = tpu.memref_slice %arg8[%dma_start3A] : memref<10240xi32, #tpu.memory_space<vmem>> -> memref<64xi32, #tpu.memory_space<vmem>>
    %dma_start3A_10 = arith.constant 0 : i32
    %dma_start3A_11 = arith.constant 0 : i32
    %dma_start3A_12 = tpu.memref_slice %arg2[%dma_start3A_10, %dma_start3A_11] : memref<90000x128xf32, #tpu.memory_space<hbm>> -> memref<90000x128xf32, #tpu.memory_space<hbm>>
    tpu.enqueue_indirect_dma source(%dma_start3A_12 : memref<90000x128xf32, #tpu.memory_space<hbm>>) target(%arg11 : memref<64x128xf32, #tpu.memory_space<vmem>>) offsets(%dma_start3A_9 : memref<64xi32, #tpu.memory_space<vmem>>) semaphore(%arg14 : memref<!tpu.dma_semaphore, #tpu.memory_space<semaphore_mem>>)
    %scan3A = arith.constant 0 : i32
    %scan3A_13 = arith.constant 80 : i32
    %scan3A_14 = arith.addi %scan3A, %scan3A_13 : i32
    %scan3A_15 = arith.constant 1 : i32
    scf.for %scan3A_31 = %scan3A to %scan3A_14 step %scan3A_15  : i32 {
      %mul3A_32 = arith.constant 2 : i32
      %mul3A_33 = arith.muli %mul3A_32, %scan3A_31 : i32
      %add3A_34 = arith.constant 1 : i32
      %add3A_35 = arith.addi %mul3A_33, %add3A_34 : i32
      %mul3A_36 = arith.constant 64 : i32
      %mul3A_37 = arith.muli %add3A_35, %mul3A_36 : i32
      %dma_start3A_38 = tpu.memref_slice %arg8[%mul3A_37] : memref<10240xi32, #tpu.memory_space<vmem>> -> memref<64xi32, #tpu.memory_space<vmem>>
      %dma_start3A_39 = arith.constant 0 : i32
      %dma_start3A_40 = arith.constant 0 : i32
      %dma_start3A_41 = tpu.memref_slice %arg2[%dma_start3A_39, %dma_start3A_40] : memref<90000x128xf32, #tpu.memory_space<hbm>> -> memref<90000x128xf32, #tpu.memory_space<hbm>>
      tpu.enqueue_indirect_dma source(%dma_start3A_41 : memref<90000x128xf32, #tpu.memory_space<hbm>>) target(%arg12 : memref<64x128xf32, #tpu.memory_space<vmem>>) offsets(%dma_start3A_38 : memref<64xi32, #tpu.memory_space<vmem>>) semaphore(%arg15 : memref<!tpu.dma_semaphore, #tpu.memory_space<semaphore_mem>>)
      %mul3A_42 = arith.constant 64 : i32
      %mul3A_43 = arith.muli %mul3A_33, %mul3A_42 : i32
      %dma_wait3A_44 = tpu.memref_slice %arg8[%mul3A_43] : memref<10240xi32, #tpu.memory_space<vmem>> -> memref<64xi32, #tpu.memory_space<vmem>>
      %dma_wait3A_45 = arith.constant 0 : i32
      %dma_wait3A_46 = arith.constant 0 : i32
      %dma_wait3A_47 = tpu.memref_slice %arg2[%dma_wait3A_45, %dma_wait3A_46] : memref<90000x128xf32, #tpu.memory_space<hbm>> -> memref<90000x128xf32, #tpu.memory_space<hbm>>
      tpu.wait_indirect_dma semaphore(%arg14 : memref<!tpu.dma_semaphore, #tpu.memory_space<semaphore_mem>>) src(%dma_wait3A_47 : memref<90000x128xf32, #tpu.memory_space<hbm>>) dst(%arg11 : memref<64x128xf32, #tpu.memory_space<vmem>>)
      %mul3A_48 = arith.constant 64 : i32
      %mul3A_49 = arith.muli %mul3A_33, %mul3A_48 : i32
      "tpu.region"() ({
        %run_scoped3A = tpu.sem_alloc : memref<!tpu.dma_semaphore, #tpu.memory_space<semaphore_mem>>
        %dma_start3A_71 = tpu.memref_slice %arg9[%mul3A_49] : memref<10240xi32, #tpu.memory_space<vmem>> -> memref<64xi32, #tpu.memory_space<vmem>>
        %dma_start3A_72 = arith.constant 0 : i32
        %dma_start3A_73 = arith.constant 0 : i32
        %dma_start3A_74 = tpu.memref_slice %arg13[%dma_start3A_72, %dma_start3A_73] : memref<10000x128xf32, #tpu.memory_space<vmem_shared>> -> memref<10000x128xf32, #tpu.memory_space<vmem_shared>>
        tpu.enqueue_indirect_dma source(%arg11 : memref<64x128xf32, #tpu.memory_space<vmem>>) target(%dma_start3A_74 : memref<10000x128xf32, #tpu.memory_space<vmem_shared>>) offsets(%dma_start3A_71 : memref<64xi32, #tpu.memory_space<vmem>>) semaphore(%run_scoped3A : memref<!tpu.dma_semaphore, #tpu.memory_space<semaphore_mem>>) {add = true}
        %dma_wait3A_75 = tpu.memref_slice %arg9[%mul3A_49] : memref<10240xi32, #tpu.memory_space<vmem>> -> memref<64xi32, #tpu.memory_space<vmem>>
        %dma_wait3A_76 = arith.constant 0 : i32
        %dma_wait3A_77 = arith.constant 0 : i32
        %dma_wait3A_78 = tpu.memref_slice %arg13[%dma_wait3A_76, %dma_wait3A_77] : memref<10000x128xf32, #tpu.memory_space<vmem_shared>> -> memref<10000x128xf32, #tpu.memory_space<vmem_shared>>
        tpu.wait_indirect_dma semaphore(%run_scoped3A : memref<!tpu.dma_semaphore, #tpu.memory_space<semaphore_mem>>) src(%arg11 : memref<64x128xf32, #tpu.memory_space<vmem>>) dst(%dma_wait3A_78 : memref<10000x128xf32, #tpu.memory_space<vmem_shared>>)
        tpu.yield
      }) : () -> ()
      %add3A_50 = arith.constant 2 : i32
      %add3A_51 = arith.addi %mul3A_33, %add3A_50 : i32
      %min3A = arith.constant 159 : i32
      %min3A_52 = arith.minsi %add3A_51, %min3A : i32
      %mul3A_53 = arith.constant 64 : i32
      %mul3A_54 = arith.muli %min3A_52, %mul3A_53 : i32
      %dma_start3A_55 = tpu.memref_slice %arg8[%mul3A_54] : memref<10240xi32, #tpu.memory_space<vmem>> -> memref<64xi32, #tpu.memory_space<vmem>>
      %dma_start3A_56 = arith.constant 0 : i32
      %dma_start3A_57 = arith.constant 0 : i32
      %dma_start3A_58 = tpu.memref_slice %arg2[%dma_start3A_56, %dma_start3A_57] : memref<90000x128xf32, #tpu.memory_space<hbm>> -> memref<90000x128xf32, #tpu.memory_space<hbm>>
      tpu.enqueue_indirect_dma source(%dma_start3A_58 : memref<90000x128xf32, #tpu.memory_space<hbm>>) target(%arg11 : memref<64x128xf32, #tpu.memory_space<vmem>>) offsets(%dma_start3A_55 : memref<64xi32, #tpu.memory_space<vmem>>) semaphore(%arg14 : memref<!tpu.dma_semaphore, #tpu.memory_space<semaphore_mem>>)
      %add3A_59 = arith.constant 1 : i32
      %add3A_60 = arith.addi %mul3A_33, %add3A_59 : i32
      %mul3A_61 = arith.constant 64 : i32
      %mul3A_62 = arith.muli %add3A_60, %mul3A_61 : i32
      %dma_wait3A_63 = tpu.memref_slice %arg8[%mul3A_62] : memref<10240xi32, #tpu.memory_space<vmem>> -> memref<64xi32, #tpu.memory_space<vmem>>
      %dma_wait3A_64 = arith.constant 0 : i32
      %dma_wait3A_65 = arith.constant 0 : i32
      %dma_wait3A_66 = tpu.memref_slice %arg2[%dma_wait3A_64, %dma_wait3A_65] : memref<90000x128xf32, #tpu.memory_space<hbm>> -> memref<90000x128xf32, #tpu.memory_space<hbm>>
      tpu.wait_indirect_dma semaphore(%arg15 : memref<!tpu.dma_semaphore, #tpu.memory_space<semaphore_mem>>) src(%dma_wait3A_66 : memref<90000x128xf32, #tpu.memory_space<hbm>>) dst(%arg12 : memref<64x128xf32, #tpu.memory_space<vmem>>)
      %add3A_67 = arith.constant 1 : i32
      %add3A_68 = arith.addi %mul3A_33, %add3A_67 : i32
      %mul3A_69 = arith.constant 64 : i32
      %mul3A_70 = arith.muli %add3A_68, %mul3A_69 : i32
      "tpu.region"() ({
        %run_scoped3A = tpu.sem_alloc : memref<!tpu.dma_semaphore, #tpu.memory_space<semaphore_mem>>
        %dma_start3A_71 = tpu.memref_slice %arg9[%mul3A_70] : memref<10240xi32, #tpu.memory_space<vmem>> -> memref<64xi32, #tpu.memory_space<vmem>>
        %dma_start3A_72 = arith.constant 0 : i32
        %dma_start3A_73 = arith.constant 0 : i32
        %dma_start3A_74 = tpu.memref_slice %arg13[%dma_start3A_72, %dma_start3A_73] : memref<10000x128xf32, #tpu.memory_space<vmem_shared>> -> memref<10000x128xf32, #tpu.memory_space<vmem_shared>>
        tpu.enqueue_indirect_dma source(%arg12 : memref<64x128xf32, #tpu.memory_space<vmem>>) target(%dma_start3A_74 : memref<10000x128xf32, #tpu.memory_space<vmem_shared>>) offsets(%dma_start3A_71 : memref<64xi32, #tpu.memory_space<vmem>>) semaphore(%run_scoped3A : memref<!tpu.dma_semaphore, #tpu.memory_space<semaphore_mem>>) {add = true}
        %dma_wait3A_75 = tpu.memref_slice %arg9[%mul3A_70] : memref<10240xi32, #tpu.memory_space<vmem>> -> memref<64xi32, #tpu.memory_space<vmem>>
        %dma_wait3A_76 = arith.constant 0 : i32
        %dma_wait3A_77 = arith.constant 0 : i32
        %dma_wait3A_78 = tpu.memref_slice %arg13[%dma_wait3A_76, %dma_wait3A_77] : memref<10000x128xf32, #tpu.memory_space<vmem_shared>> -> memref<10000x128xf32, #tpu.memory_space<vmem_shared>>
        tpu.wait_indirect_dma semaphore(%run_scoped3A : memref<!tpu.dma_semaphore, #tpu.memory_space<semaphore_mem>>) src(%arg12 : memref<64x128xf32, #tpu.memory_space<vmem>>) dst(%dma_wait3A_78 : memref<10000x128xf32, #tpu.memory_space<vmem_shared>>)
        tpu.yield
      }) : () -> ()
    }
    %scan3A_16 = arith.constant 80 : i32
    %dma_wait3A = arith.constant 10176 : i32
    %dma_wait3A_17 = tpu.memref_slice %arg8[%dma_wait3A] : memref<10240xi32, #tpu.memory_space<vmem>> -> memref<64xi32, #tpu.memory_space<vmem>>
    %dma_wait3A_18 = arith.constant 0 : i32
    %dma_wait3A_19 = arith.constant 0 : i32
    %dma_wait3A_20 = tpu.memref_slice %arg2[%dma_wait3A_18, %dma_wait3A_19] : memref<90000x128xf32, #tpu.memory_space<hbm>> -> memref<90000x128xf32, #tpu.memory_space<hbm>>
    tpu.wait_indirect_dma semaphore(%arg14 : memref<!tpu.dma_semaphore, #tpu.memory_space<semaphore_mem>>) src(%dma_wait3A_20 : memref<90000x128xf32, #tpu.memory_space<hbm>>) dst(%arg11 : memref<64x128xf32, #tpu.memory_space<vmem>>)
    %barrier3A_21 = arith.constant 0 : index
    tpu.barrier barrier_id(%barrier3A_21)
    %mul3A_22 = arith.constant 624 : i32
    %mul3A_23 = arith.muli %arg1, %mul3A_22 : i32
    %mul3A_24 = arith.constant 624 : i32
    %mul3A_25 = arith.muli %arg1, %mul3A_24 : i32
    "tpu.region"() ({
      %run_scoped3A = tpu.sem_alloc : memref<!tpu.dma_semaphore, #tpu.memory_space<semaphore_mem>>
      %dma_start3A_31 = arith.constant 0 : i32
      %dma_start3A_32 = tpu.memref_slice %arg7[%arg0, %mul3A_25, %dma_start3A_31] : memref<2x10000x128xf32, #tpu.memory_space<hbm>> -> memref<1x624x128xf32, #tpu.memory_space<hbm>>
      %dma_start3A_33 = tpu.memref_squeeze %dma_start3A_32 : memref<1x624x128xf32, #tpu.memory_space<hbm>> -> memref<624x128xf32, #tpu.memory_space<hbm>>
      %dma_start3A_34 = arith.constant 0 : i32
      %dma_start3A_35 = tpu.memref_slice %arg13[%mul3A_23, %dma_start3A_34] : memref<10000x128xf32, #tpu.memory_space<vmem_shared>> -> memref<624x128xf32, #tpu.memory_space<vmem_shared>>
      tpu.enqueue_dma source(%dma_start3A_35 : memref<624x128xf32, #tpu.memory_space<vmem_shared>>) target(%dma_start3A_33 : memref<624x128xf32, #tpu.memory_space<hbm>>) target_semaphore(%run_scoped3A : memref<!tpu.dma_semaphore, #tpu.memory_space<semaphore_mem>>)
      %dma_wait3A_36 = arith.constant 0 : i32
      %dma_wait3A_37 = tpu.memref_slice %arg7[%arg0, %mul3A_25, %dma_wait3A_36] : memref<2x10000x128xf32, #tpu.memory_space<hbm>> -> memref<1x624x128xf32, #tpu.memory_space<hbm>>
      %dma_wait3A_38 = tpu.memref_squeeze %dma_wait3A_37 : memref<1x624x128xf32, #tpu.memory_space<hbm>> -> memref<624x128xf32, #tpu.memory_space<hbm>>
      %dma_wait3A_39 = arith.constant 0 : i32
      %dma_wait3A_40 = tpu.memref_slice %arg13[%mul3A_23, %dma_wait3A_39] : memref<10000x128xf32, #tpu.memory_space<vmem_shared>> -> memref<624x128xf32, #tpu.memory_space<vmem_shared>>
      tpu.wait_dma2 semaphore(%run_scoped3A : memref<!tpu.dma_semaphore, #tpu.memory_space<semaphore_mem>>) src(%dma_wait3A_40 : memref<624x128xf32, #tpu.memory_space<vmem_shared>>) dst(%dma_wait3A_38 : memref<624x128xf32, #tpu.memory_space<hbm>>)
      tpu.yield
    }) : () -> ()
    %eq3A_26 = arith.constant 0 : i32
    %eq3A_27 = arith.cmpi eq, %arg1, %eq3A_26 : i32
    %convert_element_type3A_28 = arith.extui %eq3A_27 : i1 to i32
    %cond3A_29 = arith.constant 0 : i32
    %cond3A_30 = arith.cmpi ne, %convert_element_type3A_28, %cond3A_29 : i32
    scf.if %cond3A_30 {
      "tpu.region"() ({
        %run_scoped3A = tpu.sem_alloc : memref<!tpu.dma_semaphore, #tpu.memory_space<semaphore_mem>>
        %dma_start3A_31 = arith.constant 9984 : i32
        %dma_start3A_32 = arith.constant 0 : i32
        %dma_start3A_33 = tpu.memref_slice %arg7[%arg0, %dma_start3A_31, %dma_start3A_32] : memref<2x10000x128xf32, #tpu.memory_space<hbm>> -> memref<1x16x128xf32, #tpu.memory_space<hbm>>
        %dma_start3A_34 = tpu.memref_squeeze %dma_start3A_33 : memref<1x16x128xf32, #tpu.memory_space<hbm>> -> memref<16x128xf32, #tpu.memory_space<hbm>>
        %dma_start3A_35 = arith.constant 9984 : i32
        %dma_start3A_36 = arith.constant 0 : i32
        %dma_start3A_37 = tpu.memref_slice %arg13[%dma_start3A_35, %dma_start3A_36] : memref<10000x128xf32, #tpu.memory_space<vmem_shared>> -> memref<16x128xf32, #tpu.memory_space<vmem_shared>>
        tpu.enqueue_dma source(%dma_start3A_37 : memref<16x128xf32, #tpu.memory_space<vmem_shared>>) target(%dma_start3A_34 : memref<16x128xf32, #tpu.memory_space<hbm>>) target_semaphore(%run_scoped3A : memref<!tpu.dma_semaphore, #tpu.memory_space<semaphore_mem>>)
        %dma_wait3A_38 = arith.constant 9984 : i32
        %dma_wait3A_39 = arith.constant 0 : i32
        %dma_wait3A_40 = tpu.memref_slice %arg7[%arg0, %dma_wait3A_38, %dma_wait3A_39] : memref<2x10000x128xf32, #tpu.memory_space<hbm>> -> memref<1x16x128xf32, #tpu.memory_space<hbm>>
        %dma_wait3A_41 = tpu.memref_squeeze %dma_wait3A_40 : memref<1x16x128xf32, #tpu.memory_space<hbm>> -> memref<16x128xf32, #tpu.memory_space<hbm>>
        %dma_wait3A_42 = arith.constant 9984 : i32
        %dma_wait3A_43 = arith.constant 0 : i32
        %dma_wait3A_44 = tpu.memref_slice %arg13[%dma_wait3A_42, %dma_wait3A_43] : memref<10000x128xf32, #tpu.memory_space<vmem_shared>> -> memref<16x128xf32, #tpu.memory_space<vmem_shared>>
        tpu.wait_dma2 semaphore(%run_scoped3A : memref<!tpu.dma_semaphore, #tpu.memory_space<semaphore_mem>>) src(%dma_wait3A_44 : memref<16x128xf32, #tpu.memory_space<vmem_shared>>) dst(%dma_wait3A_41 : memref<16x128xf32, #tpu.memory_space<hbm>>)
        tpu.yield
      }) : () -> ()
    } else {
    }
    return
  }
}

module attributes {stable_mosaic.version = 14 : i64} {
  func.func @_tc_inv_body(%arg0: i32, %arg1: memref<2x8192xf32, #tpu.memory_space<vmem>>, %arg2: memref<1x8192xf32, #tpu.memory_space<vmem>>) attributes {dimension_semantics = [#tpu.dimension_semantics<arbitrary>], iteration_bounds = array<i64: 11>, scalar_prefetch = 0 : i64, scratch_operands = 0 : i64, tpu.core_type = #tpu.core_type<tc>, window_params = [{transform_indices = @transform_0, window_bounds = array<i64: 2, 8192>}, {transform_indices = @transform_1, window_bounds = array<i64: 1, 8192>}]} {
    %iota3A = tpu.iota {dimensions = array<i32: 1>} : vector<1x8192xi32>
    %mul3A = arith.constant 8192 : i32
    %mul3A_0 = arith.muli %arg0, %mul3A : i32
    %add3A = vector.broadcast %mul3A_0 : i32 to vector<1x8192xi32>
    %add3A_1 = arith.addi %iota3A, %add3A : vector<1x8192xi32>
    %get3A = arith.constant 0 : index
    %get3A_2 = arith.constant 0 : index
    %get3A_3 = vector.load %arg1[%get3A, %get3A_2] : memref<2x8192xf32, #tpu.memory_space<vmem>>, vector<1x8192xf32>
    %get3A_4 = arith.constant 1 : index
    %get3A_5 = arith.constant 0 : index
    %get3A_6 = vector.load %arg1[%get3A_4, %get3A_5] : memref<2x8192xf32, #tpu.memory_space<vmem>>, vector<1x8192xf32>
    %add3A_7 = arith.addf %get3A_3, %get3A_6 : vector<1x8192xf32>
    %max3A = arith.constant 1.000000e+00 : f32
    %max3A_8 = vector.broadcast %max3A : f32 to vector<1x8192xf32>
    %max3A_9 = arith.maximumf %add3A_7, %max3A_8 : vector<1x8192xf32>
    %div3A = arith.constant 1.000000e+00 : f32
    %div3A_10 = vector.broadcast %div3A : f32 to vector<1x8192xf32>
    %div3A_11 = arith.divf %div3A_10, %max3A_9 : vector<1x8192xf32>
    %lt3A = arith.constant 80000 : i32
    %lt3A_12 = vector.broadcast %lt3A : i32 to vector<1x8192xi32>
    %lt3A_13 = arith.cmpi slt, %add3A_1, %lt3A_12 : vector<1x8192xi32>
    %jit3A = arith.constant 0.000000e+00 : f32
    %broadcast_in_dim3A = vector.broadcast %jit3A : f32 to vector<1x8192xf32>
    %select_n3A = arith.select %lt3A_13, %div3A_11, %broadcast_in_dim3A : vector<1x8192xi1>, vector<1x8192xf32>
    %swap3A = arith.constant 0 : index
    %swap3A_14 = arith.constant 0 : index
    %swap3A_15 = vector.load %arg2[%swap3A, %swap3A_14] : memref<1x8192xf32, #tpu.memory_space<vmem>>, vector<1x8192xf32>
    tpu.vector_store %arg2[%swap3A, %swap3A_14], %select_n3A {strides = array<i32>} : memref<1x8192xf32, #tpu.memory_space<vmem>>, vector<1x8192xf32>,
    return
  }
  func.func @transform_0(%arg0: i32) -> (i32, i32) {
    %c0_i32 = arith.constant 0 : i32
    %c0_i32_0 = arith.constant 0 : i32
    return %c0_i32, %arg0 : i32, i32
  }
  func.func @transform_1(%arg0: i32) -> (i32, i32) {
    %c0_i32 = arith.constant 0 : i32
    %c0_i32_0 = arith.constant 0 : i32
    return %c0_i32, %arg0 : i32, i32
  }
}

module attributes {stable_mosaic.version = 14 : i64} {
  func.func @_tc_matmul_body(%arg0: i32, %arg1: i32, %arg2: memref<400x128xf32, #tpu.memory_space<vmem>>, %arg3: memref<1x128x128xf32, #tpu.memory_space<vmem>>, %arg4: memref<400x128xf32, #tpu.memory_space<vmem>>, %arg5: memref<400x128xf32, #tpu.memory_space<vmem>>) attributes {dimension_semantics = [#tpu.dimension_semantics<arbitrary>, #tpu.dimension_semantics<arbitrary>], iteration_bounds = array<i64: 25, 9>, scalar_prefetch = 0 : i64, scratch_operands = 0 : i64, tpu.core_type = #tpu.core_type<tc>, window_params = [{transform_indices = @transform_0, window_bounds = array<i64: 400, 128>}, {transform_indices = @transform_1, window_bounds = array<i64: 1, 128, 128>}, {transform_indices = @transform_2, window_bounds = array<i64: 400, 128>}, {transform_indices = @transform_3, window_bounds = array<i64: 400, 128>}]} {
    %get3A = arith.constant 0 : index
    %get3A_0 = arith.constant 0 : index
    %get3A_1 = vector.load %arg2[%get3A, %get3A_0] : memref<400x128xf32, #tpu.memory_space<vmem>>, vector<400x128xf32>
    %get3A_2 = arith.constant 0 : index
    %get3A_3 = arith.constant 0 : index
    %get3A_4 = arith.constant 0 : index
    %get3A_5 = vector.load %arg3[%get3A_2, %get3A_3, %get3A_4] : memref<1x128x128xf32, #tpu.memory_space<vmem>>, vector<1x128x128xf32>
    %get3A_6 = vector.shape_cast %get3A_5 : vector<1x128x128xf32> to vector<128x128xf32>
    %dot_general3A = arith.constant dense<0.000000e+00> : vector<400x128xf32>
    %dot_general3A_7 = tpu.matmul %get3A_1, %get3A_6, %dot_general3A {dimension_numbers = #tpu.dot_dimension_numbers<[1], [0], [0], [1], [0, 0, 1, 1], [], []>, transpose_lhs_hint = false} : vector<400x128xf32>, vector<128x128xf32>, vector<400x128xf32> -> vector<400x128xf32>
    %swap3A = arith.constant 0 : index
    %swap3A_8 = arith.constant 0 : index
    %swap3A_9 = vector.load %arg4[%swap3A, %swap3A_8] : memref<400x128xf32, #tpu.memory_space<vmem>>, vector<400x128xf32>
    tpu.vector_store %arg4[%swap3A, %swap3A_8], %dot_general3A_7 {strides = array<i32>} : memref<400x128xf32, #tpu.memory_space<vmem>>, vector<400x128xf32>,
    %eq3A = arith.constant 8 : i32
    %eq3A_10 = arith.cmpi eq, %arg1, %eq3A : i32
    %convert_element_type3A = arith.extui %eq3A_10 : i1 to i32
    %cond3A = arith.constant 0 : i32
    %cond3A_11 = arith.cmpi ne, %convert_element_type3A, %cond3A : i32
    scf.if %cond3A_11 {
      %mul3A = arith.constant 5.000000e-01 : f32
      %mul3A_12 = vector.broadcast %mul3A : f32 to vector<400x128xf32>
      %mul3A_13 = arith.mulf %dot_general3A_7, %mul3A_12 : vector<400x128xf32>
      %swap3A_14 = arith.constant 0 : index
      %swap3A_15 = arith.constant 0 : index
      %swap3A_16 = vector.load %arg5[%swap3A_14, %swap3A_15] : memref<400x128xf32, #tpu.memory_space<vmem>>, vector<400x128xf32>
      tpu.vector_store %arg5[%swap3A_14, %swap3A_15], %mul3A_13 {strides = array<i32>} : memref<400x128xf32, #tpu.memory_space<vmem>>, vector<400x128xf32>,
    } else {
    }
    return
  }
  func.func @transform_0(%arg0: i32, %arg1: i32) -> (i32, i32) {
    %c0_i32 = arith.constant 0 : i32
    %c0_i32_0 = arith.constant 0 : i32
    return %arg0, %c0_i32 : i32, i32
  }
  func.func @transform_1(%arg0: i32, %arg1: i32) -> (i32, i32, i32) {
    %c0_i32 = arith.constant 0 : i32
    %c0_i32_0 = arith.constant 0 : i32
    %c0_i32_1 = arith.constant 0 : i32
    return %arg1, %c0_i32, %c0_i32_0 : i32, i32, i32
  }
  func.func @transform_2(%arg0: i32, %arg1: i32) -> (i32, i32) {
    %mul3A = arith.constant 25 : i32
    %mul3A_0 = arith.muli %arg1, %mul3A : i32
    %add3A = arith.addi %mul3A_0, %arg0 : i32
    %c0_i32 = arith.constant 0 : i32
    %c0_i32_1 = arith.constant 0 : i32
    return %add3A, %c0_i32 : i32, i32
  }
  func.func @transform_3(%arg0: i32, %arg1: i32) -> (i32, i32) {
    %c0_i32 = arith.constant 0 : i32
    %c0_i32_0 = arith.constant 0 : i32
    return %arg0, %c0_i32 : i32, i32
  }
}

module attributes {stable_mosaic.version = 14 : i64} {
  func.func @_tc_combine_body(%arg0: i32, %arg1: memref<2x400x128xf32, #tpu.memory_space<vmem>>, %arg2: memref<1x128xf32, #tpu.memory_space<vmem>>, %arg3: memref<400x128xf32, #tpu.memory_space<vmem>>) attributes {dimension_semantics = [#tpu.dimension_semantics<arbitrary>], iteration_bounds = array<i64: 25>, scalar_prefetch = 0 : i64, scratch_operands = 0 : i64, tpu.core_type = #tpu.core_type<tc>, window_params = [{transform_indices = @transform_0, window_bounds = array<i64: 2, 400, 128>}, {pipeline_mode = #tpu.pipeline_mode<synchronous>, transform_indices = @transform_1, window_bounds = array<i64: 1, 128>}, {transform_indices = @transform_2, window_bounds = array<i64: 400, 128>}]} {
    %get3A = arith.constant 0 : index
    %get3A_0 = arith.constant 0 : index
    %get3A_1 = arith.constant 0 : index
    %get3A_2 = vector.load %arg1[%get3A, %get3A_0, %get3A_1] : memref<2x400x128xf32, #tpu.memory_space<vmem>>, vector<1x400x128xf32>
    %get3A_3 = vector.shape_cast %get3A_2 : vector<1x400x128xf32> to vector<400x128xf32>
    %get3A_4 = arith.constant 1 : index
    %get3A_5 = arith.constant 0 : index
    %get3A_6 = arith.constant 0 : index
    %get3A_7 = vector.load %arg1[%get3A_4, %get3A_5, %get3A_6] : memref<2x400x128xf32, #tpu.memory_space<vmem>>, vector<1x400x128xf32>
    %get3A_8 = vector.shape_cast %get3A_7 : vector<1x400x128xf32> to vector<400x128xf32>
    %add3A = arith.addf %get3A_3, %get3A_8 : vector<400x128xf32>
    %get3A_9 = arith.constant 0 : index
    %get3A_10 = arith.constant 0 : index
    %get3A_11 = vector.load %arg2[%get3A_9, %get3A_10] : memref<1x128xf32, #tpu.memory_space<vmem>>, vector<1x128xf32>
    %get3A_12 = vector.shape_cast %get3A_11 : vector<1x128xf32> to vector<128xf32>
    %broadcast_in_dim3A = vector.shape_cast %get3A_12 : vector<128xf32> to vector<1x128xf32>
    %add3A_13 = vector.broadcast %broadcast_in_dim3A : vector<1x128xf32> to vector<400x128xf32>
    %add3A_14 = arith.addf %add3A, %add3A_13 : vector<400x128xf32>
    %max3A = arith.constant 0.000000e+00 : f32
    %max3A_15 = vector.broadcast %max3A : f32 to vector<400x128xf32>
    %max3A_16 = arith.maximumf %add3A_14, %max3A_15 : vector<400x128xf32>
    %swap3A = arith.constant 0 : index
    %swap3A_17 = arith.constant 0 : index
    %swap3A_18 = vector.load %arg3[%swap3A, %swap3A_17] : memref<400x128xf32, #tpu.memory_space<vmem>>, vector<400x128xf32>
    tpu.vector_store %arg3[%swap3A, %swap3A_17], %max3A_16 {strides = array<i32>} : memref<400x128xf32, #tpu.memory_space<vmem>>, vector<400x128xf32>,
    return
  }
  func.func @transform_0(%arg0: i32) -> (i32, i32, i32) {
    %c0_i32 = arith.constant 0 : i32
    %c0_i32_0 = arith.constant 0 : i32
    %c0_i32_1 = arith.constant 0 : i32
    return %c0_i32, %arg0, %c0_i32_0 : i32, i32, i32
  }
  func.func @transform_1(%arg0: i32) -> (i32, i32) {
    %c0_i32 = arith.constant 0 : i32
    %c0_i32_0 = arith.constant 0 : i32
    %c0_i32_1 = arith.constant 0 : i32
    return %c0_i32, %c0_i32_0 : i32, i32
  }
  func.func @transform_2(%arg0: i32) -> (i32, i32) {
    %c0_i32 = arith.constant 0 : i32
    %c0_i32_0 = arith.constant 0 : i32
    return %arg0, %c0_i32 : i32, i32
  }
}

module attributes {stable_mosaic.version = 14 : i64} {
  func.func @_tc_final_body(%arg0: i32, %arg1: memref<2x400x128xf32, #tpu.memory_space<vmem>>, %arg2: memref<1x128xf32, #tpu.memory_space<vmem>>, %arg3: memref<128x1xf32, #tpu.memory_space<vmem>>, %arg4: memref<1x1xf32, #tpu.memory_space<vmem>>, %arg5: memref<400x1xf32, #tpu.memory_space<vmem>>) attributes {dimension_semantics = [#tpu.dimension_semantics<arbitrary>], iteration_bounds = array<i64: 25>, scalar_prefetch = 0 : i64, scratch_operands = 0 : i64, tpu.core_type = #tpu.core_type<tc>, window_params = [{transform_indices = @transform_0, window_bounds = array<i64: 2, 400, 128>}, {pipeline_mode = #tpu.pipeline_mode<synchronous>, transform_indices = @transform_1, window_bounds = array<i64: 1, 128>}, {pipeline_mode = #tpu.pipeline_mode<synchronous>, transform_indices = @transform_2, window_bounds = array<i64: 128, 1>}, {pipeline_mode = #tpu.pipeline_mode<synchronous>, transform_indices = @transform_3, window_bounds = array<i64: 1, 1>}, {transform_indices = @transform_4, window_bounds = array<i64: 400, 1>}]} {
    %get3A = arith.constant 0 : index
    %get3A_0 = arith.constant 0 : index
    %get3A_1 = arith.constant 0 : index
    %get3A_2 = vector.load %arg1[%get3A, %get3A_0, %get3A_1] : memref<2x400x128xf32, #tpu.memory_space<vmem>>, vector<1x400x128xf32>
    %get3A_3 = vector.shape_cast %get3A_2 : vector<1x400x128xf32> to vector<400x128xf32>
    %get3A_4 = arith.constant 1 : index
    %get3A_5 = arith.constant 0 : index
    %get3A_6 = arith.constant 0 : index
    %get3A_7 = vector.load %arg1[%get3A_4, %get3A_5, %get3A_6] : memref<2x400x128xf32, #tpu.memory_space<vmem>>, vector<1x400x128xf32>
    %get3A_8 = vector.shape_cast %get3A_7 : vector<1x400x128xf32> to vector<400x128xf32>
    %add3A = arith.addf %get3A_3, %get3A_8 : vector<400x128xf32>
    %get3A_9 = arith.constant 0 : index
    %get3A_10 = arith.constant 0 : index
    %get3A_11 = vector.load %arg2[%get3A_9, %get3A_10] : memref<1x128xf32, #tpu.memory_space<vmem>>, vector<1x128xf32>
    %get3A_12 = vector.shape_cast %get3A_11 : vector<1x128xf32> to vector<128xf32>
    %broadcast_in_dim3A = vector.shape_cast %get3A_12 : vector<128xf32> to vector<1x128xf32>
    %add3A_13 = vector.broadcast %broadcast_in_dim3A : vector<1x128xf32> to vector<400x128xf32>
    %add3A_14 = arith.addf %add3A, %add3A_13 : vector<400x128xf32>
    %max3A = arith.constant 0.000000e+00 : f32
    %max3A_15 = vector.broadcast %max3A : f32 to vector<400x128xf32>
    %max3A_16 = arith.maximumf %add3A_14, %max3A_15 : vector<400x128xf32>
    %get3A_17 = arith.constant 0 : index
    %get3A_18 = arith.constant 0 : index
    %get3A_19 = vector.load %arg3[%get3A_17, %get3A_18] : memref<128x1xf32, #tpu.memory_space<vmem>>, vector<128x1xf32>
    %dot_general3A = arith.constant dense<0.000000e+00> : vector<400x1xf32>
    %dot_general3A_20 = tpu.matmul %max3A_16, %get3A_19, %dot_general3A {dimension_numbers = #tpu.dot_dimension_numbers<[1], [0], [0], [1], [0, 0, 1, 1], [], []>, transpose_lhs_hint = false} : vector<400x128xf32>, vector<128x1xf32>, vector<400x1xf32> -> vector<400x1xf32>
    %get3A_21 = arith.constant 0 : index
    %get3A_22 = arith.constant 0 : index
    %get3A_23 = vector.load %arg4[%get3A_21, %get3A_22] : memref<1x1xf32, #tpu.memory_space<vmem>>, vector<1x1xf32>
    %get3A_24 = vector.extract %get3A_23[0, 0] : f32 from vector<1x1xf32>
    %add3A_25 = vector.broadcast %get3A_24 : f32 to vector<400x1xf32>
    %add3A_26 = arith.addf %dot_general3A_20, %add3A_25 : vector<400x1xf32>
    %swap3A = arith.constant 0 : index
    %swap3A_27 = arith.constant 0 : index
    %swap3A_28 = vector.load %arg5[%swap3A, %swap3A_27] : memref<400x1xf32, #tpu.memory_space<vmem>>, vector<400x1xf32>
    tpu.vector_store %arg5[%swap3A, %swap3A_27], %add3A_26 {strides = array<i32>} : memref<400x1xf32, #tpu.memory_space<vmem>>, vector<400x1xf32>,
    return
  }
  func.func @transform_0(%arg0: i32) -> (i32, i32, i32) {
    %c0_i32 = arith.constant 0 : i32
    %c0_i32_0 = arith.constant 0 : i32
    %c0_i32_1 = arith.constant 0 : i32
    return %c0_i32, %arg0, %c0_i32_0 : i32, i32, i32
  }
  func.func @transform_1(%arg0: i32) -> (i32, i32) {
    %c0_i32 = arith.constant 0 : i32
    %c0_i32_0 = arith.constant 0 : i32
    %c0_i32_1 = arith.constant 0 : i32
    return %c0_i32, %c0_i32_0 : i32, i32
  }
  func.func @transform_2(%arg0: i32) -> (i32, i32) {
    %c0_i32 = arith.constant 0 : i32
    %c0_i32_0 = arith.constant 0 : i32
    %c0_i32_1 = arith.constant 0 : i32
    return %c0_i32, %c0_i32_0 : i32, i32
  }
  func.func @transform_3(%arg0: i32) -> (i32, i32) {
    %c0_i32 = arith.constant 0 : i32
    %c0_i32_0 = arith.constant 0 : i32
    %c0_i32_1 = arith.constant 0 : i32
    return %c0_i32, %c0_i32_0 : i32, i32
  }
  func.func @transform_4(%arg0: i32) -> (i32, i32) {
    %c0_i32 = arith.constant 0 : i32
    %c0_i32_0 = arith.constant 0 : i32
    return %arg0, %c0_i32 : i32, i32
  }
}

</mosaic_0001>

<sc_bundles>
// kernel: kernel.11.cloned.1.call-start
scs
__scs_entry_jumppad:
0x0: {  	(pc) =	sbr.rel $0x88, $3  }
0x1: {  	(tag) =	ssettag $0x0;
	lr =	simm.s32 $0x1  }
0x2: {  	[smem:$0x3F96] =	sst lr;
	_ =	strace $0xD0000000  }
0x3: {  	_ = 	snop  }
0x4: {  	_ = 	snop  }
0x5: {  	_ = 	snop  }
0x6: {  	_ = 	snop  }
0x7: {  	_ = 	snop  }
__scs_overlays_trampoline_lowered:
0x8: {  	[smem:$0x3FA5] =	sst s0  }
0x9: {  	[smem:$0x3FA6] =	sst s1  }
0xa: {  	[smem:$0x3FA7] =	sst s2  }
0xb: {  	[smem:$0x3FA8] =	sst s3  }
0xc: {  	[smem:$0x3FA9] =	sst s4  }
0xd: {  	[smem:$0x3FAA] =	sst s5  }
0xe: {  	[smem:$0x3FAB] =	sst s6  }
0xf: {  	[smem:$0x3FAC] =	sst s7  }
0x10: {  	[smem:$0x3FAD] =	sst s8  }
0x11: {  	[smem:$0x3FAE] =	sst s9;
	s0 =	simm.s32 @!p0 $0x0  }
0x12: {  	s1 =	sld [smem:$0x3F94];
	s0 =	simm.s32 @p0 $0x1  }
0x13: {  	[smem:$0x3FAF] =	sst s0;
	s0 =	simm.s32 @!p1 $0x0  }
0x14: {  	s2 =	sld [smem:$0x3F93];
	s0 =	simm.s32 @p1 $0x1  }
0x15: {  	[smem:$0x3FB0] =	sst s0;
	s0 =	simm.s32 @!p2 $0x0  }
0x16: {  	s3 =	sld [smem:$0x3FDB];
	s0 =	simm.s32 @p2 $0x1  }
0x17: {  	s4 =	simm.s32 $0x1BF5;
	[smem:$0x3FB2] =	sst s0  }
0x18: {  	s0 =	sld [smem:$0x3F95];
	_ =	swait.ge [sflag:s4], $0x0  }
0x19: {  	s7 =	sld [smem:$0x3F96]  }
0x1a: {  	s8 =	sadd.s32 $0xFFFFE003, lr  }
0x1b: {  	s9 =	sadd.s32 $0xFFFFFEF7, lr;
	s5 =	simm.s32 $0xFFFFFFFF;
	p2 =	slt.u32 s8, $0xFFFFF086  }
0x1c: {  	p1 =	slt.u32 s9, $0xF7A;
	s5 =	simm.s32 @!p2 $0x0  }
0x1d: {  	s5 =	simm.s32 @p1 $0x1;
	p0 =	seq.s32 s7, s2  }
0x1e: {  	s7 =	smul.u32 @!p0 $0xF7A, s2;
	p2 =	seq.s32 @!p0 s5, $0x0  }
0x1f: {  	s9 =	smul.u32 $0xF7A, s1;
	s8 =	simm.s32 @!p0 $0x1BF5;
	p2 =	por !p2, p0  }
0x20: {  	[sflag:s8] =	ssyncset.s32 @!p0 $0xFFFFF086;
	s6 =	sadd.s32 @!p0 s3, s7;
	s7 =	simm.s32 @!p0 $0x108  }
0x21: {  	s3 =	sadd.s32 s3, s9;
	s6 =	sadd.s32 @!p0 $0x88, s6;
	s7 =	simm.s32 @p2 $0x1082  }
0x22: {  	[simem:s7], [sflag:s8] =	dma.local @!p0 [hbm:s6], $0xF7A  }
0x23: {  	s9 =	sor.u32 $0xD0000000, s2;
	s6 =	simm.s32 $0x108;
	_ =	swait.ge @!p0 [sflag:s8], $0x0  }
0x24: {  	s3 =	sadd.s32 $0x88, s3;
	s6 =	simm.s32 @!p1 $0x1082;
	[sflag:s4] =	ssyncset.s32 $0xFFFFF086  }
0x25: {  	[simem:s6], [sflag:s4] =	dma.local [hbm:s3], $0xF7A  }
0x26: {  	[smem:$0x3F96] =	sst s1;
	(tag) =	ssettag s2;
	_ =	strace s9  }
0x27: {  	s1 =	sld [smem:$0x3FA6]  }
0x28: {  	s2 =	sld [smem:$0x3FA7]  }
0x29: {  	s4 =	sld [smem:$0x3FA9]  }
0x2a: {  	p0 =	seq.s32 s5, $0x0;
	s5 =	sld [smem:$0x3FAA]  }
0x2b: {  	s6 =	sld [smem:$0x3FAB]  }
0x2c: {  	s7 =	sld [smem:$0x3FAC]  }
0x2d: {  	s3 =	simm.s32 $0x108;
	s8 =	sld [smem:$0x3FAD]  }
0x2e: {  	s3 =	simm.s32 @!p0 $0x1082;
	s9 =	sld [smem:$0x3FAE]  }
0x2f: {  	lr =	sadd.s32 s0, s3;
	s0 =	sld [smem:$0x3FA5]  }
0x30: {  	s3 =	sld [smem:$0x3FA8]  }
0x31: {  	[smem:$0x3FB1] =	sst s10  }
0x32: {  	s10 =	sld [smem:$0x3FAF];
	_ =	sdelay $0x3  }
0x33: {  	p0 =	seq.s32 s10, $0x1;
	s10 =	sld [smem:$0x3FB1];
	_ =	sdelay $0x3  }
0x34: {  	[smem:$0x3FB1] =	sst s10  }
0x35: {  	s10 =	sld [smem:$0x3FB0];
	_ =	sdelay $0x3  }
0x36: {  	p1 =	seq.s32 s10, $0x1;
	s10 =	sld [smem:$0x3FB1];
	_ =	sdelay $0x3  }
0x37: {  	[smem:$0x3FB1] =	sst s10  }
0x38: {  	s10 =	sld [smem:$0x3FB2]  }
0x39: {  	_ = 	snop;
	(pc) =	sbr.ind lr, $3  }
0x3a: {  	_ = 	snop  }
0x3b: {  	_ = 	snop  }
0x3c: {  	p2 =	seq.s32 s10, $0x1;
	s10 =	sld [smem:$0x3FB1]  }
0x3d: {  	_ =	shalt  }
0x3e: {  	_ =	shalt  }
0x3f: {  	_ =	shalt  }
0x40: {  	_ =	shalt  }
0x41: {  	_ =	shalt  }
0x42: {  	_ =	shalt  }
0x43: {  	_ =	shalt  }
0x44: {  	_ =	shalt  }
0x45: {  	_ =	shalt  }
0x46: {  	_ =	shalt  }
0x47: {  	_ =	shalt  }
0x48: {  	_ =	shalt  }
0x49: {  	_ =	shalt  }
0x4a: {  	_ =	shalt  }
0x4b: {  	_ =	shalt  }
0x4c: {  	_ =	shalt  }
0x4d: {  	_ =	shalt  }
0x4e: {  	_ =	shalt  }
0x4f: {  	_ =	shalt  }
0x50: {  	_ =	shalt  }
0x51: {  	_ =	shalt  }
0x52: {  	_ =	shalt  }
0x53: {  	_ =	shalt  }
0x54: {  	_ =	shalt  }
0x55: {  	_ =	shalt  }
0x56: {  	_ =	shalt  }
0x57: {  	_ =	shalt  }
0x58: {  	_ =	shalt  }
0x59: {  	_ =	shalt  }
0x5a: {  	_ =	shalt  }
0x5b: {  	_ =	shalt  }
0x5c: {  	_ =	shalt  }
0x5d: {  	_ =	shalt  }
0x5e: {  	_ =	shalt  }
0x5f: {  	_ =	shalt  }
0x60: {  	_ =	shalt  }
0x61: {  	_ =	shalt  }
0x62: {  	_ =	shalt  }
0x63: {  	_ =	shalt  }
0x64: {  	_ =	shalt  }
0x65: {  	_ =	shalt  }
0x66: {  	_ =	shalt  }
0x67: {  	_ =	shalt  }
0x68: {  	_ =	shalt  }
0x69: {  	_ =	shalt  }
0x6a: {  	_ =	shalt  }
0x6b: {  	_ =	shalt  }
0x6c: {  	_ =	shalt  }
0x6d: {  	_ =	shalt  }
0x6e: {  	_ =	shalt  }
0x6f: {  	_ =	shalt  }
0x70: {  	_ =	shalt  }
0x71: {  	_ =	shalt  }
0x72: {  	_ =	shalt  }
0x73: {  	_ =	shalt  }
0x74: {  	_ =	shalt  }
0x75: {  	_ =	shalt  }
0x76: {  	_ =	shalt  }
0x77: {  	_ =	shalt  }
0x78: {  	_ =	shalt  }
0x79: {  	_ =	shalt  }
0x7a: {  	_ =	shalt  }
0x7b: {  	_ =	shalt  }
0x7c: {  	_ =	shalt  }
0x7d: {  	_ =	shalt  }
0x7e: {  	_ =	shalt  }
0x7f: {  	_ =	shalt  }
0x80: {  	_ =	shalt  }
0x81: {  	_ =	shalt  }
0x82: {  	_ =	shalt  }
0x83: {  	_ =	shalt  }
0x84: {  	_ =	shalt  }
0x85: {  	_ =	shalt  }
0x86: {  	_ =	shalt  }
0x87: {  	_ =	shalt  }
.Lfunc_end0:
.L_simem_size_0:
called_computation_lowered:
.L_overlay_start_0:
0x88: {  	s2 =	sld [smem:$0x3FD9]  }
0x89: {  	s3 =	sld [smem:$0x3FFE];
	_ =	sdelay $0x1  }
0x8a: {  	s1 =	srdreg.scid  }
0x8b: {  	s0 =	sand.u32 $0x1, s1  }
0x8c: {  	s16 =	sshll.u32 s0, $0xA;
	s2 =	sadd.s32 s3, s2  }
0x8d: {  	s2 =	sadd.s32 s2, s16  }
0x8e: {  	[smem:$0x3FBD] =	sst s2  }
0x8f: {  	_ = 	snop  }
0x90: {  	(tm) =	ssettm $0x1  }
0x91: {  	s17 =	sld [smem:$0x3FFB];
	_ =	sdelay $0x3  }
0x92: {  	_ =	strace s17  }
0x93: {  	s2 =	sld [smem:$0x3FFC];
	_ =	sdelay $0x3  }
0x94: {  	_ =	strace s2  }
0x95: {  	s2 =	sld [smem:$0x3FFD];
	_ =	sdelay $0x3  }
0x96: {  	_ =	strace s2  }
0x97: {  	_ =	strace $0x8FFFFFFF  }
0x98: {  	s18 =	sld [smem:$0x3FDB];
	_ =	sdelay $0x1  }
0x99: {  	s19 =	simm.s32 $_scs_section_size  }
0x9a: {  	s4 =	simm.s32 $_size__tile_overlayer_lowered;
	s5 =	simm.s32 $_tile_overlayer_lowered  }
0x9b: {  	s22 =	simm.s32 $0x1BFF;
	s21 =	sshll.u32 s5, $0x1;
	s2 =	sadd.s32 s19, s18  }
0x9c: {  	s6 =	simm.s32 $0x0;
	s20 =	sshll.u32 s4, $0x1;
	s4 =	sadd.s32 s21, s2  }
0x9d: {  	[timem:s6], [sflag:s22] =	dma.local [hbm:s4], s20  }
0x9e: {  	_ =	swait.ge [sflag:s22], s20  }
0x9f: {  	s3 =	ssub.s32 $0x0, s20;
	[sflag:s22] =	ssyncset.done $0x0  }
0xa0: {  	[sflag:s22] =	ssyncadd.s32 s3;
	_ =	sdelay $0x1  }
0xa1: {  	s23 =	simm.s32 $0x1B8B  }
0xa2: {  	_ =	swait.ge [sflag:s23], $0x1  }
0xa3: {  	[sflag:s23] =	ssyncset.done $0x0  }
0xa4: {  	s25 =	simm.s32 $0x1B8E;
	s24 =	sld [smem:$0x3FFE];
	[sflag:s23] =	ssyncadd.s32 $0xFFFFFFFF  }
0xa5: {  	s26 =	simm.s32 $execute0_lowered;
	[smem:$0x3FD2] =	sst s25  }
0xa6: {  	s4 =	sshll.u32 s26, $0x1;
	_ =	strace $0x80000046;
	[dreg:$0x1] =	wrdreg $0xFFFFFFFF  }
0xa7: {  	s28 =	simm.s32 $_size_execute0_lowered;
	s2 =	sadd.s32 s2, s4;
	[dreg:$0x0] =	wrdreg $0x0  }
0xa8: {  	s4 =	sshll.u32 s28, $0x1;
	[dreg:$0x2] =	wrdreg s2  }
0xa9: {  	[dreg:$0x3] =	wrdreg s4  }
0xaa: {  	[dreg:$0x4] =	wrdreg $0xC0  }
0xab: {  	_ =	task [dreg:s6], $0x5FFFF  }
0xac: {  	[dreg:$0x1] =	wrdreg $0xFFFFFFFF  }
0xad: {  	[dreg:$0x0] =	wrdreg $0x60  }
0xae: {  	[dreg:$0x2] =	wrdreg s24  }
0xaf: {  	[dreg:$0x3] =	wrdreg $0x1C000  }
0xb0: {  	[dreg:$0x4] =	wrdreg $0x9  }
0xb1: {  	_ =	task.clear_ibuf [dreg:s6], $0x5FFFF;
	_ =	strace $0x90000046  }
0xb2: {  	s29 =	simm.s32 $0x9;
	_ =	strace $0x80000048  }
0xb3: {  	_ =	swait.ge [sflag:s29], $0x1  }
0xb4: {  	[sflag:s29] =	ssyncadd.s32 $0xFFFFFFFF  }
0xb5: {  	_ =	strace $0x90000048  }
0xb6: {  	_ =	sfence  }
0xb7: {  	s30 =	sld [smem:$0x0];
	_ =	sdelay $0x2  }
0xb8: {  	s31 =	sshll.u32 s1, $0xD;
	s1 =	sshrl.u32 s1, $0x2  }
0xb9: {  	s3 =	sand.u32 $0x4000, s31;
	s1 =	sadd.s32 s1, s30  }
0xba: {  	s0 =	sor.u32 s3, s0;
	s1 =	sshll.u32 s1, $0x11  }
0xbb: {  	s0 =	sor.u32 s1, s0  }
0xbc: {  	s0 =	sadd.s32 $0x8F2B, s0  }
0xbd: {  	[sflag:s0] =	ssyncadd.remote.s32 $0x1  }
0xbe: {  	_ =	sfence.sel $0xFFFF  }
0xbf: {  	[dreg:$0x0] =	wrdreg $0xFFFFFFFF;
	(pc) =	sbr.abs _section_cstart, $3  }
0xc0: {  	[dreg:$0x1] =	wrdreg $0xFFFFFFFF  }
0xc1: {  	_ =	task.clear_ibuf [dreg:s6], $0x2FFFF;
	_ =	strace $0x9FFFFFFF  }
0xc2: {  	(tm) =	ssettm $0x7FFFFFFF  }
0xc3: {  	_ =	shalt  }
tec
execute0_lowered:
.L_overlay_start_1:
0x0: {  	(tag) =	ssettag $0x1  }
0x1: {  	s1 =	srdreg.scid  }
0x2: {  	s0 =	stileid.u32;
	s4 =	rddreg [dreg:$0x0]  }
0x3: {  	s2 =	rddreg [dreg:$0x1];
	s3 =	simm.s32 $0x0;
	s12 =	simm.s32 $0x600  }
0x4: {  	s13 =	simm.s32 $0x1;
	s14 =	simm.s32 $0x100;
	s15 =	simm.s32 $0x200  }
0x5: {  	s16 =	simm.s32 $0x300;
	s17 =	simm.s32 $0x400;
	s18 =	simm.s32 $0x500  }
0x6: {  	s21 =	simm.s32 $0x20;
	s22 =	simm.s32 $0x10;
	s6 =	smul.u32 $0x5000, s0  }
0x7: {  	s5 =	sand.u32 $0x1, s1;
	s1 =	rddreg [dreg:$0x2];
	s26 =	smul.u32 $0x2C00, s0  }
0x8: {  	s23 =	simm.s32 $0x0;
	[smem:$0x7FF] =	sst s3;
	s28 =	smul.u32 $0x5800, s0  }
0x9: {  	s19 =	sshll.u32 s0, $0x6;
	s7 =	smul.u32 $0x2800, s5;
	_ =	strace $0x80000047  }
0xa: {  	s8 =	sshll.u32 s5, $0x7;
	s5 =	ssub.s32 $0x2, s5;
	s19 =	sor.u32 $0x1C01, s19  }
0xb: {  	s30 =	sshrl.u32 s5, $0x1;
	s6 =	sadd.s32 s7, s6;
	s7 =	sor.u32 s8, s26  }
0xc: {  	s31 =	sshrl.u32 s28, $0x2;
	s6 =	sshrl.u32 s6, $0x3;
	s29 =	sshrl.u32 s7, $0x3  }
0xd: {  	s7 =	ssub.s32 s5, s30;
	s11 =	sadd.s32 s6, s4;
	s6 =	sadd.s32 s29, s4  }
0xe: {  	s4 =	sadd.s32 s31, s2;
	s5 =	sadd.s32 $0x20E00, s6;
	s6 =	smax.u32 s7, $0x1  }
0xf: {  	s7 =	sadd.s32 $0x26600, s11;
	s8 =	sadd.s32 $0x30600, s11;
	s9 =	sadd.s32 $0x16E00, s11  }
0x10: {  	v0 =	vimm.f32 $1.000000000e+00;
	v1 =	vimm.f32 $0.0e+00;
	s10 =	sadd.s32 $0x2E00, s11;
	s11 =	sadd.s32 $0xCE00, s11;
	s20 =	sshrl.u32 s4, $0x3  }
.LBB2_1:
0x11: {  	[tilespmem:$0x500] =	vst v0  }
0x12: {  	[tilespmem:$0x510] =	vst v0  }
0x13: {  	[tilespmem:$0x520] =	vst v0  }
0x14: {  	[tilespmem:$0x530] =	vst v0  }
0x15: {  	[tilespmem:$0x540] =	vst v0  }
0x16: {  	[tilespmem:$0x550] =	vst v0  }
0x17: {  	[tilespmem:$0x560] =	vst v0  }
0x18: {  	[tilespmem:$0x570] =	vst v0  }
0x19: {  	[tilespmem:$0x580] =	vst v0  }
0x1a: {  	[tilespmem:$0x590] =	vst v0  }
0x1b: {  	[tilespmem:$0x5A0] =	vst v0  }
0x1c: {  	[tilespmem:$0x5B0] =	vst v0  }
0x1d: {  	[tilespmem:$0x5C0] =	vst v0  }
0x1e: {  	[tilespmem:$0x5D0] =	vst v0  }
0x1f: {  	[tilespmem:$0x5E0] =	vst v0  }
0x20: {  	[tilespmem:$0x5F0] =	vst v0;
	s24 =	simm.s32 $0x40;
	s25 =	simm.s32 $0x0  }
.LBB2_2:
0x21: {  	p0 =	sne.s32 s24, $0x57C0;
	[tilespmem:s25+$0x600] =	vst v1;
	s25 =	smov.u32 s24;
	s24 =	sadd.s32 $0x40, s24  }
.Ltmp0:
0x22: {  	(pc) =	sbr.rel @p0 .LBB2_2-.Ltmp0, $2  }
0x23: {  	_ =	sdelay $0x2  }
0x24: {  	s25 =	sshra.s32 s25, $0x2  }
0x25: {  	[tilespmem:s25+$0x600] =	vst v1  }
0x26: {  	[spmem:s4] =	stream.linear.scatter [tilespmem:s12], [sflag:$0x1], $0x1600, $0x38;
	[tilespmem:$0x3200] =	vst v63  }
0x27: {  	_ =	swait.ge [sflag:s13], $0x1600  }
0x28: {  	[sflag:s13] =	ssyncset.done $0x0  }
0x29: {  	[sflag:s13] =	ssyncadd.s32 $0xFFFFEA00  }
0x2a: {  	s24 =	simm.s32 $0x0;
	[bflag:$0x0] =	sbarrier.arrive $0xFFFF  }
.LBB2_4:
0x2b: {  	s25 =	sadd.s32 s24, s11  }
0x2c: {  	[tilespmem:s3], [sflag:$0x1] =	stream.linear.gather [hbm4b:s25+s3], $0x100, $0x38;
	[tilespmem:$0x3200] =	vst v63  }
0x2d: {  	_ =	swait.ge [sflag:s13], $0x100  }
0x2e: {  	[sflag:s13] =	ssyncset.done $0x0  }
0x2f: {  	s28 =	sadd.s32 s24, s10;
	[sflag:s13] =	ssyncadd.s32 $0xFFFFFF00  }
0x30: {  	[tilespmem:s14], [sflag:$0x1] =	stream.linear.gather [hbm4b:s28+s3], $0x100, $0x38;
	[tilespmem:$0x3200] =	vst v63  }
0x31: {  	_ =	swait.ge [sflag:s13], $0x100  }
0x32: {  	[sflag:s13] =	ssyncset.done $0x0  }
0x33: {  	s29 =	sadd.s32 s24, s9;
	[sflag:s13] =	ssyncadd.s32 $0xFFFFFF00  }
0x34: {  	[tilespmem:s15], [sflag:$0x1] =	stream.linear.gather [hbm4b:s29+s3], $0x100, $0x38;
	[tilespmem:$0x3200] =	vst v63  }
0x35: {  	_ =	swait.ge [sflag:s13], $0x100  }
0x36: {  	[sflag:s13] =	ssyncset.done $0x0  }
0x37: {  	[sflag:s13] =	ssyncadd.s32 $0xFFFFFF00  }
0x38: {  	v2 =	vld [tilespmem:$0x200]  }
0x39: {  	v3 =	vld [tilespmem:$0x0]  }
0x3a: {  	v4 =	vld [tilespmem:$0x100]  }
0x3b: {  	v5 =	vld [tilespmem:$0x210]  }
0x3c: {  	v6 =	vld [tilespmem:$0x10]  }
0x3d: {  	v7 =	vld [tilespmem:$0x110]  }
0x3e: {  	v8 =	vld [tilespmem:$0x220]  }
0x3f: {  	v9 =	vld [tilespmem:$0x20]  }
0x40: {  	v10 =	vld [tilespmem:$0x120]  }
0x41: {  	v11 =	vld [tilespmem:$0x230]  }
0x42: {  	v12 =	vld [tilespmem:$0x30]  }
0x43: {  	v13 =	vld [tilespmem:$0x130]  }
0x44: {  	v14 =	vld [tilespmem:$0x240]  }
0x45: {  	v15 =	vld [tilespmem:$0x40]  }
0x46: {  	v16 =	vld [tilespmem:$0x140]  }
0x47: {  	v17 =	vld [tilespmem:$0x250]  }
0x48: {  	v18 =	vld [tilespmem:$0x50]  }
0x49: {  	v19 =	vld [tilespmem:$0x150]  }
0x4a: {  	v20 =	vld [tilespmem:$0x260]  }
0x4b: {  	v21 =	vld [tilespmem:$0x60];
	v2 =	vmul.u32 $0x2710, v2  }
0x4c: {  	v22 =	vld [tilespmem:$0x160]  }
0x4d: {  	v23 =	vld [tilespmem:$0x270];
	v5 =	vmul.u32 $0x2710, v5;
	v3 =	vadd.s32 v3, v2  }
0x4e: {  	v33 =	vld [tilespmem:$0x170];
	v2 =	vadd.s32 v2, v4;
	[tilespmem:$0x300] =	vst v3  }
0x4f: {  	v34 =	vld [tilespmem:$0x280];
	v32 =	vmul.u32 $0x2710, v8;
	[tilespmem:$0x400] =	vst v2;
	v2 =	vadd.s32 v6, v5  }
0x50: {  	v36 =	vld [tilespmem:$0x80];
	[tilespmem:$0x310] =	vst v2;
	v2 =	vadd.s32 v5, v7  }
0x51: {  	v37 =	vld [tilespmem:$0x180];
	v35 =	vmul.u32 $0x2710, v11;
	[tilespmem:$0x410] =	vst v2;
	v2 =	vadd.s32 v9, v32  }
0x52: {  	v39 =	vld [tilespmem:$0x290];
	[tilespmem:$0x320] =	vst v2;
	v2 =	vadd.s32 v32, v10  }
0x53: {  	v40 =	vld [tilespmem:$0x90];
	v38 =	vmul.u32 $0x2710, v14;
	[tilespmem:$0x420] =	vst v2;
	v2 =	vadd.s32 v12, v35  }
0x54: {  	v42 =	vld [tilespmem:$0x190];
	[tilespmem:$0x330] =	vst v2;
	v2 =	vadd.s32 v35, v13  }
0x55: {  	v43 =	vld [tilespmem:$0x2A0];
	v41 =	vmul.u32 $0x2710, v17;
	[tilespmem:$0x430] =	vst v2;
	v2 =	vadd.s32 v15, v38  }
0x56: {  	v3 =	vld [tilespmem:$0x70];
	[tilespmem:$0x340] =	vst v2;
	v2 =	vadd.s32 v38, v16  }
0x57: {  	v45 =	vld [tilespmem:$0xA0];
	v44 =	vmul.u32 $0x2710, v20;
	[tilespmem:$0x440] =	vst v2;
	v2 =	vadd.s32 v18, v41  }
0x58: {  	v46 =	vld [tilespmem:$0x1A0];
	[tilespmem:$0x350] =	vst v2;
	v2 =	vadd.s32 v41, v19  }
0x59: {  	v48 =	vld [tilespmem:$0x2B0];
	v47 =	vmul.u32 $0x2710, v23;
	[tilespmem:$0x450] =	vst v2;
	v2 =	vadd.s32 v21, v44  }
0x5a: {  	v49 =	vld [tilespmem:$0xB0];
	[tilespmem:$0x360] =	vst v2;
	v2 =	vadd.s32 v44, v22  }
0x5b: {  	v50 =	vld [tilespmem:$0x1B0];
	[tilespmem:$0x460] =	vst v2;
	v2 =	vadd.s32 v3, v47;
	v3 =	vmul.u32 $0x2710, v34  }
0x5c: {  	v51 =	vld [tilespmem:$0x2C0];
	[tilespmem:$0x370] =	vst v2;
	v2 =	vadd.s32 v47, v33  }
0x5d: {  	v53 =	vld [tilespmem:$0xC0];
	v52 =	vmul.u32 $0x2710, v39;
	[tilespmem:$0x470] =	vst v2;
	v2 =	vadd.s32 v36, v3  }
0x5e: {  	v55 =	vld [tilespmem:$0x2D0];
	[tilespmem:$0x380] =	vst v2;
	v2 =	vadd.s32 v3, v37  }
0x5f: {  	v56 =	vld [tilespmem:$0xD0];
	v54 =	vmul.u32 $0x2710, v43;
	[tilespmem:$0x480] =	vst v2;
	v2 =	vadd.s32 v40, v52  }
0x60: {  	v58 =	vld [tilespmem:$0x1D0];
	[tilespmem:$0x390] =	vst v2;
	v2 =	vadd.s32 v52, v42  }
0x61: {  	v57 =	vmul.u32 $0x2710, v48;
	v3 =	vld [tilespmem:$0x1C0];
	[tilespmem:$0x490] =	vst v2;
	v2 =	vadd.s32 v45, v54  }
0x62: {  	v59 =	vld [tilespmem:$0x2E0];
	[tilespmem:$0x3A0] =	vst v2;
	v2 =	vadd.s32 v54, v46  }
0x63: {  	v60 =	vld [tilespmem:$0xE0];
	v6 =	vmul.u32 $0x2710, v51;
	[tilespmem:$0x4A0] =	vst v2;
	v2 =	vadd.s32 v49, v57  }
0x64: {  	v61 =	vld [tilespmem:$0x2F0];
	[tilespmem:$0x3B0] =	vst v2;
	v2 =	vadd.s32 v57, v50  }
0x65: {  	v62 =	vld [tilespmem:$0x1E0];
	v7 =	vmul.u32 $0x2710, v55;
	[tilespmem:$0x4B0] =	vst v2;
	v2 =	vadd.s32 v53, v6  }
0x66: {  	[tilespmem:$0x3C0] =	vst v2;
	v2 =	vadd.s32 v6, v3;
	v3 =	vld [tilespmem:$0xF0]  }
0x67: {  	v63 =	vld [tilespmem:$0x1F0];
	v4 =	vmul.u32 $0x2710, v59;
	[tilespmem:$0x4C0] =	vst v2;
	v2 =	vadd.s32 v56, v7  }
0x68: {  	[tilespmem:$0x3D0] =	vst v2;
	v2 =	vadd.s32 v7, v58  }
0x69: {  	v5 =	vmul.u32 $0x2710, v61;
	[tilespmem:$0x4D0] =	vst v2;
	v2 =	vadd.s32 v60, v4  }
0x6a: {  	[tilespmem:$0x3E0] =	vst v2;
	v2 =	vadd.s32 v4, v62  }
0x6b: {  	[tilespmem:$0x4E0] =	vst v2;
	v2 =	vadd.s32 v3, v5  }
0x6c: {  	[tilespmem:$0x3F0] =	vst v2;
	v2 =	vadd.s32 v5, v63  }
0x6d: {  	s30 =	sadd.s32 s24, s8;
	[tilespmem:$0x4F0] =	vst v2  }
0x6e: {  	[hbm4b:s30+s3] =	stream.linear.scatter [tilespmem:s16], [sflag:$0x1], $0x100, $0x38;
	[tilespmem:$0x3200] =	vst v63  }
0x6f: {  	_ =	swait.ge [sflag:s13], $0x100  }
0x70: {  	[sflag:s13] =	ssyncset.done $0x0  }
0x71: {  	s31 =	sadd.s32 s24, s7;
	[sflag:s13] =	ssyncadd.s32 $0xFFFFFF00  }
0x72: {  	[hbm4b:s31+s3] =	stream.linear.scatter [tilespmem:s17], [sflag:$0x1], $0x100, $0x38;
	[tilespmem:$0x3200] =	vst v63  }
0x73: {  	_ =	swait.ge [sflag:s13], $0x100  }
0x74: {  	p0 =	sne.s32 s24, $0x4E0;
	[sflag:s13] =	ssyncset.done $0x0  }
.Ltmp1:
0x75: {  	[sflag:s13] =	ssyncadd.s32 $0xFFFFFF00;
	(pc) =	sbr.rel @p0 .LBB2_4-.Ltmp1, $4  }
0x76: {  	[spmem:s2] =	stream.indirect.scatter.add.f32 [tilespmem:s18], [sflag:$0x1], $0x1, s17, s14, $0xb8;
	[tilespmem:$0x3200] =	vst v63  }
0x77: {  	_ =	swait.ge [sflag:s13], $0x100  }
0x78: {  	[sflag:s13] =	ssyncset.done $0x0  }
0x79: {  	s24 =	sadd.s32 $0x20, s24;
	[sflag:s13] =	ssyncadd.s32 $0xFFFFFF00  }
0x7a: {  	s23 =	sadd.s32 $0x1, s23  }
0x7b: {  	p0 =	sne.s32 s23, s6  }
.Ltmp2:
0x7c: {  	[bflag:$0x0] =	sbarrier.arrive $0xFFFF;
	(pc) =	sbr.rel @p0 .LBB2_1-.Ltmp2, $4  }
0x7d: {  	[hbm:s5@s21], [sflag:s19] =	dma.strided [spmem:s20@s22], $0x2C0, s13, $0x10   }
0x7e: {  	_ =	swait.ge [sflag:s13], $0x2C0  }
0x7f: {  	[sflag:s13] =	ssyncset.done $0x0  }
0x80: {  	[sflag:s13] =	ssyncadd.s32 $0xFFFFFD40  }
0x81: {  	_ =	sfence.sel $0x180000  }
0x82: {  	[bflag:$0x0] =	sbarrier.arrive $0xFFFF  }
0x83: {  	p0 =	sne.s32 s0, $0x0;
	_ =	strace $0x90000047  }
0x84: {  	s0 =	sadd.s32 @!p0 $0x100000, s1;
	[bflag:$0x2] =	sbarrier.arrive $0xFFFF  }
0x85: {  	[sflag:s0] =	ssyncadd.tile.s32 @!p0 $0x1;
	_ =	shalt  }
.Lfunc_end2:
_tile_overlayer_lowered:
.L_overlay_start_2:
0x86: {  	(tag) =	ssettag $0x2  }
0x87: {  	s0 =	rddreg [dreg:$0x0];
	s2 =	stileid.u32  }
0x88: {  	s1 =	rddreg [dreg:$0x1];
	p0 =	sne.s32 s2, $0x0  }
0x89: {  	s3 =	rddreg [dreg:$0x2];
	[bflag:$0x3] =	sbarrier.arrive $0xFFFF;
	s2 =	simm.s32 @!p0 $0x1C01  }
0x8a: {  	[timem:s3], [sflag:s2] =	dma.local @!p0 [hbm:s0], s1  }
0x8b: {  	s0 =	simm.s32 @!p0 $0x1  }
0x8c: {  	_ =	swait.ge @!p0 [sflag:s0], s1  }
0x8d: {  	s1 =	ssub.s32 @!p0 $0x0, s1;
	[sflag:s0] =	ssyncset.done @!p0 $0x0  }
0x8e: {  	[sflag:s0] =	ssyncadd.s32 @!p0 s1  }
0x8f: {  	[bflag:$0x3] =	sbarrier.arrive $0xFFFF  }
0x90: {  	_ =	shalt  }

// kernel: kernel.14.cloned.1.call-start
scs
__scs_entry_jumppad:
0x0: {  	(pc) =	sbr.rel $0x88, $3  }
0x1: {  	(tag) =	ssettag $0x0;
	lr =	simm.s32 $0x1  }
0x2: {  	[smem:$0x3F96] =	sst lr;
	_ =	strace $0xD0000000  }
0x3: {  	_ = 	snop  }
0x4: {  	_ = 	snop  }
0x5: {  	_ = 	snop  }
0x6: {  	_ = 	snop  }
0x7: {  	_ = 	snop  }
__scs_overlays_trampoline_lowered:
0x8: {  	[smem:$0x3FA5] =	sst s0  }
0x9: {  	[smem:$0x3FA6] =	sst s1  }
0xa: {  	[smem:$0x3FA7] =	sst s2  }
0xb: {  	[smem:$0x3FA8] =	sst s3  }
0xc: {  	[smem:$0x3FA9] =	sst s4  }
0xd: {  	[smem:$0x3FAA] =	sst s5  }
0xe: {  	[smem:$0x3FAB] =	sst s6  }
0xf: {  	[smem:$0x3FAC] =	sst s7  }
0x10: {  	[smem:$0x3FAD] =	sst s8  }
0x11: {  	[smem:$0x3FAE] =	sst s9;
	s0 =	simm.s32 @!p0 $0x0  }
0x12: {  	s1 =	sld [smem:$0x3F94];
	s0 =	simm.s32 @p0 $0x1  }
0x13: {  	[smem:$0x3FAF] =	sst s0;
	s0 =	simm.s32 @!p1 $0x0  }
0x14: {  	s2 =	sld [smem:$0x3F93];
	s0 =	simm.s32 @p1 $0x1  }
0x15: {  	[smem:$0x3FB0] =	sst s0;
	s0 =	simm.s32 @!p2 $0x0  }
0x16: {  	s3 =	sld [smem:$0x3FDB];
	s0 =	simm.s32 @p2 $0x1  }
0x17: {  	s4 =	simm.s32 $0x1BF5;
	[smem:$0x3FB2] =	sst s0  }
0x18: {  	s0 =	sld [smem:$0x3F95];
	_ =	swait.ge [sflag:s4], $0x0  }
0x19: {  	s7 =	sld [smem:$0x3F96]  }
0x1a: {  	s8 =	sadd.s32 $0xFFFFE003, lr  }
0x1b: {  	s9 =	sadd.s32 $0xFFFFFEF7, lr;
	s5 =	simm.s32 $0xFFFFFFFF;
	p2 =	slt.u32 s8, $0xFFFFF086  }
0x1c: {  	p1 =	slt.u32 s9, $0xF7A;
	s5 =	simm.s32 @!p2 $0x0  }
0x1d: {  	s5 =	simm.s32 @p1 $0x1;
	p0 =	seq.s32 s7, s2  }
0x1e: {  	s7 =	smul.u32 @!p0 $0xF7A, s2;
	p2 =	seq.s32 @!p0 s5, $0x0  }
0x1f: {  	s9 =	smul.u32 $0xF7A, s1;
	s8 =	simm.s32 @!p0 $0x1BF5;
	p2 =	por !p2, p0  }
0x20: {  	[sflag:s8] =	ssyncset.s32 @!p0 $0xFFFFF086;
	s6 =	sadd.s32 @!p0 s3, s7;
	s7 =	simm.s32 @!p0 $0x108  }
0x21: {  	s3 =	sadd.s32 s3, s9;
	s6 =	sadd.s32 @!p0 $0x88, s6;
	s7 =	simm.s32 @p2 $0x1082  }
0x22: {  	[simem:s7], [sflag:s8] =	dma.local @!p0 [hbm:s6], $0xF7A  }
0x23: {  	s9 =	sor.u32 $0xD0000000, s2;
	s6 =	simm.s32 $0x108;
	_ =	swait.ge @!p0 [sflag:s8], $0x0  }
0x24: {  	s3 =	sadd.s32 $0x88, s3;
	s6 =	simm.s32 @!p1 $0x1082;
	[sflag:s4] =	ssyncset.s32 $0xFFFFF086  }
0x25: {  	[simem:s6], [sflag:s4] =	dma.local [hbm:s3], $0xF7A  }
0x26: {  	[smem:$0x3F96] =	sst s1;
	(tag) =	ssettag s2;
	_ =	strace s9  }
0x27: {  	s1 =	sld [smem:$0x3FA6]  }
0x28: {  	s2 =	sld [smem:$0x3FA7]  }
0x29: {  	s4 =	sld [smem:$0x3FA9]  }
0x2a: {  	p0 =	seq.s32 s5, $0x0;
	s5 =	sld [smem:$0x3FAA]  }
0x2b: {  	s6 =	sld [smem:$0x3FAB]  }
0x2c: {  	s7 =	sld [smem:$0x3FAC]  }
0x2d: {  	s3 =	simm.s32 $0x108;
	s8 =	sld [smem:$0x3FAD]  }
0x2e: {  	s3 =	simm.s32 @!p0 $0x1082;
	s9 =	sld [smem:$0x3FAE]  }
0x2f: {  	lr =	sadd.s32 s0, s3;
	s0 =	sld [smem:$0x3FA5]  }
0x30: {  	s3 =	sld [smem:$0x3FA8]  }
0x31: {  	[smem:$0x3FB1] =	sst s10  }
0x32: {  	s10 =	sld [smem:$0x3FAF];
	_ =	sdelay $0x3  }
0x33: {  	p0 =	seq.s32 s10, $0x1;
	s10 =	sld [smem:$0x3FB1];
	_ =	sdelay $0x3  }
0x34: {  	[smem:$0x3FB1] =	sst s10  }
0x35: {  	s10 =	sld [smem:$0x3FB0];
	_ =	sdelay $0x3  }
0x36: {  	p1 =	seq.s32 s10, $0x1;
	s10 =	sld [smem:$0x3FB1];
	_ =	sdelay $0x3  }
0x37: {  	[smem:$0x3FB1] =	sst s10  }
0x38: {  	s10 =	sld [smem:$0x3FB2]  }
0x39: {  	_ = 	snop;
	(pc) =	sbr.ind lr, $3  }
0x3a: {  	_ = 	snop  }
0x3b: {  	_ = 	snop  }
0x3c: {  	p2 =	seq.s32 s10, $0x1;
	s10 =	sld [smem:$0x3FB1]  }
0x3d: {  	_ =	shalt  }
0x3e: {  	_ =	shalt  }
0x3f: {  	_ =	shalt  }
0x40: {  	_ =	shalt  }
0x41: {  	_ =	shalt  }
0x42: {  	_ =	shalt  }
0x43: {  	_ =	shalt  }
0x44: {  	_ =	shalt  }
0x45: {  	_ =	shalt  }
0x46: {  	_ =	shalt  }
0x47: {  	_ =	shalt  }
0x48: {  	_ =	shalt  }
0x49: {  	_ =	shalt  }
0x4a: {  	_ =	shalt  }
0x4b: {  	_ =	shalt  }
0x4c: {  	_ =	shalt  }
0x4d: {  	_ =	shalt  }
0x4e: {  	_ =	shalt  }
0x4f: {  	_ =	shalt  }
0x50: {  	_ =	shalt  }
0x51: {  	_ =	shalt  }
0x52: {  	_ =	shalt  }
0x53: {  	_ =	shalt  }
0x54: {  	_ =	shalt  }
0x55: {  	_ =	shalt  }
0x56: {  	_ =	shalt  }
0x57: {  	_ =	shalt  }
0x58: {  	_ =	shalt  }
0x59: {  	_ =	shalt  }
0x5a: {  	_ =	shalt  }
0x5b: {  	_ =	shalt  }
0x5c: {  	_ =	shalt  }
0x5d: {  	_ =	shalt  }
0x5e: {  	_ =	shalt  }
0x5f: {  	_ =	shalt  }
0x60: {  	_ =	shalt  }
0x61: {  	_ =	shalt  }
0x62: {  	_ =	shalt  }
0x63: {  	_ =	shalt  }
0x64: {  	_ =	shalt  }
0x65: {  	_ =	shalt  }
0x66: {  	_ =	shalt  }
0x67: {  	_ =	shalt  }
0x68: {  	_ =	shalt  }
0x69: {  	_ =	shalt  }
0x6a: {  	_ =	shalt  }
0x6b: {  	_ =	shalt  }
0x6c: {  	_ =	shalt  }
0x6d: {  	_ =	shalt  }
0x6e: {  	_ =	shalt  }
0x6f: {  	_ =	shalt  }
0x70: {  	_ =	shalt  }
0x71: {  	_ =	shalt  }
0x72: {  	_ =	shalt  }
0x73: {  	_ =	shalt  }
0x74: {  	_ =	shalt  }
0x75: {  	_ =	shalt  }
0x76: {  	_ =	shalt  }
0x77: {  	_ =	shalt  }
0x78: {  	_ =	shalt  }
0x79: {  	_ =	shalt  }
0x7a: {  	_ =	shalt  }
0x7b: {  	_ =	shalt  }
0x7c: {  	_ =	shalt  }
0x7d: {  	_ =	shalt  }
0x7e: {  	_ =	shalt  }
0x7f: {  	_ =	shalt  }
0x80: {  	_ =	shalt  }
0x81: {  	_ =	shalt  }
0x82: {  	_ =	shalt  }
0x83: {  	_ =	shalt  }
0x84: {  	_ =	shalt  }
0x85: {  	_ =	shalt  }
0x86: {  	_ =	shalt  }
0x87: {  	_ =	shalt  }
.Lfunc_end0:
.L_simem_size_0:
called_computation.1_lowered:
.L_overlay_start_0:
0x88: {  	s2 =	sld [smem:$0x3FD9]  }
0x89: {  	s3 =	sld [smem:$0x3FFE];
	_ =	sdelay $0x1  }
0x8a: {  	s1 =	srdreg.scid  }
0x8b: {  	s0 =	sand.u32 $0x1, s1  }
0x8c: {  	s16 =	sshll.u32 s0, $0xA;
	s2 =	sadd.s32 s3, s2  }
0x8d: {  	s2 =	sadd.s32 s2, s16  }
0x8e: {  	[smem:$0x3FBD] =	sst s2  }
0x8f: {  	_ = 	snop  }
0x90: {  	(tm) =	ssettm $0x1  }
0x91: {  	s17 =	sld [smem:$0x3FFB];
	_ =	sdelay $0x3  }
0x92: {  	_ =	strace s17  }
0x93: {  	s2 =	sld [smem:$0x3FFC];
	_ =	sdelay $0x3  }
0x94: {  	_ =	strace s2  }
0x95: {  	s2 =	sld [smem:$0x3FFD];
	_ =	sdelay $0x3  }
0x96: {  	_ =	strace s2  }
0x97: {  	_ =	strace $0x8FFFFFFF  }
0x98: {  	s18 =	sld [smem:$0x3FDB];
	_ =	sdelay $0x1  }
0x99: {  	s19 =	simm.s32 $_scs_section_size  }
0x9a: {  	s4 =	simm.s32 $_size__tile_overlayer_lowered;
	s5 =	simm.s32 $_tile_overlayer_lowered  }
0x9b: {  	s22 =	simm.s32 $0x1BFF;
	s21 =	sshll.u32 s5, $0x1;
	s2 =	sadd.s32 s19, s18  }
0x9c: {  	s6 =	simm.s32 $0x0;
	s20 =	sshll.u32 s4, $0x1;
	s4 =	sadd.s32 s21, s2  }
0x9d: {  	[timem:s6], [sflag:s22] =	dma.local [hbm:s4], s20  }
0x9e: {  	_ =	swait.ge [sflag:s22], s20  }
0x9f: {  	s3 =	ssub.s32 $0x0, s20;
	[sflag:s22] =	ssyncset.done $0x0  }
0xa0: {  	[sflag:s22] =	ssyncadd.s32 s3;
	_ =	sdelay $0x1  }
0xa1: {  	s23 =	simm.s32 $0x1B8B  }
0xa2: {  	_ =	swait.ge [sflag:s23], $0x1  }
0xa3: {  	[sflag:s23] =	ssyncset.done $0x0  }
0xa4: {  	s25 =	simm.s32 $0x1B8E;
	s24 =	sld [smem:$0x3FFE];
	[sflag:s23] =	ssyncadd.s32 $0xFFFFFFFF  }
0xa5: {  	s26 =	simm.s32 $execute0_lowered;
	[smem:$0x3FD2] =	sst s25  }
0xa6: {  	s4 =	sshll.u32 s26, $0x1;
	_ =	strace $0x80000049;
	[dreg:$0x1] =	wrdreg $0xFFFFFFFF  }
0xa7: {  	s28 =	simm.s32 $_size_execute0_lowered;
	s2 =	sadd.s32 s2, s4;
	[dreg:$0x0] =	wrdreg $0x0  }
0xa8: {  	s4 =	sshll.u32 s28, $0x1;
	[dreg:$0x2] =	wrdreg s2  }
0xa9: {  	[dreg:$0x3] =	wrdreg s4  }
0xaa: {  	[dreg:$0x4] =	wrdreg $0xC0  }
0xab: {  	_ =	task [dreg:s6], $0x5FFFF  }
0xac: {  	[dreg:$0x1] =	wrdreg $0xFFFFFFFF  }
0xad: {  	[dreg:$0x0] =	wrdreg $0x60  }
0xae: {  	[dreg:$0x2] =	wrdreg s24  }
0xaf: {  	[dreg:$0x3] =	wrdreg $0x9  }
0xb0: {  	_ =	task.clear_ibuf [dreg:s6], $0x4FFFF;
	_ =	strace $0x90000049  }
0xb1: {  	s29 =	simm.s32 $0x9;
	_ =	strace $0x8000004B  }
0xb2: {  	_ =	swait.ge [sflag:s29], $0x1  }
0xb3: {  	[sflag:s29] =	ssyncadd.s32 $0xFFFFFFFF  }
0xb4: {  	_ =	strace $0x9000004B  }
0xb5: {  	_ =	sfence  }
0xb6: {  	s30 =	sld [smem:$0x0];
	_ =	sdelay $0x2  }
0xb7: {  	s31 =	sshll.u32 s1, $0xD;
	s1 =	sshrl.u32 s1, $0x2  }
0xb8: {  	s3 =	sand.u32 $0x4000, s31;
	s1 =	sadd.s32 s1, s30  }
0xb9: {  	s0 =	sor.u32 s3, s0;
	s1 =	sshll.u32 s1, $0x11  }
0xba: {  	s0 =	sor.u32 s1, s0  }
0xbb: {  	s0 =	sadd.s32 $0x8F2B, s0  }
0xbc: {  	[sflag:s0] =	ssyncadd.remote.s32 $0x1  }
0xbd: {  	_ =	sfence.sel $0xFFFF  }
0xbe: {  	[dreg:$0x0] =	wrdreg $0xFFFFFFFF;
	(pc) =	sbr.abs _section_cstart, $3  }
0xbf: {  	[dreg:$0x1] =	wrdreg $0xFFFFFFFF  }
0xc0: {  	_ =	task.clear_ibuf [dreg:s6], $0x2FFFF;
	_ =	strace $0x9FFFFFFF  }
0xc1: {  	(tm) =	ssettm $0x7FFFFFFF  }
tec
execute0_lowered:
.L_overlay_start_1:
0x0: {  	(tag) =	ssettag $0x1  }
0x1: {  	s1 =	srdreg.scid;
	s0 =	stileid.u32  }
0x2: {  	s6 =	sand.u32 $0x1, s1;
	s31 =	sshll.u32 s0, $0x1  }
0x3: {  	s1 =	sor.u32 s6, s31  }
0x4: {  	s5 =	rddreg [dreg:$0x0];
	s2 =	simm.s32 $0x0;
	s3 =	smul.u32 $0x500, s1  }
0x5: {  	[smem:$0x7FF] =	sst s2  }
0x6: {  	s9 =	ssub.s32 $0x2, s6;
	s1 =	rddreg [dreg:$0x1];
	s8 =	sadd.s32 s3, s5  }
0x7: {  	_ =	strace $0x8000004A;
	s3 =	simm.s32 $0x2;
	s4 =	sadd.s32 $0x26600, s8  }
0x8: {  	[tilespmem:s2], [sflag:$0x2] =	stream.linear.gather [hbm4b:s4+s2], $0x2800, $0x38;
	[tilespmem:$0x5000] =	vst v63  }
0x9: {  	s7 =	simm.s32 $0x1;
	s10 =	sshrl.u32 s9, $0x1;
	_ =	swait.ge [sflag:s3], $0x2800  }
0xa: {  	s6 =	simm.s32 $0x2800;
	s9 =	ssub.s32 s9, s10;
	[sflag:s3] =	ssyncset.done $0x0  }
0xb: {  	s5 =	sadd.s32 $0xCE00, s5;
	s9 =	smax.u32 s9, $0x1;
	[sflag:s3] =	ssyncadd.s32 $0xFFFFD800  }
0xc: {  	[tilespmem:s6], [sflag:$0x1] =	stream.indirect.gather [hbm4b:s5+s6], $0x1, s2, s6, $0xb8;
	[tilespmem:$0x5000] =	vst v63  }
0xd: {  	p0 =	sne.s32 s9, $0x1;
	_ =	swait.ge [sflag:s7], $0x2800  }
.Ltmp0:
0xe: {  	[sflag:s7] =	ssyncset.done $0x0;
	(pc) =	sbr.rel @!p0 .LBB2_2-.Ltmp0, $4  }
0xf: {  	s8 =	sadd.s32 $0xFA00, s8;
	[sflag:s7] =	ssyncadd.s32 $0xFFFFD800  }
0x10: {  	[hbm4b:s8+s2] =	stream.linear.scatter [tilespmem:s6], [sflag:$0x2], $0x2800, $0x38;
	[tilespmem:$0x5000] =	vst v63  }
0x11: {  	_ =	swait.ge [sflag:s3], $0x2800  }
0x12: {  	s9 =	sadd.s32 $0xFFFFFFFF, s9;
	[sflag:s3] =	ssyncset.done $0x0  }
.LBB2_1:
0x13: {  	p0 =	sne.s32 s9, $0x1;
	s9 =	sadd.s32 $0xFFFFFFFF, s9;
	[sflag:s3] =	ssyncadd.s32 $0xFFFFD800  }
0x14: {  	[tilespmem:s2], [sflag:$0x2] =	stream.linear.gather [hbm4b:s4+s2], $0x2800, $0x38;
	[tilespmem:$0x5000] =	vst v63  }
0x15: {  	_ =	swait.ge [sflag:s3], $0x2800  }
0x16: {  	[sflag:s3] =	ssyncset.done $0x0  }
0x17: {  	[sflag:s3] =	ssyncadd.s32 $0xFFFFD800  }
0x18: {  	[tilespmem:s6], [sflag:$0x1] =	stream.indirect.gather [hbm4b:s5+s6], $0x1, s2, s6, $0xb8;
	[tilespmem:$0x5000] =	vst v63  }
0x19: {  	_ =	swait.ge [sflag:s7], $0x2800  }
.Ltmp1:
0x1a: {  	[sflag:s7] =	ssyncset.done $0x0;
	(pc) =	sbr.rel @p0 .LBB2_1-.Ltmp1, $4  }
0x1b: {  	[sflag:s7] =	ssyncadd.s32 $0xFFFFD800  }
0x1c: {  	[hbm4b:s8+s2] =	stream.linear.scatter [tilespmem:s6], [sflag:$0x2], $0x2800, $0x38;
	[tilespmem:$0x5000] =	vst v63  }
0x1d: {  	_ =	swait.ge [sflag:s3], $0x2800  }
0x1e: {  	[sflag:s3] =	ssyncset.done $0x0  }
.LBB2_2:
0x1f: {  	[sflag:s3] =	ssyncadd.s32 $0xFFFFD800  }
0x20: {  	_ =	sfence.sel $0x180000  }
0x21: {  	[bflag:$0x0] =	sbarrier.arrive $0xFFFF  }
0x22: {  	p0 =	sne.s32 s0, $0x0;
	_ =	strace $0x9000004A  }
0x23: {  	s0 =	sadd.s32 @!p0 $0x100000, s1;
	[bflag:$0x2] =	sbarrier.arrive $0xFFFF  }
0x24: {  	[sflag:s0] =	ssyncadd.tile.s32 @!p0 $0x1;
	_ =	shalt  }
.Lfunc_end2:
_tile_overlayer_lowered:
.L_overlay_start_2:
0x25: {  	(tag) =	ssettag $0x2  }
0x26: {  	s0 =	rddreg [dreg:$0x0];
	s2 =	stileid.u32  }
0x27: {  	s1 =	rddreg [dreg:$0x1];
	p0 =	sne.s32 s2, $0x0  }
0x28: {  	s3 =	rddreg [dreg:$0x2];
	[bflag:$0x3] =	sbarrier.arrive $0xFFFF;
	s2 =	simm.s32 @!p0 $0x1C02  }
0x29: {  	[timem:s3], [sflag:s2] =	dma.local @!p0 [hbm:s0], s1  }
0x2a: {  	s0 =	simm.s32 @!p0 $0x2  }
0x2b: {  	_ =	swait.ge @!p0 [sflag:s0], s1  }
0x2c: {  	s1 =	ssub.s32 @!p0 $0x0, s1;
	[sflag:s0] =	ssyncset.done @!p0 $0x0  }
0x2d: {  	[sflag:s0] =	ssyncadd.s32 @!p0 s1  }
0x2e: {  	[bflag:$0x3] =	sbarrier.arrive $0xFFFF  }
0x2f: {  	_ =	shalt  }

// kernel: kernel.17.cloned.1.call-start
scs
__scs_entry_jumppad:
0x0: {  	(pc) =	sbr.rel $0x88, $3  }
0x1: {  	(tag) =	ssettag $0x0;
	lr =	simm.s32 $0x1  }
0x2: {  	[smem:$0x3F96] =	sst lr;
	_ =	strace $0xD0000000  }
0x3: {  	_ = 	snop  }
0x4: {  	_ = 	snop  }
0x5: {  	_ = 	snop  }
0x6: {  	_ = 	snop  }
0x7: {  	_ = 	snop  }
__scs_overlays_trampoline_lowered:
0x8: {  	[smem:$0x3FA5] =	sst s0  }
0x9: {  	[smem:$0x3FA6] =	sst s1  }
0xa: {  	[smem:$0x3FA7] =	sst s2  }
0xb: {  	[smem:$0x3FA8] =	sst s3  }
0xc: {  	[smem:$0x3FA9] =	sst s4  }
0xd: {  	[smem:$0x3FAA] =	sst s5  }
0xe: {  	[smem:$0x3FAB] =	sst s6  }
0xf: {  	[smem:$0x3FAC] =	sst s7  }
0x10: {  	[smem:$0x3FAD] =	sst s8  }
0x11: {  	[smem:$0x3FAE] =	sst s9;
	s0 =	simm.s32 @!p0 $0x0  }
0x12: {  	s1 =	sld [smem:$0x3F94];
	s0 =	simm.s32 @p0 $0x1  }
0x13: {  	[smem:$0x3FAF] =	sst s0;
	s0 =	simm.s32 @!p1 $0x0  }
0x14: {  	s2 =	sld [smem:$0x3F93];
	s0 =	simm.s32 @p1 $0x1  }
0x15: {  	[smem:$0x3FB0] =	sst s0;
	s0 =	simm.s32 @!p2 $0x0  }
0x16: {  	s3 =	sld [smem:$0x3FDB];
	s0 =	simm.s32 @p2 $0x1  }
0x17: {  	s4 =	simm.s32 $0x1BF5;
	[smem:$0x3FB2] =	sst s0  }
0x18: {  	s0 =	sld [smem:$0x3F95];
	_ =	swait.ge [sflag:s4], $0x0  }
0x19: {  	s7 =	sld [smem:$0x3F96]  }
0x1a: {  	s8 =	sadd.s32 $0xFFFFE003, lr  }
0x1b: {  	s9 =	sadd.s32 $0xFFFFFEF7, lr;
	s5 =	simm.s32 $0xFFFFFFFF;
	p2 =	slt.u32 s8, $0xFFFFF086  }
0x1c: {  	p1 =	slt.u32 s9, $0xF7A;
	s5 =	simm.s32 @!p2 $0x0  }
0x1d: {  	s5 =	simm.s32 @p1 $0x1;
	p0 =	seq.s32 s7, s2  }
0x1e: {  	s7 =	smul.u32 @!p0 $0xF7A, s2;
	p2 =	seq.s32 @!p0 s5, $0x0  }
0x1f: {  	s9 =	smul.u32 $0xF7A, s1;
	s8 =	simm.s32 @!p0 $0x1BF5;
	p2 =	por !p2, p0  }
0x20: {  	[sflag:s8] =	ssyncset.s32 @!p0 $0xFFFFF086;
	s6 =	sadd.s32 @!p0 s3, s7;
	s7 =	simm.s32 @!p0 $0x108  }
0x21: {  	s3 =	sadd.s32 s3, s9;
	s6 =	sadd.s32 @!p0 $0x88, s6;
	s7 =	simm.s32 @p2 $0x1082  }
0x22: {  	[simem:s7], [sflag:s8] =	dma.local @!p0 [hbm:s6], $0xF7A  }
0x23: {  	s9 =	sor.u32 $0xD0000000, s2;
	s6 =	simm.s32 $0x108;
	_ =	swait.ge @!p0 [sflag:s8], $0x0  }
0x24: {  	s3 =	sadd.s32 $0x88, s3;
	s6 =	simm.s32 @!p1 $0x1082;
	[sflag:s4] =	ssyncset.s32 $0xFFFFF086  }
0x25: {  	[simem:s6], [sflag:s4] =	dma.local [hbm:s3], $0xF7A  }
0x26: {  	[smem:$0x3F96] =	sst s1;
	(tag) =	ssettag s2;
	_ =	strace s9  }
0x27: {  	s1 =	sld [smem:$0x3FA6]  }
0x28: {  	s2 =	sld [smem:$0x3FA7]  }
0x29: {  	s4 =	sld [smem:$0x3FA9]  }
0x2a: {  	p0 =	seq.s32 s5, $0x0;
	s5 =	sld [smem:$0x3FAA]  }
0x2b: {  	s6 =	sld [smem:$0x3FAB]  }
0x2c: {  	s7 =	sld [smem:$0x3FAC]  }
0x2d: {  	s3 =	simm.s32 $0x108;
	s8 =	sld [smem:$0x3FAD]  }
0x2e: {  	s3 =	simm.s32 @!p0 $0x1082;
	s9 =	sld [smem:$0x3FAE]  }
0x2f: {  	lr =	sadd.s32 s0, s3;
	s0 =	sld [smem:$0x3FA5]  }
0x30: {  	s3 =	sld [smem:$0x3FA8]  }
0x31: {  	[smem:$0x3FB1] =	sst s10  }
0x32: {  	s10 =	sld [smem:$0x3FAF];
	_ =	sdelay $0x3  }
0x33: {  	p0 =	seq.s32 s10, $0x1;
	s10 =	sld [smem:$0x3FB1];
	_ =	sdelay $0x3  }
0x34: {  	[smem:$0x3FB1] =	sst s10  }
0x35: {  	s10 =	sld [smem:$0x3FB0];
	_ =	sdelay $0x3  }
0x36: {  	p1 =	seq.s32 s10, $0x1;
	s10 =	sld [smem:$0x3FB1];
	_ =	sdelay $0x3  }
0x37: {  	[smem:$0x3FB1] =	sst s10  }
0x38: {  	s10 =	sld [smem:$0x3FB2]  }
0x39: {  	_ = 	snop;
	(pc) =	sbr.ind lr, $3  }
0x3a: {  	_ = 	snop  }
0x3b: {  	_ = 	snop  }
0x3c: {  	p2 =	seq.s32 s10, $0x1;
	s10 =	sld [smem:$0x3FB1]  }
0x3d: {  	_ =	shalt  }
0x3e: {  	_ =	shalt  }
0x3f: {  	_ =	shalt  }
0x40: {  	_ =	shalt  }
0x41: {  	_ =	shalt  }
0x42: {  	_ =	shalt  }
0x43: {  	_ =	shalt  }
0x44: {  	_ =	shalt  }
0x45: {  	_ =	shalt  }
0x46: {  	_ =	shalt  }
0x47: {  	_ =	shalt  }
0x48: {  	_ =	shalt  }
0x49: {  	_ =	shalt  }
0x4a: {  	_ =	shalt  }
0x4b: {  	_ =	shalt  }
0x4c: {  	_ =	shalt  }
0x4d: {  	_ =	shalt  }
0x4e: {  	_ =	shalt  }
0x4f: {  	_ =	shalt  }
0x50: {  	_ =	shalt  }
0x51: {  	_ =	shalt  }
0x52: {  	_ =	shalt  }
0x53: {  	_ =	shalt  }
0x54: {  	_ =	shalt  }
0x55: {  	_ =	shalt  }
0x56: {  	_ =	shalt  }
0x57: {  	_ =	shalt  }
0x58: {  	_ =	shalt  }
0x59: {  	_ =	shalt  }
0x5a: {  	_ =	shalt  }
0x5b: {  	_ =	shalt  }
0x5c: {  	_ =	shalt  }
0x5d: {  	_ =	shalt  }
0x5e: {  	_ =	shalt  }
0x5f: {  	_ =	shalt  }
0x60: {  	_ =	shalt  }
0x61: {  	_ =	shalt  }
0x62: {  	_ =	shalt  }
0x63: {  	_ =	shalt  }
0x64: {  	_ =	shalt  }
0x65: {  	_ =	shalt  }
0x66: {  	_ =	shalt  }
0x67: {  	_ =	shalt  }
0x68: {  	_ =	shalt  }
0x69: {  	_ =	shalt  }
0x6a: {  	_ =	shalt  }
0x6b: {  	_ =	shalt  }
0x6c: {  	_ =	shalt  }
0x6d: {  	_ =	shalt  }
0x6e: {  	_ =	shalt  }
0x6f: {  	_ =	shalt  }
0x70: {  	_ =	shalt  }
0x71: {  	_ =	shalt  }
0x72: {  	_ =	shalt  }
0x73: {  	_ =	shalt  }
0x74: {  	_ =	shalt  }
0x75: {  	_ =	shalt  }
0x76: {  	_ =	shalt  }
0x77: {  	_ =	shalt  }
0x78: {  	_ =	shalt  }
0x79: {  	_ =	shalt  }
0x7a: {  	_ =	shalt  }
0x7b: {  	_ =	shalt  }
0x7c: {  	_ =	shalt  }
0x7d: {  	_ =	shalt  }
0x7e: {  	_ =	shalt  }
0x7f: {  	_ =	shalt  }
0x80: {  	_ =	shalt  }
0x81: {  	_ =	shalt  }
0x82: {  	_ =	shalt  }
0x83: {  	_ =	shalt  }
0x84: {  	_ =	shalt  }
0x85: {  	_ =	shalt  }
0x86: {  	_ =	shalt  }
0x87: {  	_ =	shalt  }
.Lfunc_end0:
.L_simem_size_0:
called_computation.2_lowered:
.L_overlay_start_0:
0x88: {  	s2 =	sld [smem:$0x3FD9]  }
0x89: {  	s3 =	sld [smem:$0x3FFE];
	_ =	sdelay $0x1  }
0x8a: {  	s1 =	srdreg.scid  }
0x8b: {  	s0 =	sand.u32 $0x1, s1  }
0x8c: {  	s16 =	sshll.u32 s0, $0xA;
	s2 =	sadd.s32 s3, s2  }
0x8d: {  	s2 =	sadd.s32 s2, s16  }
0x8e: {  	[smem:$0x3FBD] =	sst s2  }
0x8f: {  	_ = 	snop  }
0x90: {  	(tm) =	ssettm $0x1  }
0x91: {  	s17 =	sld [smem:$0x3FFB];
	_ =	sdelay $0x3  }
0x92: {  	_ =	strace s17  }
0x93: {  	s2 =	sld [smem:$0x3FFC];
	_ =	sdelay $0x3  }
0x94: {  	_ =	strace s2  }
0x95: {  	s2 =	sld [smem:$0x3FFD];
	_ =	sdelay $0x3  }
0x96: {  	_ =	strace s2  }
0x97: {  	_ =	strace $0x8FFFFFFF  }
0x98: {  	s18 =	sld [smem:$0x3FDB];
	_ =	sdelay $0x1  }
0x99: {  	s19 =	simm.s32 $_scs_section_size  }
0x9a: {  	s4 =	simm.s32 $_size__tile_overlayer_lowered;
	s5 =	simm.s32 $_tile_overlayer_lowered  }
0x9b: {  	s22 =	simm.s32 $0x1BFF;
	s21 =	sshll.u32 s5, $0x1;
	s2 =	sadd.s32 s19, s18  }
0x9c: {  	s6 =	simm.s32 $0x0;
	s20 =	sshll.u32 s4, $0x1;
	s4 =	sadd.s32 s21, s2  }
0x9d: {  	[timem:s6], [sflag:s22] =	dma.local [hbm:s4], s20  }
0x9e: {  	_ =	swait.ge [sflag:s22], s20  }
0x9f: {  	s3 =	ssub.s32 $0x0, s20;
	[sflag:s22] =	ssyncset.done $0x0  }
0xa0: {  	[sflag:s22] =	ssyncadd.s32 s3;
	_ =	sdelay $0x1  }
0xa1: {  	s23 =	simm.s32 $0x1B8B  }
0xa2: {  	_ =	swait.ge [sflag:s23], $0x1  }
0xa3: {  	[sflag:s23] =	ssyncset.done $0x0  }
0xa4: {  	s25 =	simm.s32 $0x1B8E;
	s24 =	sld [smem:$0x3FFE];
	[sflag:s23] =	ssyncadd.s32 $0xFFFFFFFF  }
0xa5: {  	s26 =	simm.s32 $execute0_lowered;
	[smem:$0x3FD2] =	sst s25  }
0xa6: {  	s4 =	sshll.u32 s26, $0x1;
	_ =	strace $0x8000004C;
	[dreg:$0x1] =	wrdreg $0xFFFFFFFF  }
0xa7: {  	s28 =	simm.s32 $_size_execute0_lowered;
	s2 =	sadd.s32 s2, s4;
	[dreg:$0x0] =	wrdreg $0x0  }
0xa8: {  	s4 =	sshll.u32 s28, $0x1;
	[dreg:$0x2] =	wrdreg s2  }
0xa9: {  	[dreg:$0x3] =	wrdreg s4  }
0xaa: {  	[dreg:$0x4] =	wrdreg $0xC0  }
0xab: {  	_ =	task [dreg:s6], $0x5FFFF  }
0xac: {  	[dreg:$0x1] =	wrdreg $0xFFFFFFFF  }
0xad: {  	[dreg:$0x0] =	wrdreg $0x60  }
0xae: {  	[dreg:$0x2] =	wrdreg s24  }
0xaf: {  	[dreg:$0x3] =	wrdreg $0xB8000  }
0xb0: {  	[dreg:$0x4] =	wrdreg $0x9  }
0xb1: {  	_ =	task.clear_ibuf [dreg:s6], $0x5FFFF;
	_ =	strace $0x9000004C  }
0xb2: {  	s29 =	simm.s32 $0x9;
	_ =	strace $0x8000004E  }
0xb3: {  	_ =	swait.ge [sflag:s29], $0x1  }
0xb4: {  	[sflag:s29] =	ssyncadd.s32 $0xFFFFFFFF  }
0xb5: {  	_ =	strace $0x9000004E  }
0xb6: {  	_ =	sfence  }
0xb7: {  	s30 =	sld [smem:$0x0];
	_ =	sdelay $0x2  }
0xb8: {  	s31 =	sshll.u32 s1, $0xD;
	s1 =	sshrl.u32 s1, $0x2  }
0xb9: {  	s3 =	sand.u32 $0x4000, s31;
	s1 =	sadd.s32 s1, s30  }
0xba: {  	s0 =	sor.u32 s3, s0;
	s1 =	sshll.u32 s1, $0x11  }
0xbb: {  	s0 =	sor.u32 s1, s0  }
0xbc: {  	s0 =	sadd.s32 $0x8F2B, s0  }
0xbd: {  	[sflag:s0] =	ssyncadd.remote.s32 $0x1  }
0xbe: {  	_ =	sfence.sel $0xFFFF  }
0xbf: {  	[dreg:$0x0] =	wrdreg $0xFFFFFFFF;
	(pc) =	sbr.abs _section_cstart, $3  }
0xc0: {  	[dreg:$0x1] =	wrdreg $0xFFFFFFFF  }
0xc1: {  	_ =	task.clear_ibuf [dreg:s6], $0x2FFFF;
	_ =	strace $0x9FFFFFFF  }
0xc2: {  	(tm) =	ssettm $0x7FFFFFFF  }
0xc3: {  	_ =	shalt  }
tec
execute0_lowered:
.L_overlay_start_1:
0x0: {  	(tag) =	ssettag $0x1  }
0x1: {  	s8 =	rddreg [dreg:$0x0]  }
0x2: {  	s0 =	srdreg.scid;
	s15 =	stileid.u32  }
0x3: {  	s1 =	rddreg [dreg:$0x1];
	s2 =	simm.s32 $0x0;
	s14 =	simm.s32 $0x5000  }
0x4: {  	s18 =	simm.s32 $0x40;
	s19 =	simm.s32 $0x7800;
	s20 =	simm.s32 $0x9800  }
0x5: {  	s21 =	simm.s32 $0x1;
	s22 =	simm.s32 $0x2;
	s23 =	simm.s32 $0x27C0  }
0x6: {  	s24 =	simm.s32 $0x4F80;
	s25 =	simm.s32 $0x4FC0;
	s26 =	simm.s32 $0x0  }
0x7: {  	s5 =	sand.u32 $0x1, s0;
	s3 =	sshll.u32 s15, $0x1;
	s9 =	smul.u32 $0x13800, s15  }
0x8: {  	[smem:$0x7FF] =	sst s2;
	s11 =	smul.u32 $0x4E000, s15;
	s12 =	sadd.s32 $0x1C1200, s8  }
0x9: {  	s17 =	sadd.s32 $0x138000, s1;
	p0 =	sne.s32 s15, $0x0;
	s15 =	sshll.u32 s15, $0x6  }
0xa: {  	s3 =	sor.u32 s5, s3;
	_ =	strace $0x8000004D;
	s28 =	ssub.s32 $0x2, s5  }
0xb: {  	s30 =	smul.u32 $0x138800, s5;
	s15 =	sor.u32 $0x1C03, s15;
	s17 =	sshrl.u32 @!p0 s17, $0x3  }
0xc: {  	s4 =	smul.u32 $0x500, s3;
	s3 =	sadd.s32 $0x3A600, s8;
	s7 =	sshrl.u32 s9, $0x3  }
0xd: {  	s10 =	sshrl.u32 s28, $0x1;
	s29 =	sshrl.u32 s11, $0x2;
	s7 =	sadd.s32 s7, s8  }
0xe: {  	s13 =	ssub.s32 s28, s10;
	s16 =	sadd.s32 s29, s1;
	s9 =	sadd.s32 s9, s30  }
0xf: {  	s31 =	sshrl.u32 s30, $0x3;
	s6 =	sadd.s32 s4, s8;
	s7 =	sadd.s32 $0x19A000, s7  }
0x10: {  	s9 =	sshrl.u32 s9, $0x3;
	s10 =	sadd.s32 s12, s31;
	s8 =	sadd.s32 $0x1C1000, s8  }
0x11: {  	s11 =	smax.u32 s13, $0x1;
	s13 =	simm.s32 $0x2800;
	s16 =	sshrl.u32 s16, $0x3  }
0x12: {  	s4 =	sadd.s32 $0x30600, s6;
	s5 =	sadd.s32 $0x2E00, s6;
	s6 =	sadd.s32 $0xFA00, s6  }
0x13: {  	s9 =	sadd.s32 s12, s9;
	s10 =	sadd.s32 $0x27000, s10;
	s12 =	simm.s32 $0x3  }
.LBB2_1:
0x14: {  	[tilespmem:s2], [sflag:$0x3] =	stream.linear.gather [hbm4b:s4+s2], $0x2800, $0x38;
	[tilespmem:$0x1F080] =	vst v63  }
0x15: {  	_ =	swait.ge [sflag:s12], $0x2800  }
0x16: {  	[sflag:s12] =	ssyncset.done $0x0  }
0x17: {  	[sflag:s12] =	ssyncadd.s32 $0xFFFFD800  }
0x18: {  	[tilespmem:s13], [sflag:$0x3] =	stream.linear.gather [hbm4b:s5+s2], $0x2800, $0x38;
	[tilespmem:$0x1F080] =	vst v63  }
0x19: {  	_ =	swait.ge [sflag:s12], $0x2800  }
0x1a: {  	[sflag:s12] =	ssyncset.done $0x0  }
0x1b: {  	[sflag:s12] =	ssyncadd.s32 $0xFFFFD800  }
0x1c: {  	[tilespmem:s14], [sflag:$0x3] =	stream.linear.gather [hbm4b:s6+s2], $0x2800, $0x38;
	[tilespmem:$0x1F080] =	vst v63  }
0x1d: {  	_ =	swait.ge [sflag:s12], $0x2800  }
0x1e: {  	[sflag:s12] =	ssyncset.done $0x0  }
0x1f: {  	[sflag:s12] =	ssyncadd.s32 $0xFFFFD800  }
0x20: {  	[spmem:s16], [sflag:s15] =	dma.local [hbm:s7], $0x2700  }
0x21: {  	_ =	swait.ge [sflag:s12], $0x2700  }
0x22: {  	[sflag:s12] =	ssyncset.done $0x0  }
0x23: {  	s28 =	simm.s32 @!p0 $0x3;
	[sflag:s12] =	ssyncadd.s32 $0xFFFFD900  }
0x24: {  	[spmem:s17], [sflag:s15] =	dma.local @!p0 [hbm:s8], $0x100  }
0x25: {  	_ =	swait.ge @!p0 [sflag:s28], $0x100  }
0x26: {  	[sflag:s28] =	ssyncset.done @!p0 $0x0  }
0x27: {  	[sflag:s28] =	ssyncadd.s32 @!p0 $0xFFFFFF00  }
0x28: {  	[bflag:$0x0] =	sbarrier.arrive $0xFFFF  }
0x29: {  	[tilespmem:s19], [sflag:$0x1] =	stream.indirect.gather [hbm4b:s3+s18], $0x80, s2, s18, $0xb8;
	[tilespmem:$0x1F080] =	vst v63  }
0x2a: {  	s28 =	simm.s32 $0x40  }
0x2b: {  	[tilespmem:s20], [sflag:$0x2] =	stream.indirect.gather [hbm4b:s3+s18], $0x80, s28, s18, $0xb8;
	[tilespmem:$0x1F080] =	vst v63  }
0x2c: {  	_ =	swait.ge [sflag:s21], $0x2000  }
0x2d: {  	[sflag:s21] =	ssyncset.done $0x0  }
0x2e: {  	s28 =	simm.s32 $0x2800;
	[sflag:s21] =	ssyncadd.s32 $0xFFFFE000  }
0x2f: {  	[spmem:s1] =	stream.indirect.scatter.add.f32 [tilespmem:s19], [sflag:$0x3], $0x80, s28, s18, $0xb8;
	[tilespmem:$0x1F080] =	vst v63  }
0x30: {  	_ =	swait.ge [sflag:s12], $0x2000  }
0x31: {  	[sflag:s12] =	ssyncset.done $0x0  }
0x32: {  	s28 =	simm.s32 $0x80;
	[sflag:s12] =	ssyncadd.s32 $0xFFFFE000  }
0x33: {  	[tilespmem:s19], [sflag:$0x1] =	stream.indirect.gather [hbm4b:s3+s18], $0x80, s28, s18, $0xb8;
	[tilespmem:$0x1F080] =	vst v63  }
0x34: {  	_ =	swait.ge [sflag:s22], $0x2000  }
0x35: {  	[sflag:s22] =	ssyncset.done $0x0  }
0x36: {  	s28 =	simm.s32 $0x2840;
	[sflag:s22] =	ssyncadd.s32 $0xFFFFE000  }
0x37: {  	[spmem:s1] =	stream.indirect.scatter.add.f32 [tilespmem:s20], [sflag:$0x3], $0x80, s28, s18, $0xb8;
	[tilespmem:$0x1F080] =	vst v63  }
0x38: {  	_ =	swait.ge [sflag:s12], $0x2000  }
0x39: {  	s29 =	simm.s32 $0x400;
	s28 =	simm.s32 $0x80;
	[sflag:s12] =	ssyncset.done $0x0  }
.LBB2_2:
0x3a: {  	s30 =	sadd.s32 $0x40, s28  }
0x3b: {  	[sflag:s12] =	ssyncadd.s32 $0xFFFFE000;
	s31 =	smov.u32 s29;
	s0 =	sadd.s32 $0x200, s29  }
0x3c: {  	[tilespmem:s20], [sflag:$0x2] =	stream.indirect.gather [hbm4b:s3+s18], $0x80, s30, s18, $0xb8;
	[tilespmem:$0x1F080] =	vst v63  }
0x3d: {  	p1 =	sne.s32 s29, $0x9C00;
	_ =	swait.ge [sflag:s21], $0x2000  }
0x3e: {  	[sflag:s21] =	ssyncset.done $0x0  }
0x3f: {  	s29 =	sadd.s32 $0x2800, s28;
	[sflag:s21] =	ssyncadd.s32 $0xFFFFE000  }
0x40: {  	[spmem:s1] =	stream.indirect.scatter.add.f32 [tilespmem:s19], [sflag:$0x3], $0x80, s29, s18, $0xb8;
	[tilespmem:$0x1F080] =	vst v63  }
0x41: {  	_ =	swait.ge [sflag:s12], $0x2000  }
0x42: {  	[sflag:s12] =	ssyncset.done $0x0  }
0x43: {  	s29 =	sadd.s32 $0x80, s28;
	[sflag:s12] =	ssyncadd.s32 $0xFFFFE000  }
0x44: {  	[tilespmem:s19], [sflag:$0x1] =	stream.indirect.gather [hbm4b:s3+s18], $0x80, s29, s18, $0xb8;
	[tilespmem:$0x1F080] =	vst v63  }
0x45: {  	_ =	swait.ge [sflag:s22], $0x2000  }
.Ltmp0:
0x46: {  	[sflag:s22] =	ssyncset.done $0x0;
	(pc) =	sbr.rel @p1 .LBB2_2-.Ltmp0, $4  }
0x47: {  	s28 =	sadd.s32 $0x2840, s28;
	[sflag:s22] =	ssyncadd.s32 $0xFFFFE000  }
0x48: {  	[spmem:s1] =	stream.indirect.scatter.add.f32 [tilespmem:s20], [sflag:$0x3], $0x80, s28, s18, $0xb8;
	[tilespmem:$0x1F080] =	vst v63  }
0x49: {  	_ =	swait.ge [sflag:s12], $0x2000  }
0x4a: {  	s29 =	smov.u32 s0;
	s28 =	sshra.s32 s31, $0x2;
	[sflag:s12] =	ssyncset.done $0x0  }
0x4b: {  	s0 =	sadd.s32 $0x40, s28;
	[sflag:s12] =	ssyncadd.s32 $0xFFFFE000  }
0x4c: {  	[tilespmem:s20], [sflag:$0x2] =	stream.indirect.gather [hbm4b:s3+s18], $0x80, s0, s18, $0xb8;
	[tilespmem:$0x1F080] =	vst v63  }
0x4d: {  	_ =	swait.ge [sflag:s21], $0x2000  }
0x4e: {  	[sflag:s21] =	ssyncset.done $0x0  }
0x4f: {  	s29 =	sadd.s32 $0x2800, s28;
	[sflag:s21] =	ssyncadd.s32 $0xFFFFE000  }
0x50: {  	[spmem:s1] =	stream.indirect.scatter.add.f32 [tilespmem:s19], [sflag:$0x3], $0x80, s29, s18, $0xb8;
	[tilespmem:$0x1F080] =	vst v63  }
0x51: {  	_ =	swait.ge [sflag:s12], $0x2000  }
0x52: {  	[sflag:s12] =	ssyncset.done $0x0  }
0x53: {  	s30 =	sadd.s32 $0x80, s28;
	[sflag:s12] =	ssyncadd.s32 $0xFFFFE000  }
0x54: {  	[tilespmem:s19], [sflag:$0x1] =	stream.indirect.gather [hbm4b:s3+s18], $0x80, s30, s18, $0xb8;
	[tilespmem:$0x1F080] =	vst v63  }
0x55: {  	_ =	swait.ge [sflag:s22], $0x2000  }
0x56: {  	[sflag:s22] =	ssyncset.done $0x0  }
0x57: {  	s31 =	sadd.s32 $0x2840, s28;
	[sflag:s22] =	ssyncadd.s32 $0xFFFFE000  }
0x58: {  	[spmem:s1] =	stream.indirect.scatter.add.f32 [tilespmem:s20], [sflag:$0x3], $0x80, s31, s18, $0xb8;
	[tilespmem:$0x1F080] =	vst v63  }
0x59: {  	_ =	swait.ge [sflag:s12], $0x2000  }
0x5a: {  	[sflag:s12] =	ssyncset.done $0x0  }
0x5b: {  	[sflag:s12] =	ssyncadd.s32 $0xFFFFE000  }
0x5c: {  	[tilespmem:s20], [sflag:$0x2] =	stream.indirect.gather [hbm4b:s3+s18], $0x80, s23, s18, $0xb8;
	[tilespmem:$0x1F080] =	vst v63  }
0x5d: {  	_ =	swait.ge [sflag:s21], $0x2000  }
0x5e: {  	[sflag:s21] =	ssyncset.done $0x0  }
0x5f: {  	[sflag:s21] =	ssyncadd.s32 $0xFFFFE000  }
0x60: {  	[spmem:s1] =	stream.indirect.scatter.add.f32 [tilespmem:s19], [sflag:$0x3], $0x80, s24, s18, $0xb8;
	[tilespmem:$0x1F080] =	vst v63  }
0x61: {  	_ =	swait.ge [sflag:s12], $0x2000  }
0x62: {  	[sflag:s12] =	ssyncset.done $0x0  }
0x63: {  	[sflag:s12] =	ssyncadd.s32 $0xFFFFE000  }
0x64: {  	[tilespmem:s19], [sflag:$0x1] =	stream.indirect.gather [hbm4b:s3+s18], $0x80, s23, s18, $0xb8;
	[tilespmem:$0x1F080] =	vst v63  }
0x65: {  	_ =	swait.ge [sflag:s22], $0x2000  }
0x66: {  	[sflag:s22] =	ssyncset.done $0x0  }
0x67: {  	[sflag:s22] =	ssyncadd.s32 $0xFFFFE000  }
0x68: {  	[spmem:s1] =	stream.indirect.scatter.add.f32 [tilespmem:s20], [sflag:$0x3], $0x80, s25, s18, $0xb8;
	[tilespmem:$0x1F080] =	vst v63  }
0x69: {  	_ =	swait.ge [sflag:s12], $0x2000  }
0x6a: {  	[sflag:s12] =	ssyncset.done $0x0  }
0x6b: {  	[sflag:s12] =	ssyncadd.s32 $0xFFFFE000  }
0x6c: {  	_ =	swait.ge [sflag:s21], $0x2000  }
0x6d: {  	[sflag:s21] =	ssyncset.done $0x0  }
0x6e: {  	[sflag:s21] =	ssyncadd.s32 $0xFFFFE000  }
0x6f: {  	[bflag:$0x0] =	sbarrier.arrive $0xFFFF  }
0x70: {  	[hbm:s9], [sflag:s15] =	dma.local [spmem:s16], $0x2700  }
0x71: {  	s26 =	sadd.s32 $0x1, s26;
	_ =	swait.ge [sflag:s12], $0x2700  }
0x72: {  	p1 =	sne.s32 s26, s11;
	[sflag:s12] =	ssyncset.done $0x0  }
.Ltmp1:
0x73: {  	s0 =	simm.s32 @!p0 $0x3;
	[sflag:s12] =	ssyncadd.s32 $0xFFFFD900;
	(pc) =	sbr.rel @p1 .LBB2_1-.Ltmp1, $4  }
0x74: {  	[hbm:s10], [sflag:s15] =	dma.local @!p0 [spmem:s17], $0x100  }
0x75: {  	_ =	swait.ge @!p0 [sflag:s0], $0x100  }
0x76: {  	[sflag:s0] =	ssyncset.done @!p0 $0x0  }
0x77: {  	[sflag:s0] =	ssyncadd.s32 @!p0 $0xFFFFFF00  }
0x78: {  	_ =	sfence.sel $0x180000  }
0x79: {  	[bflag:$0x0] =	sbarrier.arrive $0xFFFF  }
0x7a: {  	_ =	strace $0x9000004D  }
0x7b: {  	[bflag:$0x2] =	sbarrier.arrive $0xFFFF  }
0x7c: {  	s0 =	rddreg [dreg:$0x2]  }
0x7d: {  	s0 =	sadd.s32 @!p0 $0x100000, s0  }
0x7e: {  	[sflag:s0] =	ssyncadd.tile.s32 @!p0 $0x1;
	_ =	shalt  }
.Lfunc_end2:
_tile_overlayer_lowered:
.L_overlay_start_2:
0x7f: {  	(tag) =	ssettag $0x2  }
0x80: {  	s0 =	rddreg [dreg:$0x0];
	s2 =	stileid.u32  }
0x81: {  	s1 =	rddreg [dreg:$0x1];
	p0 =	sne.s32 s2, $0x0  }
0x82: {  	s3 =	rddreg [dreg:$0x2];
	[bflag:$0x3] =	sbarrier.arrive $0xFFFF;
	s2 =	simm.s32 @!p0 $0x1C03  }
0x83: {  	[timem:s3], [sflag:s2] =	dma.local @!p0 [hbm:s0], s1  }
0x84: {  	s0 =	simm.s32 @!p0 $0x3  }
0x85: {  	_ =	swait.ge @!p0 [sflag:s0], s1  }
0x86: {  	s1 =	ssub.s32 @!p0 $0x0, s1;
	[sflag:s0] =	ssyncset.done @!p0 $0x0  }
0x87: {  	[sflag:s0] =	ssyncadd.s32 @!p0 s1  }
0x88: {  	[bflag:$0x3] =	sbarrier.arrive $0xFFFF  }
0x89: {  	_ =	shalt  }

// kernel: kernel.20.cloned.1.call-start
scs
__scs_entry_jumppad:
0x0: {  	(pc) =	sbr.rel $0x88, $3  }
0x1: {  	(tag) =	ssettag $0x0;
	lr =	simm.s32 $0x1  }
0x2: {  	[smem:$0x3F96] =	sst lr;
	_ =	strace $0xD0000000  }
0x3: {  	_ = 	snop  }
0x4: {  	_ = 	snop  }
0x5: {  	_ = 	snop  }
0x6: {  	_ = 	snop  }
0x7: {  	_ = 	snop  }
__scs_overlays_trampoline_lowered:
0x8: {  	[smem:$0x3FA5] =	sst s0  }
0x9: {  	[smem:$0x3FA6] =	sst s1  }
0xa: {  	[smem:$0x3FA7] =	sst s2  }
0xb: {  	[smem:$0x3FA8] =	sst s3  }
0xc: {  	[smem:$0x3FA9] =	sst s4  }
0xd: {  	[smem:$0x3FAA] =	sst s5  }
0xe: {  	[smem:$0x3FAB] =	sst s6  }
0xf: {  	[smem:$0x3FAC] =	sst s7  }
0x10: {  	[smem:$0x3FAD] =	sst s8  }
0x11: {  	[smem:$0x3FAE] =	sst s9;
	s0 =	simm.s32 @!p0 $0x0  }
0x12: {  	s1 =	sld [smem:$0x3F94];
	s0 =	simm.s32 @p0 $0x1  }
0x13: {  	[smem:$0x3FAF] =	sst s0;
	s0 =	simm.s32 @!p1 $0x0  }
0x14: {  	s2 =	sld [smem:$0x3F93];
	s0 =	simm.s32 @p1 $0x1  }
0x15: {  	[smem:$0x3FB0] =	sst s0;
	s0 =	simm.s32 @!p2 $0x0  }
0x16: {  	s3 =	sld [smem:$0x3FDB];
	s0 =	simm.s32 @p2 $0x1  }
0x17: {  	s4 =	simm.s32 $0x1BF5;
	[smem:$0x3FB2] =	sst s0  }
0x18: {  	s0 =	sld [smem:$0x3F95];
	_ =	swait.ge [sflag:s4], $0x0  }
0x19: {  	s7 =	sld [smem:$0x3F96]  }
0x1a: {  	s8 =	sadd.s32 $0xFFFFE003, lr  }
0x1b: {  	s9 =	sadd.s32 $0xFFFFFEF7, lr;
	s5 =	simm.s32 $0xFFFFFFFF;
	p2 =	slt.u32 s8, $0xFFFFF086  }
0x1c: {  	p1 =	slt.u32 s9, $0xF7A;
	s5 =	simm.s32 @!p2 $0x0  }
0x1d: {  	s5 =	simm.s32 @p1 $0x1;
	p0 =	seq.s32 s7, s2  }
0x1e: {  	s7 =	smul.u32 @!p0 $0xF7A, s2;
	p2 =	seq.s32 @!p0 s5, $0x0  }
0x1f: {  	s9 =	smul.u32 $0xF7A, s1;
	s8 =	simm.s32 @!p0 $0x1BF5;
	p2 =	por !p2, p0  }
0x20: {  	[sflag:s8] =	ssyncset.s32 @!p0 $0xFFFFF086;
	s6 =	sadd.s32 @!p0 s3, s7;
	s7 =	simm.s32 @!p0 $0x108  }
0x21: {  	s3 =	sadd.s32 s3, s9;
	s6 =	sadd.s32 @!p0 $0x88, s6;
	s7 =	simm.s32 @p2 $0x1082  }
0x22: {  	[simem:s7], [sflag:s8] =	dma.local @!p0 [hbm:s6], $0xF7A  }
0x23: {  	s9 =	sor.u32 $0xD0000000, s2;
	s6 =	simm.s32 $0x108;
	_ =	swait.ge @!p0 [sflag:s8], $0x0  }
0x24: {  	s3 =	sadd.s32 $0x88, s3;
	s6 =	simm.s32 @!p1 $0x1082;
	[sflag:s4] =	ssyncset.s32 $0xFFFFF086  }
0x25: {  	[simem:s6], [sflag:s4] =	dma.local [hbm:s3], $0xF7A  }
0x26: {  	[smem:$0x3F96] =	sst s1;
	(tag) =	ssettag s2;
	_ =	strace s9  }
0x27: {  	s1 =	sld [smem:$0x3FA6]  }
0x28: {  	s2 =	sld [smem:$0x3FA7]  }
0x29: {  	s4 =	sld [smem:$0x3FA9]  }
0x2a: {  	p0 =	seq.s32 s5, $0x0;
	s5 =	sld [smem:$0x3FAA]  }
0x2b: {  	s6 =	sld [smem:$0x3FAB]  }
0x2c: {  	s7 =	sld [smem:$0x3FAC]  }
0x2d: {  	s3 =	simm.s32 $0x108;
	s8 =	sld [smem:$0x3FAD]  }
0x2e: {  	s3 =	simm.s32 @!p0 $0x1082;
	s9 =	sld [smem:$0x3FAE]  }
0x2f: {  	lr =	sadd.s32 s0, s3;
	s0 =	sld [smem:$0x3FA5]  }
0x30: {  	s3 =	sld [smem:$0x3FA8]  }
0x31: {  	[smem:$0x3FB1] =	sst s10  }
0x32: {  	s10 =	sld [smem:$0x3FAF];
	_ =	sdelay $0x3  }
0x33: {  	p0 =	seq.s32 s10, $0x1;
	s10 =	sld [smem:$0x3FB1];
	_ =	sdelay $0x3  }
0x34: {  	[smem:$0x3FB1] =	sst s10  }
0x35: {  	s10 =	sld [smem:$0x3FB0];
	_ =	sdelay $0x3  }
0x36: {  	p1 =	seq.s32 s10, $0x1;
	s10 =	sld [smem:$0x3FB1];
	_ =	sdelay $0x3  }
0x37: {  	[smem:$0x3FB1] =	sst s10  }
0x38: {  	s10 =	sld [smem:$0x3FB2]  }
0x39: {  	_ = 	snop;
	(pc) =	sbr.ind lr, $3  }
0x3a: {  	_ = 	snop  }
0x3b: {  	_ = 	snop  }
0x3c: {  	p2 =	seq.s32 s10, $0x1;
	s10 =	sld [smem:$0x3FB1]  }
0x3d: {  	_ =	shalt  }
0x3e: {  	_ =	shalt  }
0x3f: {  	_ =	shalt  }
0x40: {  	_ =	shalt  }
0x41: {  	_ =	shalt  }
0x42: {  	_ =	shalt  }
0x43: {  	_ =	shalt  }
0x44: {  	_ =	shalt  }
0x45: {  	_ =	shalt  }
0x46: {  	_ =	shalt  }
0x47: {  	_ =	shalt  }
0x48: {  	_ =	shalt  }
0x49: {  	_ =	shalt  }
0x4a: {  	_ =	shalt  }
0x4b: {  	_ =	shalt  }
0x4c: {  	_ =	shalt  }
0x4d: {  	_ =	shalt  }
0x4e: {  	_ =	shalt  }
0x4f: {  	_ =	shalt  }
0x50: {  	_ =	shalt  }
0x51: {  	_ =	shalt  }
0x52: {  	_ =	shalt  }
0x53: {  	_ =	shalt  }
0x54: {  	_ =	shalt  }
0x55: {  	_ =	shalt  }
0x56: {  	_ =	shalt  }
0x57: {  	_ =	shalt  }
0x58: {  	_ =	shalt  }
0x59: {  	_ =	shalt  }
0x5a: {  	_ =	shalt  }
0x5b: {  	_ =	shalt  }
0x5c: {  	_ =	shalt  }
0x5d: {  	_ =	shalt  }
0x5e: {  	_ =	shalt  }
0x5f: {  	_ =	shalt  }
0x60: {  	_ =	shalt  }
0x61: {  	_ =	shalt  }
0x62: {  	_ =	shalt  }
0x63: {  	_ =	shalt  }
0x64: {  	_ =	shalt  }
0x65: {  	_ =	shalt  }
0x66: {  	_ =	shalt  }
0x67: {  	_ =	shalt  }
0x68: {  	_ =	shalt  }
0x69: {  	_ =	shalt  }
0x6a: {  	_ =	shalt  }
0x6b: {  	_ =	shalt  }
0x6c: {  	_ =	shalt  }
0x6d: {  	_ =	shalt  }
0x6e: {  	_ =	shalt  }
0x6f: {  	_ =	shalt  }
0x70: {  	_ =	shalt  }
0x71: {  	_ =	shalt  }
0x72: {  	_ =	shalt  }
0x73: {  	_ =	shalt  }
0x74: {  	_ =	shalt  }
0x75: {  	_ =	shalt  }
0x76: {  	_ =	shalt  }
0x77: {  	_ =	shalt  }
0x78: {  	_ =	shalt  }
0x79: {  	_ =	shalt  }
0x7a: {  	_ =	shalt  }
0x7b: {  	_ =	shalt  }
0x7c: {  	_ =	shalt  }
0x7d: {  	_ =	shalt  }
0x7e: {  	_ =	shalt  }
0x7f: {  	_ =	shalt  }
0x80: {  	_ =	shalt  }
0x81: {  	_ =	shalt  }
0x82: {  	_ =	shalt  }
0x83: {  	_ =	shalt  }
0x84: {  	_ =	shalt  }
0x85: {  	_ =	shalt  }
0x86: {  	_ =	shalt  }
0x87: {  	_ =	shalt  }
.Lfunc_end0:
.L_simem_size_0:
called_computation.3_lowered:
.L_overlay_start_0:
0x88: {  	s2 =	sld [smem:$0x3FD9]  }
0x89: {  	s3 =	sld [smem:$0x3FFE];
	_ =	sdelay $0x1  }
0x8a: {  	s1 =	srdreg.scid  }
0x8b: {  	s0 =	sand.u32 $0x1, s1  }
0x8c: {  	s16 =	sshll.u32 s0, $0xA;
	s2 =	sadd.s32 s3, s2  }
0x8d: {  	s2 =	sadd.s32 s2, s16  }
0x8e: {  	[smem:$0x3FBD] =	sst s2  }
0x8f: {  	_ = 	snop  }
0x90: {  	(tm) =	ssettm $0x1  }
0x91: {  	s17 =	sld [smem:$0x3FFB];
	_ =	sdelay $0x3  }
0x92: {  	_ =	strace s17  }
0x93: {  	s2 =	sld [smem:$0x3FFC];
	_ =	sdelay $0x3  }
0x94: {  	_ =	strace s2  }
0x95: {  	s2 =	sld [smem:$0x3FFD];
	_ =	sdelay $0x3  }
0x96: {  	_ =	strace s2  }
0x97: {  	_ =	strace $0x8FFFFFFF  }
0x98: {  	s18 =	sld [smem:$0x3FDB];
	_ =	sdelay $0x1  }
0x99: {  	s19 =	simm.s32 $_scs_section_size  }
0x9a: {  	s4 =	simm.s32 $_size__tile_overlayer_lowered;
	s5 =	simm.s32 $_tile_overlayer_lowered  }
0x9b: {  	s22 =	simm.s32 $0x1BFF;
	s21 =	sshll.u32 s5, $0x1;
	s2 =	sadd.s32 s19, s18  }
0x9c: {  	s6 =	simm.s32 $0x0;
	s20 =	sshll.u32 s4, $0x1;
	s4 =	sadd.s32 s21, s2  }
0x9d: {  	[timem:s6], [sflag:s22] =	dma.local [hbm:s4], s20  }
0x9e: {  	_ =	swait.ge [sflag:s22], s20  }
0x9f: {  	s3 =	ssub.s32 $0x0, s20;
	[sflag:s22] =	ssyncset.done $0x0  }
0xa0: {  	[sflag:s22] =	ssyncadd.s32 s3;
	_ =	sdelay $0x1  }
0xa1: {  	s23 =	simm.s32 $0x1B8B  }
0xa2: {  	_ =	swait.ge [sflag:s23], $0x1  }
0xa3: {  	[sflag:s23] =	ssyncset.done $0x0  }
0xa4: {  	s25 =	simm.s32 $0x1B8E;
	s24 =	sld [smem:$0x3FFE];
	[sflag:s23] =	ssyncadd.s32 $0xFFFFFFFF  }
0xa5: {  	s26 =	simm.s32 $execute0_lowered;
	[smem:$0x3FD2] =	sst s25  }
0xa6: {  	s4 =	sshll.u32 s26, $0x1;
	_ =	strace $0x8000004F;
	[dreg:$0x1] =	wrdreg $0xFFFFFFFF  }
0xa7: {  	s28 =	simm.s32 $_size_execute0_lowered;
	s2 =	sadd.s32 s2, s4;
	[dreg:$0x0] =	wrdreg $0x0  }
0xa8: {  	s4 =	sshll.u32 s28, $0x1;
	[dreg:$0x2] =	wrdreg s2  }
0xa9: {  	[dreg:$0x3] =	wrdreg s4  }
0xaa: {  	[dreg:$0x4] =	wrdreg $0xC0  }
0xab: {  	_ =	task [dreg:s6], $0x5FFFF  }
0xac: {  	[dreg:$0x1] =	wrdreg $0xFFFFFFFF  }
0xad: {  	[dreg:$0x0] =	wrdreg $0x60  }
0xae: {  	[dreg:$0x2] =	wrdreg s24  }
0xaf: {  	[dreg:$0x3] =	wrdreg $0xB8000  }
0xb0: {  	[dreg:$0x4] =	wrdreg $0x9  }
0xb1: {  	_ =	task.clear_ibuf [dreg:s6], $0x5FFFF;
	_ =	strace $0x9000004F  }
0xb2: {  	s29 =	simm.s32 $0x9;
	_ =	strace $0x80000051  }
0xb3: {  	_ =	swait.ge [sflag:s29], $0x1  }
0xb4: {  	[sflag:s29] =	ssyncadd.s32 $0xFFFFFFFF  }
0xb5: {  	_ =	strace $0x90000051  }
0xb6: {  	_ =	sfence  }
0xb7: {  	s30 =	sld [smem:$0x0];
	_ =	sdelay $0x2  }
0xb8: {  	s31 =	sshll.u32 s1, $0xD;
	s1 =	sshrl.u32 s1, $0x2  }
0xb9: {  	s3 =	sand.u32 $0x4000, s31;
	s1 =	sadd.s32 s1, s30  }
0xba: {  	s0 =	sor.u32 s3, s0;
	s1 =	sshll.u32 s1, $0x11  }
0xbb: {  	s0 =	sor.u32 s1, s0  }
0xbc: {  	s0 =	sadd.s32 $0x8F2B, s0  }
0xbd: {  	[sflag:s0] =	ssyncadd.remote.s32 $0x1  }
0xbe: {  	_ =	sfence.sel $0xFFFF  }
0xbf: {  	[dreg:$0x0] =	wrdreg $0xFFFFFFFF;
	(pc) =	sbr.abs _section_cstart, $3  }
0xc0: {  	[dreg:$0x1] =	wrdreg $0xFFFFFFFF  }
0xc1: {  	_ =	task.clear_ibuf [dreg:s6], $0x2FFFF;
	_ =	strace $0x9FFFFFFF  }
0xc2: {  	(tm) =	ssettm $0x7FFFFFFF  }
0xc3: {  	_ =	shalt  }
tec
execute0_lowered:
.L_overlay_start_1:
0x0: {  	(tag) =	ssettag $0x1  }
0x1: {  	s8 =	rddreg [dreg:$0x0]  }
0x2: {  	s0 =	srdreg.scid;
	s15 =	stileid.u32  }
0x3: {  	s1 =	rddreg [dreg:$0x1];
	s2 =	simm.s32 $0x0;
	s14 =	simm.s32 $0x5000  }
0x4: {  	s18 =	simm.s32 $0x40;
	s19 =	simm.s32 $0x7800;
	s20 =	simm.s32 $0x9800  }
0x5: {  	s21 =	simm.s32 $0x1;
	s22 =	simm.s32 $0x2;
	s23 =	simm.s32 $0x27C0  }
0x6: {  	s24 =	simm.s32 $0x4F80;
	s25 =	simm.s32 $0x4FC0;
	s26 =	simm.s32 $0x0  }
0x7: {  	s5 =	sand.u32 $0x1, s0;
	s3 =	sshll.u32 s15, $0x1;
	s9 =	smul.u32 $0x13800, s15  }
0x8: {  	[smem:$0x7FF] =	sst s2;
	s11 =	smul.u32 $0x4E000, s15;
	s12 =	sadd.s32 $0x1C1200, s8  }
0x9: {  	s17 =	sadd.s32 $0x138000, s1;
	p0 =	sne.s32 s15, $0x0;
	s15 =	sshll.u32 s15, $0x6  }
0xa: {  	s3 =	sor.u32 s5, s3;
	_ =	strace $0x80000050;
	s28 =	ssub.s32 $0x2, s5  }
0xb: {  	s30 =	smul.u32 $0x138800, s5;
	s15 =	sor.u32 $0x1C03, s15;
	s17 =	sshrl.u32 @!p0 s17, $0x3  }
0xc: {  	s4 =	smul.u32 $0x500, s3;
	s3 =	sadd.s32 $0x3A600, s8;
	s7 =	sshrl.u32 s9, $0x3  }
0xd: {  	s10 =	sshrl.u32 s28, $0x1;
	s29 =	sshrl.u32 s11, $0x2;
	s7 =	sadd.s32 s7, s8  }
0xe: {  	s13 =	ssub.s32 s28, s10;
	s16 =	sadd.s32 s29, s1;
	s9 =	sadd.s32 s9, s30  }
0xf: {  	s31 =	sshrl.u32 s30, $0x3;
	s6 =	sadd.s32 s4, s8;
	s7 =	sadd.s32 $0x19A000, s7  }
0x10: {  	s9 =	sshrl.u32 s9, $0x3;
	s10 =	sadd.s32 s12, s31;
	s8 =	sadd.s32 $0x1C1000, s8  }
0x11: {  	s11 =	smax.u32 s13, $0x1;
	s13 =	simm.s32 $0x2800;
	s16 =	sshrl.u32 s16, $0x3  }
0x12: {  	s4 =	sadd.s32 $0x30600, s6;
	s5 =	sadd.s32 $0x2E00, s6;
	s6 =	sadd.s32 $0xFA00, s6  }
0x13: {  	s9 =	sadd.s32 s12, s9;
	s10 =	sadd.s32 $0x27000, s10;
	s12 =	simm.s32 $0x3  }
.LBB2_1:
0x14: {  	[tilespmem:s2], [sflag:$0x3] =	stream.linear.gather [hbm4b:s4+s2], $0x2800, $0x38;
	[tilespmem:$0x1F080] =	vst v63  }
0x15: {  	_ =	swait.ge [sflag:s12], $0x2800  }
0x16: {  	[sflag:s12] =	ssyncset.done $0x0  }
0x17: {  	[sflag:s12] =	ssyncadd.s32 $0xFFFFD800  }
0x18: {  	[tilespmem:s13], [sflag:$0x3] =	stream.linear.gather [hbm4b:s5+s2], $0x2800, $0x38;
	[tilespmem:$0x1F080] =	vst v63  }
0x19: {  	_ =	swait.ge [sflag:s12], $0x2800  }
0x1a: {  	[sflag:s12] =	ssyncset.done $0x0  }
0x1b: {  	[sflag:s12] =	ssyncadd.s32 $0xFFFFD800  }
0x1c: {  	[tilespmem:s14], [sflag:$0x3] =	stream.linear.gather [hbm4b:s6+s2], $0x2800, $0x38;
	[tilespmem:$0x1F080] =	vst v63  }
0x1d: {  	_ =	swait.ge [sflag:s12], $0x2800  }
0x1e: {  	[sflag:s12] =	ssyncset.done $0x0  }
0x1f: {  	[sflag:s12] =	ssyncadd.s32 $0xFFFFD800  }
0x20: {  	[spmem:s16], [sflag:s15] =	dma.local [hbm:s7], $0x2700  }
0x21: {  	_ =	swait.ge [sflag:s12], $0x2700  }
0x22: {  	[sflag:s12] =	ssyncset.done $0x0  }
0x23: {  	s28 =	simm.s32 @!p0 $0x3;
	[sflag:s12] =	ssyncadd.s32 $0xFFFFD900  }
0x24: {  	[spmem:s17], [sflag:s15] =	dma.local @!p0 [hbm:s8], $0x100  }
0x25: {  	_ =	swait.ge @!p0 [sflag:s28], $0x100  }
0x26: {  	[sflag:s28] =	ssyncset.done @!p0 $0x0  }
0x27: {  	[sflag:s28] =	ssyncadd.s32 @!p0 $0xFFFFFF00  }
0x28: {  	[bflag:$0x0] =	sbarrier.arrive $0xFFFF  }
0x29: {  	[tilespmem:s19], [sflag:$0x1] =	stream.indirect.gather [hbm4b:s3+s18], $0x80, s2, s18, $0xb8;
	[tilespmem:$0x1F080] =	vst v63  }
0x2a: {  	s28 =	simm.s32 $0x40  }
0x2b: {  	[tilespmem:s20], [sflag:$0x2] =	stream.indirect.gather [hbm4b:s3+s18], $0x80, s28, s18, $0xb8;
	[tilespmem:$0x1F080] =	vst v63  }
0x2c: {  	_ =	swait.ge [sflag:s21], $0x2000  }
0x2d: {  	[sflag:s21] =	ssyncset.done $0x0  }
0x2e: {  	s28 =	simm.s32 $0x2800;
	[sflag:s21] =	ssyncadd.s32 $0xFFFFE000  }
0x2f: {  	[spmem:s1] =	stream.indirect.scatter.add.f32 [tilespmem:s19], [sflag:$0x3], $0x80, s28, s18, $0xb8;
	[tilespmem:$0x1F080] =	vst v63  }
0x30: {  	_ =	swait.ge [sflag:s12], $0x2000  }
0x31: {  	[sflag:s12] =	ssyncset.done $0x0  }
0x32: {  	s28 =	simm.s32 $0x80;
	[sflag:s12] =	ssyncadd.s32 $0xFFFFE000  }
0x33: {  	[tilespmem:s19], [sflag:$0x1] =	stream.indirect.gather [hbm4b:s3+s18], $0x80, s28, s18, $0xb8;
	[tilespmem:$0x1F080] =	vst v63  }
0x34: {  	_ =	swait.ge [sflag:s22], $0x2000  }
0x35: {  	[sflag:s22] =	ssyncset.done $0x0  }
0x36: {  	s28 =	simm.s32 $0x2840;
	[sflag:s22] =	ssyncadd.s32 $0xFFFFE000  }
0x37: {  	[spmem:s1] =	stream.indirect.scatter.add.f32 [tilespmem:s20], [sflag:$0x3], $0x80, s28, s18, $0xb8;
	[tilespmem:$0x1F080] =	vst v63  }
0x38: {  	_ =	swait.ge [sflag:s12], $0x2000  }
0x39: {  	s29 =	simm.s32 $0x400;
	s28 =	simm.s32 $0x80;
	[sflag:s12] =	ssyncset.done $0x0  }
.LBB2_2:
0x3a: {  	s30 =	sadd.s32 $0x40, s28  }
0x3b: {  	[sflag:s12] =	ssyncadd.s32 $0xFFFFE000;
	s31 =	smov.u32 s29;
	s0 =	sadd.s32 $0x200, s29  }
0x3c: {  	[tilespmem:s20], [sflag:$0x2] =	stream.indirect.gather [hbm4b:s3+s18], $0x80, s30, s18, $0xb8;
	[tilespmem:$0x1F080] =	vst v63  }
0x3d: {  	p1 =	sne.s32 s29, $0x9C00;
	_ =	swait.ge [sflag:s21], $0x2000  }
0x3e: {  	[sflag:s21] =	ssyncset.done $0x0  }
0x3f: {  	s29 =	sadd.s32 $0x2800, s28;
	[sflag:s21] =	ssyncadd.s32 $0xFFFFE000  }
0x40: {  	[spmem:s1] =	stream.indirect.scatter.add.f32 [tilespmem:s19], [sflag:$0x3], $0x80, s29, s18, $0xb8;
	[tilespmem:$0x1F080] =	vst v63  }
0x41: {  	_ =	swait.ge [sflag:s12], $0x2000  }
0x42: {  	[sflag:s12] =	ssyncset.done $0x0  }
0x43: {  	s29 =	sadd.s32 $0x80, s28;
	[sflag:s12] =	ssyncadd.s32 $0xFFFFE000  }
0x44: {  	[tilespmem:s19], [sflag:$0x1] =	stream.indirect.gather [hbm4b:s3+s18], $0x80, s29, s18, $0xb8;
	[tilespmem:$0x1F080] =	vst v63  }
0x45: {  	_ =	swait.ge [sflag:s22], $0x2000  }
.Ltmp0:
0x46: {  	[sflag:s22] =	ssyncset.done $0x0;
	(pc) =	sbr.rel @p1 .LBB2_2-.Ltmp0, $4  }
0x47: {  	s28 =	sadd.s32 $0x2840, s28;
	[sflag:s22] =	ssyncadd.s32 $0xFFFFE000  }
0x48: {  	[spmem:s1] =	stream.indirect.scatter.add.f32 [tilespmem:s20], [sflag:$0x3], $0x80, s28, s18, $0xb8;
	[tilespmem:$0x1F080] =	vst v63  }
0x49: {  	_ =	swait.ge [sflag:s12], $0x2000  }
0x4a: {  	s29 =	smov.u32 s0;
	s28 =	sshra.s32 s31, $0x2;
	[sflag:s12] =	ssyncset.done $0x0  }
0x4b: {  	s0 =	sadd.s32 $0x40, s28;
	[sflag:s12] =	ssyncadd.s32 $0xFFFFE000  }
0x4c: {  	[tilespmem:s20], [sflag:$0x2] =	stream.indirect.gather [hbm4b:s3+s18], $0x80, s0, s18, $0xb8;
	[tilespmem:$0x1F080] =	vst v63  }
0x4d: {  	_ =	swait.ge [sflag:s21], $0x2000  }
0x4e: {  	[sflag:s21] =	ssyncset.done $0x0  }
0x4f: {  	s29 =	sadd.s32 $0x2800, s28;
	[sflag:s21] =	ssyncadd.s32 $0xFFFFE000  }
0x50: {  	[spmem:s1] =	stream.indirect.scatter.add.f32 [tilespmem:s19], [sflag:$0x3], $0x80, s29, s18, $0xb8;
	[tilespmem:$0x1F080] =	vst v63  }
0x51: {  	_ =	swait.ge [sflag:s12], $0x2000  }
0x52: {  	[sflag:s12] =	ssyncset.done $0x0  }
0x53: {  	s30 =	sadd.s32 $0x80, s28;
	[sflag:s12] =	ssyncadd.s32 $0xFFFFE000  }
0x54: {  	[tilespmem:s19], [sflag:$0x1] =	stream.indirect.gather [hbm4b:s3+s18], $0x80, s30, s18, $0xb8;
	[tilespmem:$0x1F080] =	vst v63  }
0x55: {  	_ =	swait.ge [sflag:s22], $0x2000  }
0x56: {  	[sflag:s22] =	ssyncset.done $0x0  }
0x57: {  	s31 =	sadd.s32 $0x2840, s28;
	[sflag:s22] =	ssyncadd.s32 $0xFFFFE000  }
0x58: {  	[spmem:s1] =	stream.indirect.scatter.add.f32 [tilespmem:s20], [sflag:$0x3], $0x80, s31, s18, $0xb8;
	[tilespmem:$0x1F080] =	vst v63  }
0x59: {  	_ =	swait.ge [sflag:s12], $0x2000  }
0x5a: {  	[sflag:s12] =	ssyncset.done $0x0  }
0x5b: {  	[sflag:s12] =	ssyncadd.s32 $0xFFFFE000  }
0x5c: {  	[tilespmem:s20], [sflag:$0x2] =	stream.indirect.gather [hbm4b:s3+s18], $0x80, s23, s18, $0xb8;
	[tilespmem:$0x1F080] =	vst v63  }
0x5d: {  	_ =	swait.ge [sflag:s21], $0x2000  }
0x5e: {  	[sflag:s21] =	ssyncset.done $0x0  }
0x5f: {  	[sflag:s21] =	ssyncadd.s32 $0xFFFFE000  }
0x60: {  	[spmem:s1] =	stream.indirect.scatter.add.f32 [tilespmem:s19], [sflag:$0x3], $0x80, s24, s18, $0xb8;
	[tilespmem:$0x1F080] =	vst v63  }
0x61: {  	_ =	swait.ge [sflag:s12], $0x2000  }
0x62: {  	[sflag:s12] =	ssyncset.done $0x0  }
0x63: {  	[sflag:s12] =	ssyncadd.s32 $0xFFFFE000  }
0x64: {  	[tilespmem:s19], [sflag:$0x1] =	stream.indirect.gather [hbm4b:s3+s18], $0x80, s23, s18, $0xb8;
	[tilespmem:$0x1F080] =	vst v63  }
0x65: {  	_ =	swait.ge [sflag:s22], $0x2000  }
0x66: {  	[sflag:s22] =	ssyncset.done $0x0  }
0x67: {  	[sflag:s22] =	ssyncadd.s32 $0xFFFFE000  }
0x68: {  	[spmem:s1] =	stream.indirect.scatter.add.f32 [tilespmem:s20], [sflag:$0x3], $0x80, s25, s18, $0xb8;
	[tilespmem:$0x1F080] =	vst v63  }
0x69: {  	_ =	swait.ge [sflag:s12], $0x2000  }
0x6a: {  	[sflag:s12] =	ssyncset.done $0x0  }
0x6b: {  	[sflag:s12] =	ssyncadd.s32 $0xFFFFE000  }
0x6c: {  	_ =	swait.ge [sflag:s21], $0x2000  }
0x6d: {  	[sflag:s21] =	ssyncset.done $0x0  }
0x6e: {  	[sflag:s21] =	ssyncadd.s32 $0xFFFFE000  }
0x6f: {  	[bflag:$0x0] =	sbarrier.arrive $0xFFFF  }
0x70: {  	[hbm:s9], [sflag:s15] =	dma.local [spmem:s16], $0x2700  }
0x71: {  	s26 =	sadd.s32 $0x1, s26;
	_ =	swait.ge [sflag:s12], $0x2700  }
0x72: {  	p1 =	sne.s32 s26, s11;
	[sflag:s12] =	ssyncset.done $0x0  }
.Ltmp1:
0x73: {  	s0 =	simm.s32 @!p0 $0x3;
	[sflag:s12] =	ssyncadd.s32 $0xFFFFD900;
	(pc) =	sbr.rel @p1 .LBB2_1-.Ltmp1, $4  }
0x74: {  	[hbm:s10], [sflag:s15] =	dma.local @!p0 [spmem:s17], $0x100  }
0x75: {  	_ =	swait.ge @!p0 [sflag:s0], $0x100  }
0x76: {  	[sflag:s0] =	ssyncset.done @!p0 $0x0  }
0x77: {  	[sflag:s0] =	ssyncadd.s32 @!p0 $0xFFFFFF00  }
0x78: {  	_ =	sfence.sel $0x180000  }
0x79: {  	[bflag:$0x0] =	sbarrier.arrive $0xFFFF  }
0x7a: {  	_ =	strace $0x90000050  }
0x7b: {  	[bflag:$0x2] =	sbarrier.arrive $0xFFFF  }
0x7c: {  	s0 =	rddreg [dreg:$0x2]  }
0x7d: {  	s0 =	sadd.s32 @!p0 $0x100000, s0  }
0x7e: {  	[sflag:s0] =	ssyncadd.tile.s32 @!p0 $0x1;
	_ =	shalt  }
.Lfunc_end2:
_tile_overlayer_lowered:
.L_overlay_start_2:
0x7f: {  	(tag) =	ssettag $0x2  }
0x80: {  	s0 =	rddreg [dreg:$0x0];
	s2 =	stileid.u32  }
0x81: {  	s1 =	rddreg [dreg:$0x1];
	p0 =	sne.s32 s2, $0x0  }
0x82: {  	s3 =	rddreg [dreg:$0x2];
	[bflag:$0x3] =	sbarrier.arrive $0xFFFF;
	s2 =	simm.s32 @!p0 $0x1C03  }
0x83: {  	[timem:s3], [sflag:s2] =	dma.local @!p0 [hbm:s0], s1  }
0x84: {  	s0 =	simm.s32 @!p0 $0x3  }
0x85: {  	_ =	swait.ge @!p0 [sflag:s0], s1  }
0x86: {  	s1 =	ssub.s32 @!p0 $0x0, s1;
	[sflag:s0] =	ssyncset.done @!p0 $0x0  }
0x87: {  	[sflag:s0] =	ssyncadd.s32 @!p0 s1  }
0x88: {  	[bflag:$0x3] =	sbarrier.arrive $0xFFFF  }
0x89: {  	_ =	shalt  }

</sc_bundles>
